<compile_context>
chip_gen: v7x
topology: tpu7x:2x2x1
jax: 0.10.2.dev20260603
libtpu: 0.0.44.dev20260713+nightly
codegen_flags: <defaults>
</compile_context>

<pallas_src>
import functools

import jax
import jax.numpy as jnp
from jax import lax
from jax.experimental import pallas as pl
from jax.experimental.pallas import tpu as pltpu
from jax.experimental.pallas import tpu_sc as plsc

N = 10000
E = 640000
E2 = 65536
D_EDGE = 768

NPAD = 10240
CH = 128
NW = 32
EPW = 20480
EPAD = NW * EPW
NCHUNK = EPW // CH
E2PW = E2 // NW
NCHUNK2 = E2PW // CH

_MESH = plsc.VectorSubcoreMesh(core_axis_name="c", subcore_axis_name="s")


def _wid():
    return lax.axis_index("s") * 2 + lax.axis_index("c")


NB = 4
NGRP = NCHUNK // NB


def _sc_pass1_body(src2d_hbm, dst2d_hbm, xpad_hbm, ones_hbm, zeros1_hbm,
                   s_out, deg_out,
                   sidx_all, didx_all, xv0, xv1, xv2, xv3, ones_v,
                   x_sh, s_sh, deg_sh,
                   g0, g1, g2, g3, sem_s):
    c = lax.axis_index("c")
    sid = lax.axis_index("s")
    wid = _wid()
    xvs = (xv0, xv1, xv2, xv3)
    gsems = (g0, g1, g2, g3)

    @pl.when(sid == 0)
    def _init():
        pltpu.sync_copy(zeros1_hbm, s_sh)
        pltpu.sync_copy(zeros1_hbm, deg_sh)
        pltpu.sync_copy(xpad_hbm, x_sh)

    pltpu.sync_copy(ones_hbm, ones_v)
    row0 = wid * NCHUNK
    pltpu.sync_copy(src2d_hbm.at[pl.ds(row0, NCHUNK)], sidx_all)
    pltpu.sync_copy(dst2d_hbm.at[pl.ds(row0, NCHUNK)], didx_all)
    plsc.subcore_barrier()

    def group(gi, carry):
        ci = gi * NB
        descs = []
        for b in range(NB):
            descs.append(pltpu.async_copy(
                x_sh.at[sidx_all.at[ci + b]], xvs[b], gsems[b]))
        sdescs = []
        for b in range(NB):
            descs[b].wait()
            sdescs.append(pltpu.async_copy(
                xvs[b], s_sh.at[didx_all.at[ci + b]], sem_s, add=True))
            sdescs.append(pltpu.async_copy(
                ones_v, deg_sh.at[didx_all.at[ci + b]], sem_s, add=True))
        for d in sdescs:
            d.wait()
        return carry

    lax.fori_loop(0, NGRP, group, 0)
    plsc.subcore_barrier()

    @pl.when(sid == 0)
    def _dump():
        pltpu.sync_copy(s_sh, s_out.at[c])
        pltpu.sync_copy(deg_sh, deg_out.at[c])


def _sc_pass1(src2d, dst2d, xpad, ones_v, zeros1):
    f = pl.kernel(
        _sc_pass1_body,
        out_type=(jax.ShapeDtypeStruct((2, NPAD), jnp.float32),
                  jax.ShapeDtypeStruct((2, NPAD), jnp.float32)),
        mesh=_MESH,
        scratch_types=[
            pltpu.VMEM((NCHUNK, CH), jnp.int32),
            pltpu.VMEM((NCHUNK, CH), jnp.int32),
            pltpu.VMEM((CH,), jnp.float32),
            pltpu.VMEM((CH,), jnp.float32),
            pltpu.VMEM((CH,), jnp.float32),
            pltpu.VMEM((CH,), jnp.float32),
            pltpu.VMEM((CH,), jnp.float32),
            pltpu.VMEM_SHARED((NPAD,), jnp.float32),
            pltpu.VMEM_SHARED((NPAD,), jnp.float32),
            pltpu.VMEM_SHARED((NPAD,), jnp.float32),
            pltpu.SemaphoreType.DMA,
            pltpu.SemaphoreType.DMA,
            pltpu.SemaphoreType.DMA,
            pltpu.SemaphoreType.DMA,
            pltpu.SemaphoreType.DMA,
        ],
    )
    return f(src2d, dst2d, xpad, ones_v, zeros1)


IB = 16
NIB = NCHUNK // IB


NB2 = 2


def _sc_pass2_body(src2d_hbm, dst2d_hbm, gpad_hbm, zeros128_hbm,
                   a2_out,
                   sidx_blk, didx_blk, r0, r1,
                   a2_sh,
                   g0, g1, sem_s):
    c = lax.axis_index("c")
    sid = lax.axis_index("s")
    wid = _wid()
    rows = (r0, r1)
    gsems = (g0, g1)

    @pl.when(sid == 0)
    def _init():
        pltpu.sync_copy(zeros128_hbm, a2_sh)

    row0 = wid * NCHUNK
    plsc.subcore_barrier()

    def block(bi, carry):
        brow = pl.multiple_of(row0 + bi * IB, 8)
        pltpu.sync_copy(src2d_hbm.at[pl.ds(brow, IB)], sidx_blk)
        pltpu.sync_copy(dst2d_hbm.at[pl.ds(brow, IB)], didx_blk)

        def group(gi, carry2):
            ci = gi * NB2
            descs = []
            for b in range(NB2):
                descs.append(pltpu.async_copy(
                    gpad_hbm.at[sidx_blk.at[ci + b]], rows[b], gsems[b]))
            sdescs = []
            for b in range(NB2):
                descs[b].wait()
                sdescs.append(pltpu.async_copy(
                    rows[b], a2_sh.at[didx_blk.at[ci + b]], sem_s, add=True))
            for d in sdescs:
                d.wait()
            return carry2

        lax.fori_loop(0, IB // NB2, group, 0)
        return carry

    lax.fori_loop(0, NIB, block, 0)
    plsc.subcore_barrier()

    @pl.when(sid == 0)
    def _dump():
        pltpu.sync_copy(a2_sh, a2_out.at[c])


def _sc_pass2(src2d, dst2d, gpad, zeros128):
    f = pl.kernel(
        _sc_pass2_body,
        out_type=jax.ShapeDtypeStruct((2, NPAD, 128), jnp.float32),
        mesh=_MESH,
        scratch_types=[
            pltpu.VMEM((IB, CH), jnp.int32),
            pltpu.VMEM((IB, CH), jnp.int32),
            pltpu.VMEM((CH, 128), jnp.float32),
            pltpu.VMEM((CH, 128), jnp.float32),
            pltpu.VMEM_SHARED((NPAD, 128), jnp.float32),
            pltpu.SemaphoreType.DMA,
            pltpu.SemaphoreType.DMA,
            pltpu.SemaphoreType.DMA,
        ],
    )
    return f(src2d, dst2d, gpad, zeros128)


def _mul_rows(za, zb, ub):
    def row(r, carry):
        for k in range(8):
            sl = pl.ds(16 * k, 16)
            ub[r, sl] = za[r, sl] * zb[r, sl]
        return carry

    lax.fori_loop(0, CH, row, 0)


def _sc_pass3_body(ei0_2d_hbm, ei1_2d_hbm, z_hbm, u_out,
                   aidx_all, bidx_all, za0, za1, zb0, zb1, ub0, ub1,
                   g0, g1, g2, g3, sem_w):
    wid = _wid()
    zas = (za0, za1)
    zbs = (zb0, zb1)
    ubs = (ub0, ub1)
    row0 = wid * NCHUNK2
    pltpu.sync_copy(ei0_2d_hbm.at[pl.ds(row0, NCHUNK2)], aidx_all)
    pltpu.sync_copy(ei1_2d_hbm.at[pl.ds(row0, NCHUNK2)], bidx_all)

    def group(gi, carry):
        ci = gi * 2
        descs = []
        for b in range(2):
            descs.append(pltpu.async_copy(
                z_hbm.at[aidx_all.at[ci + b]], zas[b], (g0, g1)[b]))
            descs.append(pltpu.async_copy(
                z_hbm.at[bidx_all.at[ci + b]], zbs[b], (g2, g3)[b]))
        wdescs = []
        for b in range(2):
            e0 = pl.multiple_of((row0 + ci + b) * CH, 8)
            descs[2 * b].wait()
            descs[2 * b + 1].wait()
            _mul_rows(zas[b], zbs[b], ubs[b])
            wdescs.append(pltpu.async_copy(
                ubs[b], u_out.at[pl.ds(e0, CH)], sem_w))
        for d in wdescs:
            d.wait()
        return carry

    lax.fori_loop(0, NCHUNK2 // 2, group, 0)


def _sc_pass3(ei0_2d, ei1_2d, zpad):
    f = pl.kernel(
        _sc_pass3_body,
        out_type=jax.ShapeDtypeStruct((E2, 128), jnp.float32),
        mesh=_MESH,
        scratch_types=[
            pltpu.VMEM((NCHUNK2, CH), jnp.int32),
            pltpu.VMEM((NCHUNK2, CH), jnp.int32),
            pltpu.VMEM((CH, 128), jnp.float32),
            pltpu.VMEM((CH, 128), jnp.float32),
            pltpu.VMEM((CH, 128), jnp.float32),
            pltpu.VMEM((CH, 128), jnp.float32),
            pltpu.VMEM((CH, 128), jnp.float32),
            pltpu.VMEM((CH, 128), jnp.float32),
            pltpu.SemaphoreType.DMA,
            pltpu.SemaphoreType.DMA,
            pltpu.SemaphoreType.DMA,
            pltpu.SemaphoreType.DMA,
            pltpu.SemaphoreType.DMA,
        ],
    )
    return f(ei0_2d, ei1_2d, zpad)


def _tc1_body(x_ref, scols_ref, degcols_ref, w1_ref, r1_ref, b1_ref,
              w2_ref, r2_ref, g_ref, hr_ref):
    s = scols_ref[:, 0:1] + scols_ref[:, 1:2]
    deg = jnp.maximum(degcols_ref[:, 0:1] + degcols_ref[:, 1:2], 1.0)
    sbar = s / deg
    h = jnp.maximum(sbar * w1_ref[...] + x_ref[...] * r1_ref[...] + b1_ref[...], 0.0)
    g_ref[...] = jnp.dot(h, w2_ref[...], preferred_element_type=jnp.float32)
    hr_ref[...] = jnp.dot(h, r2_ref[...], preferred_element_type=jnp.float32)


def _tc_stage1(x, scols, degcols, W1, root1, b1, W2pad, root2):
    return pl.pallas_call(
        _tc1_body,
        out_shape=(jax.ShapeDtypeStruct((NPAD, 128), jnp.float32),
                   jax.ShapeDtypeStruct((NPAD, 64), jnp.float32)),
    )(x, scols, degcols, W1, root1, b1, W2pad, root2)


def _tc2_body(a2_ref, degcols_ref, hr_ref, b2_ref, z_ref):
    deg = jnp.maximum(degcols_ref[:, 0:1] + degcols_ref[:, 1:2], 1.0)
    mean = (a2_ref[0, :, :64] + a2_ref[1, :, :64]) / deg
    z = jnp.maximum(mean + hr_ref[...] + b2_ref[...], 0.0)
    z_ref[...] = jnp.concatenate([z, jnp.zeros_like(z)], axis=1)


def _tc_stage2(a2, degcols, hr, b2):
    return pl.pallas_call(
        _tc2_body,
        out_shape=jax.ShapeDtypeStruct((NPAD, 128), jnp.float32),
    )(a2, degcols, hr, b2)


def _tcp_body(ea_ref, w1b_ref, bl1_ref, p_ref):
    p_ref[...] = jnp.dot(ea_ref[...], w1b_ref[...],
                         preferred_element_type=jnp.float32) + bl1_ref[...]


def _tc_edge_proj(ea, Wl1b, bl1):
    R = 2048
    return pl.pallas_call(
        _tcp_body,
        grid=(E2 // R,),
        in_specs=[
            pl.BlockSpec((R, D_EDGE), lambda i: (i, 0)),
            pl.BlockSpec((D_EDGE, 128), lambda i: (0, 0)),
            pl.BlockSpec((1, 128), lambda i: (0, 0)),
        ],
        out_specs=pl.BlockSpec((R, 128), lambda i: (i, 0)),
        out_shape=jax.ShapeDtypeStruct((E2, 128), jnp.float32),
    )(ea, Wl1b, bl1)


def _tc3_body(u_ref, p_ref, w1a_ref, wl2_ref, bl2_ref, out_ref):
    hid = jnp.dot(u_ref[...], w1a_ref[...], preferred_element_type=jnp.float32)
    hid = jnp.maximum(hid + p_ref[...], 0.0)
    lg = jnp.dot(hid, wl2_ref[...], preferred_element_type=jnp.float32) + bl2_ref[...]
    m = jnp.max(lg, axis=1, keepdims=True)
    p = jnp.exp(lg - m)
    out_ref[...] = p / jnp.sum(p, axis=1, keepdims=True)


def _tc_decode(u, pmat, Wl1a, Wl2, bl2):
    R = 2048
    return pl.pallas_call(
        _tc3_body,
        grid=(E2 // R,),
        in_specs=[
            pl.BlockSpec((R, 128), lambda i: (i, 0)),
            pl.BlockSpec((R, 128), lambda i: (i, 0)),
            pl.BlockSpec((128, 128), lambda i: (0, 0)),
            pl.BlockSpec((128, 5), lambda i: (0, 0)),
            pl.BlockSpec((1, 5), lambda i: (0, 0)),
        ],
        out_specs=pl.BlockSpec((R, 5), lambda i: (i, 0)),
        out_shape=jax.ShapeDtypeStruct((E2, 5), jnp.float32),
    )(u, pmat, Wl1a, Wl2, bl2)


def kernel(x, train_edge_index, edge_index, edge_attr,
           W1, root1, b1, W2, root2, b2, Wl1, bl1, Wl2, bl2):
    f32 = jnp.float32

    pad = N + (jnp.arange(EPAD - E, dtype=jnp.int32) % (NPAD - N))
    src = jnp.concatenate([train_edge_index[0], pad]).reshape(EPAD // CH, CH)
    dst = jnp.concatenate([train_edge_index[1], pad]).reshape(EPAD // CH, CH)

    xpad = jnp.zeros((NPAD,), f32).at[:N].set(x[:, 0])
    ones_v = jnp.ones((CH,), f32)
    zeros1 = jnp.zeros((NPAD,), f32)
    zeros128 = jnp.zeros((NPAD, 128), f32)

    pmat = _tc_edge_proj(edge_attr, Wl1[64:], bl1.reshape(1, 128))

    s2, deg2 = _sc_pass1(src, dst, xpad, ones_v, zeros1)
    scols = s2.T
    degcols = deg2.T

    W2pad = jnp.concatenate([W2, jnp.zeros((128, 64), f32)], axis=1)
    gpad, hr = _tc_stage1(xpad.reshape(NPAD, 1), scols, degcols, W1, root1,
                          b1.reshape(1, 128), W2pad, root2)

    a2 = _sc_pass2(src, dst, gpad, zeros128)
    zpad = _tc_stage2(a2, degcols, hr, b2.reshape(1, 64))

    u = _sc_pass3(edge_index[0].reshape(E2 // CH, CH),
                  edge_index[1].reshape(E2 // CH, CH), zpad)

    Wl1a = jnp.concatenate([Wl1[:64], jnp.zeros((64, 128), f32)], axis=0)
    return _tc_decode(u, pmat, Wl1a, Wl2, bl2.reshape(1, 5))

# --- scband reference (transcript-rebuilt; emitter-appended) ---
"""Pipeline reference for scband-rgcnjoint-representation-88467736363756 (READ-ONLY COPY).

The authoritative reference and input builder live on the scoring server;
editing this copy changes nothing except your own understanding.
"""

import jax, jax.numpy as jnp
import numpy as np

N = 10000
E = 640000
E2 = 65536
D_EDGE = 768


def setup_inputs(seed: int = 0) -> dict:
    key = jax.random.key(seed)
    ks = jax.random.split(key, 12)
    x = jax.random.normal(ks[0], (N, 1), dtype=jnp.float32)
    train_edge_index = jax.random.randint(ks[1], (2, E), 0, N, dtype=jnp.int32)
    edge_index = jax.random.randint(ks[2], (2, E2), 0, N, dtype=jnp.int32)
    edge_attr = jax.random.normal(ks[3], (E2, D_EDGE), dtype=jnp.float32)
    W1 = jax.random.normal(ks[4], (1, 128), dtype=jnp.float32)
    root1 = jax.random.normal(ks[5], (1, 128), dtype=jnp.float32)
    b1 = jnp.zeros((128,), dtype=jnp.float32)
    W2 = jax.random.normal(ks[6], (128, 64), dtype=jnp.float32) * (1.0 / np.sqrt(128.0))
    root2 = jax.random.normal(ks[7], (128, 64), dtype=jnp.float32) * (1.0 / np.sqrt(128.0))
    b2 = jnp.zeros((64,), dtype=jnp.float32)
    Wl1 = jax.random.normal(ks[8], (64 + D_EDGE, 128), dtype=jnp.float32) * (1.0 / np.sqrt(64.0 + D_EDGE))
    bl1 = jnp.zeros((128,), dtype=jnp.float32)
    Wl2 = jax.random.normal(ks[9], (128, 5), dtype=jnp.float32) * (1.0 / np.sqrt(128.0))
    bl2 = jnp.zeros((5,), dtype=jnp.float32)
    return {"x": x, "train_edge_index": train_edge_index, "edge_index": edge_index,
            "edge_attr": edge_attr, "W1": W1, "root1": root1, "b1": b1,
            "W2": W2, "root2": root2, "b2": b2,
            "Wl1": Wl1, "bl1": bl1, "Wl2": Wl2, "bl2": bl2}


def _rgcn(h, ei, W, root, b, n_nodes):
    # RGCNConv with num_relations=1, mean aggregation + root weight + bias
    src = ei[0]
    dst = ei[1]
    msg = h[src] @ W                                   # gather + per-edge transform
    agg = jax.ops.segment_sum(msg, dst, num_segments=n_nodes)   # scatter-add
    deg = jax.ops.segment_sum(jnp.ones((ei.shape[1],), dtype=h.dtype), dst, num_segments=n_nodes)
    return agg / jnp.maximum(deg, 1.0)[:, None] + h @ root + b


def reference(x, train_edge_index, edge_index, edge_attr,
              W1, root1, b1, W2, root2, b2, Wl1, bl1, Wl2, bl2):
    n = x.shape[0]
    # encode: two RGCN layers with relu
    h = jax.nn.relu(_rgcn(x, train_edge_index, W1, root1, b1, n))
    z = jax.nn.relu(_rgcn(h, train_edge_index, W2, root2, b2, n))
    # decode: elementwise product of endpoint embeddings joined with edge features
    node_rep = z[edge_index[0]] * z[edge_index[1]]
    joint = jnp.concatenate([node_rep, edge_attr], axis=-1)
    hid = jax.nn.relu(joint @ Wl1 + bl1)
    logits = hid @ Wl2 + bl2
    return jax.nn.softmax(logits, axis=-1)

if __name__ == "__main__":
    import jax
    _d = setup_inputs()
    print(jax.jit(kernel)(*tuple(_d.values())))

</pallas_src>

<mosaic_0001>
#map = affine_map<(d0, d1) -> (0, 0)>
module attributes {stable_mosaic.version = 14 : i64} {
  func.func @_sc_pass3_body(%arg0: i32, %arg1: i32, %arg2: memref<512x128xi32, #tpu.memory_space<hbm>>, %arg3: memref<512x128xi32, #tpu.memory_space<hbm>>, %arg4: memref<10240x128xf32, #tpu.memory_space<hbm>>, %arg5: memref<65536x128xf32, #tpu.memory_space<hbm>>, %arg6: memref<16x128xi32, #tpu.memory_space<vmem>>, %arg7: memref<16x128xi32, #tpu.memory_space<vmem>>, %arg8: memref<128x128xf32, #tpu.memory_space<vmem>>, %arg9: memref<128x128xf32, #tpu.memory_space<vmem>>, %arg10: memref<128x128xf32, #tpu.memory_space<vmem>>, %arg11: memref<128x128xf32, #tpu.memory_space<vmem>>, %arg12: memref<128x128xf32, #tpu.memory_space<vmem>>, %arg13: memref<128x128xf32, #tpu.memory_space<vmem>>, %arg14: memref<!tpu.dma_semaphore, #tpu.memory_space<semaphore_mem>>, %arg15: memref<!tpu.dma_semaphore, #tpu.memory_space<semaphore_mem>>, %arg16: memref<!tpu.dma_semaphore, #tpu.memory_space<semaphore_mem>>, %arg17: memref<!tpu.dma_semaphore, #tpu.memory_space<semaphore_mem>>, %arg18: memref<!tpu.dma_semaphore, #tpu.memory_space<semaphore_mem>>) attributes {dimension_semantics = [#tpu.dimension_semantics<core_parallel>, #tpu.dimension_semantics<subcore_parallel>], iteration_bounds = array<i64: 2, 16>, scalar_prefetch = 0 : i64, scratch_operands = 13 : i64, tpu.core_type = #tpu.core_type<sc_vector_subcore>, window_params = [{transform_indices = #map}, {transform_indices = #map}, {transform_indices = #map}, {transform_indices = #map}]} {
    %mul3A = arith.constant 2 : i32
    %mul3A_0 = arith.muli %arg1, %mul3A : i32
    %add3A = arith.addi %mul3A_0, %arg0 : i32
    %mul3A_1 = arith.constant 16 : i32
    %mul3A_2 = arith.muli %add3A, %mul3A_1 : i32
    "tpu.region"() ({
      %run_scoped3A = tpu.sem_alloc : memref<!tpu.dma_semaphore, #tpu.memory_space<semaphore_mem>>
      %dma_start3A = arith.constant 0 : i32
      %dma_start3A_8 = tpu.memref_slice %arg2[%mul3A_2, %dma_start3A] : memref<512x128xi32, #tpu.memory_space<hbm>> -> memref<16x128xi32, #tpu.memory_space<hbm>>
      %dma_start3A_9 = arith.constant 0 : i32
      %dma_start3A_10 = tpu.memref_slice %arg2[%mul3A_2, %dma_start3A_9] : memref<512x128xi32, #tpu.memory_space<hbm>> -> memref<16x128xi32, #tpu.memory_space<hbm>>
      tpu.enqueue_dma source(%dma_start3A_10 : memref<16x128xi32, #tpu.memory_space<hbm>>) target(%arg6 : memref<16x128xi32, #tpu.memory_space<vmem>>) target_semaphore(%run_scoped3A : memref<!tpu.dma_semaphore, #tpu.memory_space<semaphore_mem>>)
      %dma_wait3A = arith.constant 0 : i32
      %dma_wait3A_11 = tpu.memref_slice %arg2[%mul3A_2, %dma_wait3A] : memref<512x128xi32, #tpu.memory_space<hbm>> -> memref<16x128xi32, #tpu.memory_space<hbm>>
      %dma_wait3A_12 = arith.constant 0 : i32
      %dma_wait3A_13 = tpu.memref_slice %arg2[%mul3A_2, %dma_wait3A_12] : memref<512x128xi32, #tpu.memory_space<hbm>> -> memref<16x128xi32, #tpu.memory_space<hbm>>
      tpu.wait_dma2 semaphore(%run_scoped3A : memref<!tpu.dma_semaphore, #tpu.memory_space<semaphore_mem>>) src(%dma_wait3A_13 : memref<16x128xi32, #tpu.memory_space<hbm>>) dst(%arg6 : memref<16x128xi32, #tpu.memory_space<vmem>>)
      tpu.yield
    }) : () -> ()
    "tpu.region"() ({
      %run_scoped3A = tpu.sem_alloc : memref<!tpu.dma_semaphore, #tpu.memory_space<semaphore_mem>>
      %dma_start3A = arith.constant 0 : i32
      %dma_start3A_8 = tpu.memref_slice %arg3[%mul3A_2, %dma_start3A] : memref<512x128xi32, #tpu.memory_space<hbm>> -> memref<16x128xi32, #tpu.memory_space<hbm>>
      %dma_start3A_9 = arith.constant 0 : i32
      %dma_start3A_10 = tpu.memref_slice %arg3[%mul3A_2, %dma_start3A_9] : memref<512x128xi32, #tpu.memory_space<hbm>> -> memref<16x128xi32, #tpu.memory_space<hbm>>
      tpu.enqueue_dma source(%dma_start3A_10 : memref<16x128xi32, #tpu.memory_space<hbm>>) target(%arg7 : memref<16x128xi32, #tpu.memory_space<vmem>>) target_semaphore(%run_scoped3A : memref<!tpu.dma_semaphore, #tpu.memory_space<semaphore_mem>>)
      %dma_wait3A = arith.constant 0 : i32
      %dma_wait3A_11 = tpu.memref_slice %arg3[%mul3A_2, %dma_wait3A] : memref<512x128xi32, #tpu.memory_space<hbm>> -> memref<16x128xi32, #tpu.memory_space<hbm>>
      %dma_wait3A_12 = arith.constant 0 : i32
      %dma_wait3A_13 = tpu.memref_slice %arg3[%mul3A_2, %dma_wait3A_12] : memref<512x128xi32, #tpu.memory_space<hbm>> -> memref<16x128xi32, #tpu.memory_space<hbm>>
      tpu.wait_dma2 semaphore(%run_scoped3A : memref<!tpu.dma_semaphore, #tpu.memory_space<semaphore_mem>>) src(%dma_wait3A_13 : memref<16x128xi32, #tpu.memory_space<hbm>>) dst(%arg7 : memref<16x128xi32, #tpu.memory_space<vmem>>)
      tpu.yield
    }) : () -> ()
    %scan3A = arith.constant 0 : i32
    %scan3A_3 = arith.constant 0 : i32
    %scan3A_4 = arith.constant 8 : i32
    %scan3A_5 = arith.addi %scan3A_3, %scan3A_4 : i32
    %scan3A_6 = arith.constant 1 : i32
    scf.for %scan3A_8 = %scan3A_3 to %scan3A_5 step %scan3A_6  : i32 {
      %mul3A_9 = arith.constant 2 : i32
      %mul3A_10 = arith.muli %scan3A_8, %mul3A_9 : i32
      %add3A_11 = arith.constant 0 : i32
      %add3A_12 = arith.addi %mul3A_10, %add3A_11 : i32
      %dma_start3A = arith.constant 0 : i32
      %dma_start3A_13 = tpu.memref_slice %arg6[%add3A_12, %dma_start3A] : memref<16x128xi32, #tpu.memory_space<vmem>> -> memref<1x128xi32, #tpu.memory_space<vmem>>
      %dma_start3A_14 = tpu.memref_squeeze %dma_start3A_13 : memref<1x128xi32, #tpu.memory_space<vmem>> -> memref<128xi32, #tpu.memory_space<vmem>>
      %dma_start3A_15 = arith.constant 0 : i32
      %dma_start3A_16 = arith.constant 0 : i32
      %dma_start3A_17 = tpu.memref_slice %arg4[%dma_start3A_15, %dma_start3A_16] : memref<10240x128xf32, #tpu.memory_space<hbm>> -> memref<10240x128xf32, #tpu.memory_space<hbm>>
      tpu.enqueue_indirect_dma source(%dma_start3A_17 : memref<10240x128xf32, #tpu.memory_space<hbm>>) target(%arg8 : memref<128x128xf32, #tpu.memory_space<vmem>>) offsets(%dma_start3A_14 : memref<128xi32, #tpu.memory_space<vmem>>) semaphore(%arg14 : memref<!tpu.dma_semaphore, #tpu.memory_space<semaphore_mem>>)
      %add3A_18 = arith.constant 0 : i32
      %add3A_19 = arith.addi %mul3A_10, %add3A_18 : i32
      %dma_start3A_20 = arith.constant 0 : i32
      %dma_start3A_21 = tpu.memref_slice %arg7[%add3A_19, %dma_start3A_20] : memref<16x128xi32, #tpu.memory_space<vmem>> -> memref<1x128xi32, #tpu.memory_space<vmem>>
      %dma_start3A_22 = tpu.memref_squeeze %dma_start3A_21 : memref<1x128xi32, #tpu.memory_space<vmem>> -> memref<128xi32, #tpu.memory_space<vmem>>
      %dma_start3A_23 = arith.constant 0 : i32
      %dma_start3A_24 = arith.constant 0 : i32
      %dma_start3A_25 = tpu.memref_slice %arg4[%dma_start3A_23, %dma_start3A_24] : memref<10240x128xf32, #tpu.memory_space<hbm>> -> memref<10240x128xf32, #tpu.memory_space<hbm>>
      tpu.enqueue_indirect_dma source(%dma_start3A_25 : memref<10240x128xf32, #tpu.memory_space<hbm>>) target(%arg10 : memref<128x128xf32, #tpu.memory_space<vmem>>) offsets(%dma_start3A_22 : memref<128xi32, #tpu.memory_space<vmem>>) semaphore(%arg16 : memref<!tpu.dma_semaphore, #tpu.memory_space<semaphore_mem>>)
      %add3A_26 = arith.constant 1 : i32
      %add3A_27 = arith.addi %mul3A_10, %add3A_26 : i32
      %dma_start3A_28 = arith.constant 0 : i32
      %dma_start3A_29 = tpu.memref_slice %arg6[%add3A_27, %dma_start3A_28] : memref<16x128xi32, #tpu.memory_space<vmem>> -> memref<1x128xi32, #tpu.memory_space<vmem>>
      %dma_start3A_30 = tpu.memref_squeeze %dma_start3A_29 : memref<1x128xi32, #tpu.memory_space<vmem>> -> memref<128xi32, #tpu.memory_space<vmem>>
      %dma_start3A_31 = arith.constant 0 : i32
      %dma_start3A_32 = arith.constant 0 : i32
      %dma_start3A_33 = tpu.memref_slice %arg4[%dma_start3A_31, %dma_start3A_32] : memref<10240x128xf32, #tpu.memory_space<hbm>> -> memref<10240x128xf32, #tpu.memory_space<hbm>>
      tpu.enqueue_indirect_dma source(%dma_start3A_33 : memref<10240x128xf32, #tpu.memory_space<hbm>>) target(%arg9 : memref<128x128xf32, #tpu.memory_space<vmem>>) offsets(%dma_start3A_30 : memref<128xi32, #tpu.memory_space<vmem>>) semaphore(%arg15 : memref<!tpu.dma_semaphore, #tpu.memory_space<semaphore_mem>>)
      %add3A_34 = arith.constant 1 : i32
      %add3A_35 = arith.addi %mul3A_10, %add3A_34 : i32
      %dma_start3A_36 = arith.constant 0 : i32
      %dma_start3A_37 = tpu.memref_slice %arg7[%add3A_35, %dma_start3A_36] : memref<16x128xi32, #tpu.memory_space<vmem>> -> memref<1x128xi32, #tpu.memory_space<vmem>>
      %dma_start3A_38 = tpu.memref_squeeze %dma_start3A_37 : memref<1x128xi32, #tpu.memory_space<vmem>> -> memref<128xi32, #tpu.memory_space<vmem>>
      %dma_start3A_39 = arith.constant 0 : i32
      %dma_start3A_40 = arith.constant 0 : i32
      %dma_start3A_41 = tpu.memref_slice %arg4[%dma_start3A_39, %dma_start3A_40] : memref<10240x128xf32, #tpu.memory_space<hbm>> -> memref<10240x128xf32, #tpu.memory_space<hbm>>
      tpu.enqueue_indirect_dma source(%dma_start3A_41 : memref<10240x128xf32, #tpu.memory_space<hbm>>) target(%arg11 : memref<128x128xf32, #tpu.memory_space<vmem>>) offsets(%dma_start3A_38 : memref<128xi32, #tpu.memory_space<vmem>>) semaphore(%arg17 : memref<!tpu.dma_semaphore, #tpu.memory_space<semaphore_mem>>)
      %add3A_42 = arith.addi %mul3A_2, %mul3A_10 : i32
      %add3A_43 = arith.constant 0 : i32
      %add3A_44 = arith.addi %add3A_42, %add3A_43 : i32
      %mul3A_45 = arith.constant 128 : i32
      %mul3A_46 = arith.muli %add3A_44, %mul3A_45 : i32
      %multiple_of3A = tpu.assume_multiple %mul3A_46, 8 : i32
      %dma_wait3A = arith.constant 0 : i32
      %dma_wait3A_47 = tpu.memref_slice %arg6[%add3A_12, %dma_wait3A] : memref<16x128xi32, #tpu.memory_space<vmem>> -> memref<1x128xi32, #tpu.memory_space<vmem>>
      %dma_wait3A_48 = tpu.memref_squeeze %dma_wait3A_47 : memref<1x128xi32, #tpu.memory_space<vmem>> -> memref<128xi32, #tpu.memory_space<vmem>>
      %dma_wait3A_49 = arith.constant 0 : i32
      %dma_wait3A_50 = arith.constant 0 : i32
      %dma_wait3A_51 = tpu.memref_slice %arg4[%dma_wait3A_49, %dma_wait3A_50] : memref<10240x128xf32, #tpu.memory_space<hbm>> -> memref<10240x128xf32, #tpu.memory_space<hbm>>
      tpu.wait_indirect_dma semaphore(%arg14 : memref<!tpu.dma_semaphore, #tpu.memory_space<semaphore_mem>>) src(%dma_wait3A_51 : memref<10240x128xf32, #tpu.memory_space<hbm>>) dst(%arg8 : memref<128x128xf32, #tpu.memory_space<vmem>>)
      %dma_wait3A_52 = arith.constant 0 : i32
      %dma_wait3A_53 = tpu.memref_slice %arg7[%add3A_19, %dma_wait3A_52] : memref<16x128xi32, #tpu.memory_space<vmem>> -> memref<1x128xi32, #tpu.memory_space<vmem>>
      %dma_wait3A_54 = tpu.memref_squeeze %dma_wait3A_53 : memref<1x128xi32, #tpu.memory_space<vmem>> -> memref<128xi32, #tpu.memory_space<vmem>>
      %dma_wait3A_55 = arith.constant 0 : i32
      %dma_wait3A_56 = arith.constant 0 : i32
      %dma_wait3A_57 = tpu.memref_slice %arg4[%dma_wait3A_55, %dma_wait3A_56] : memref<10240x128xf32, #tpu.memory_space<hbm>> -> memref<10240x128xf32, #tpu.memory_space<hbm>>
      tpu.wait_indirect_dma semaphore(%arg16 : memref<!tpu.dma_semaphore, #tpu.memory_space<semaphore_mem>>) src(%dma_wait3A_57 : memref<10240x128xf32, #tpu.memory_space<hbm>>) dst(%arg10 : memref<128x128xf32, #tpu.memory_space<vmem>>)
      %scan3A_58 = arith.constant 0 : i32
      %scan3A_59 = arith.constant 0 : i32
      %scan3A_60 = arith.constant 128 : i32
      %scan3A_61 = arith.addi %scan3A_59, %scan3A_60 : i32
      %scan3A_62 = arith.constant 1 : i32
      scf.for %scan3A_104 = %scan3A_59 to %scan3A_61 step %scan3A_62  : i32 {
        %get3A = arith.index_cast %scan3A_104 : i32 to index
        %get3A_105 = arith.constant 0 : index
        %get3A_106 = tpu.vector_load %arg8[%get3A, %get3A_105] {strides = array<i32>} : memref<128x128xf32, #tpu.memory_space<vmem>>, vector<1x16xf32>,
        %get3A_107 = vector.shape_cast %get3A_106 : vector<1x16xf32> to vector<16xf32>
        %get3A_108 = arith.index_cast %scan3A_104 : i32 to index
        %get3A_109 = arith.constant 0 : index
        %get3A_110 = tpu.vector_load %arg10[%get3A_108, %get3A_109] {strides = array<i32>} : memref<128x128xf32, #tpu.memory_space<vmem>>, vector<1x16xf32>,
        %get3A_111 = vector.shape_cast %get3A_110 : vector<1x16xf32> to vector<16xf32>
        %mul3A_112 = arith.mulf %get3A_107, %get3A_111 : vector<16xf32>
        %swap3A = arith.index_cast %scan3A_104 : i32 to index
        %swap3A_113 = arith.constant 0 : index
        %swap3A_114 = tpu.vector_load %arg12[%swap3A, %swap3A_113] {strides = array<i32>} : memref<128x128xf32, #tpu.memory_space<vmem>>, vector<1x16xf32>,
        %swap3A_115 = vector.shape_cast %swap3A_114 : vector<1x16xf32> to vector<16xf32>
        %swap3A_116 = vector.shape_cast %mul3A_112 : vector<16xf32> to vector<1x16xf32>
        tpu.vector_store %arg12[%swap3A, %swap3A_113], %swap3A_116 {strides = array<i32>} : memref<128x128xf32, #tpu.memory_space<vmem>>, vector<1x16xf32>,
        %get3A_117 = arith.index_cast %scan3A_104 : i32 to index
        %get3A_118 = arith.constant 16 : index
        %get3A_119 = tpu.vector_load %arg8[%get3A_117, %get3A_118] {strides = array<i32>} : memref<128x128xf32, #tpu.memory_space<vmem>>, vector<1x16xf32>,
        %get3A_120 = vector.shape_cast %get3A_119 : vector<1x16xf32> to vector<16xf32>
        %get3A_121 = arith.index_cast %scan3A_104 : i32 to index
        %get3A_122 = arith.constant 16 : index
        %get3A_123 = tpu.vector_load %arg10[%get3A_121, %get3A_122] {strides = array<i32>} : memref<128x128xf32, #tpu.memory_space<vmem>>, vector<1x16xf32>,
        %get3A_124 = vector.shape_cast %get3A_123 : vector<1x16xf32> to vector<16xf32>
        %mul3A_125 = arith.mulf %get3A_120, %get3A_124 : vector<16xf32>
        %swap3A_126 = arith.index_cast %scan3A_104 : i32 to index
        %swap3A_127 = arith.constant 16 : index
        %swap3A_128 = tpu.vector_load %arg12[%swap3A_126, %swap3A_127] {strides = array<i32>} : memref<128x128xf32, #tpu.memory_space<vmem>>, vector<1x16xf32>,
        %swap3A_129 = vector.shape_cast %swap3A_128 : vector<1x16xf32> to vector<16xf32>
        %swap3A_130 = vector.shape_cast %mul3A_125 : vector<16xf32> to vector<1x16xf32>
        tpu.vector_store %arg12[%swap3A_126, %swap3A_127], %swap3A_130 {strides = array<i32>} : memref<128x128xf32, #tpu.memory_space<vmem>>, vector<1x16xf32>,
        %get3A_131 = arith.index_cast %scan3A_104 : i32 to index
        %get3A_132 = arith.constant 32 : index
        %get3A_133 = tpu.vector_load %arg8[%get3A_131, %get3A_132] {strides = array<i32>} : memref<128x128xf32, #tpu.memory_space<vmem>>, vector<1x16xf32>,
        %get3A_134 = vector.shape_cast %get3A_133 : vector<1x16xf32> to vector<16xf32>
        %get3A_135 = arith.index_cast %scan3A_104 : i32 to index
        %get3A_136 = arith.constant 32 : index
        %get3A_137 = tpu.vector_load %arg10[%get3A_135, %get3A_136] {strides = array<i32>} : memref<128x128xf32, #tpu.memory_space<vmem>>, vector<1x16xf32>,
        %get3A_138 = vector.shape_cast %get3A_137 : vector<1x16xf32> to vector<16xf32>
        %mul3A_139 = arith.mulf %get3A_134, %get3A_138 : vector<16xf32>
        %swap3A_140 = arith.index_cast %scan3A_104 : i32 to index
        %swap3A_141 = arith.constant 32 : index
        %swap3A_142 = tpu.vector_load %arg12[%swap3A_140, %swap3A_141] {strides = array<i32>} : memref<128x128xf32, #tpu.memory_space<vmem>>, vector<1x16xf32>,
        %swap3A_143 = vector.shape_cast %swap3A_142 : vector<1x16xf32> to vector<16xf32>
        %swap3A_144 = vector.shape_cast %mul3A_139 : vector<16xf32> to vector<1x16xf32>
        tpu.vector_store %arg12[%swap3A_140, %swap3A_141], %swap3A_144 {strides = array<i32>} : memref<128x128xf32, #tpu.memory_space<vmem>>, vector<1x16xf32>,
        %get3A_145 = arith.index_cast %scan3A_104 : i32 to index
        %get3A_146 = arith.constant 48 : index
        %get3A_147 = tpu.vector_load %arg8[%get3A_145, %get3A_146] {strides = array<i32>} : memref<128x128xf32, #tpu.memory_space<vmem>>, vector<1x16xf32>,
        %get3A_148 = vector.shape_cast %get3A_147 : vector<1x16xf32> to vector<16xf32>
        %get3A_149 = arith.index_cast %scan3A_104 : i32 to index
        %get3A_150 = arith.constant 48 : index
        %get3A_151 = tpu.vector_load %arg10[%get3A_149, %get3A_150] {strides = array<i32>} : memref<128x128xf32, #tpu.memory_space<vmem>>, vector<1x16xf32>,
        %get3A_152 = vector.shape_cast %get3A_151 : vector<1x16xf32> to vector<16xf32>
        %mul3A_153 = arith.mulf %get3A_148, %get3A_152 : vector<16xf32>
        %swap3A_154 = arith.index_cast %scan3A_104 : i32 to index
        %swap3A_155 = arith.constant 48 : index
        %swap3A_156 = tpu.vector_load %arg12[%swap3A_154, %swap3A_155] {strides = array<i32>} : memref<128x128xf32, #tpu.memory_space<vmem>>, vector<1x16xf32>,
        %swap3A_157 = vector.shape_cast %swap3A_156 : vector<1x16xf32> to vector<16xf32>
        %swap3A_158 = vector.shape_cast %mul3A_153 : vector<16xf32> to vector<1x16xf32>
        tpu.vector_store %arg12[%swap3A_154, %swap3A_155], %swap3A_158 {strides = array<i32>} : memref<128x128xf32, #tpu.memory_space<vmem>>, vector<1x16xf32>,
        %get3A_159 = arith.index_cast %scan3A_104 : i32 to index
        %get3A_160 = arith.constant 64 : index
        %get3A_161 = tpu.vector_load %arg8[%get3A_159, %get3A_160] {strides = array<i32>} : memref<128x128xf32, #tpu.memory_space<vmem>>, vector<1x16xf32>,
        %get3A_162 = vector.shape_cast %get3A_161 : vector<1x16xf32> to vector<16xf32>
        %get3A_163 = arith.index_cast %scan3A_104 : i32 to index
        %get3A_164 = arith.constant 64 : index
        %get3A_165 = tpu.vector_load %arg10[%get3A_163, %get3A_164] {strides = array<i32>} : memref<128x128xf32, #tpu.memory_space<vmem>>, vector<1x16xf32>,
        %get3A_166 = vector.shape_cast %get3A_165 : vector<1x16xf32> to vector<16xf32>
        %mul3A_167 = arith.mulf %get3A_162, %get3A_166 : vector<16xf32>
        %swap3A_168 = arith.index_cast %scan3A_104 : i32 to index
        %swap3A_169 = arith.constant 64 : index
        %swap3A_170 = tpu.vector_load %arg12[%swap3A_168, %swap3A_169] {strides = array<i32>} : memref<128x128xf32, #tpu.memory_space<vmem>>, vector<1x16xf32>,
        %swap3A_171 = vector.shape_cast %swap3A_170 : vector<1x16xf32> to vector<16xf32>
        %swap3A_172 = vector.shape_cast %mul3A_167 : vector<16xf32> to vector<1x16xf32>
        tpu.vector_store %arg12[%swap3A_168, %swap3A_169], %swap3A_172 {strides = array<i32>} : memref<128x128xf32, #tpu.memory_space<vmem>>, vector<1x16xf32>,
        %get3A_173 = arith.index_cast %scan3A_104 : i32 to index
        %get3A_174 = arith.constant 80 : index
        %get3A_175 = tpu.vector_load %arg8[%get3A_173, %get3A_174] {strides = array<i32>} : memref<128x128xf32, #tpu.memory_space<vmem>>, vector<1x16xf32>,
        %get3A_176 = vector.shape_cast %get3A_175 : vector<1x16xf32> to vector<16xf32>
        %get3A_177 = arith.index_cast %scan3A_104 : i32 to index
        %get3A_178 = arith.constant 80 : index
        %get3A_179 = tpu.vector_load %arg10[%get3A_177, %get3A_178] {strides = array<i32>} : memref<128x128xf32, #tpu.memory_space<vmem>>, vector<1x16xf32>,
        %get3A_180 = vector.shape_cast %get3A_179 : vector<1x16xf32> to vector<16xf32>
        %mul3A_181 = arith.mulf %get3A_176, %get3A_180 : vector<16xf32>
        %swap3A_182 = arith.index_cast %scan3A_104 : i32 to index
        %swap3A_183 = arith.constant 80 : index
        %swap3A_184 = tpu.vector_load %arg12[%swap3A_182, %swap3A_183] {strides = array<i32>} : memref<128x128xf32, #tpu.memory_space<vmem>>, vector<1x16xf32>,
        %swap3A_185 = vector.shape_cast %swap3A_184 : vector<1x16xf32> to vector<16xf32>
        %swap3A_186 = vector.shape_cast %mul3A_181 : vector<16xf32> to vector<1x16xf32>
        tpu.vector_store %arg12[%swap3A_182, %swap3A_183], %swap3A_186 {strides = array<i32>} : memref<128x128xf32, #tpu.memory_space<vmem>>, vector<1x16xf32>,
        %get3A_187 = arith.index_cast %scan3A_104 : i32 to index
        %get3A_188 = arith.constant 96 : index
        %get3A_189 = tpu.vector_load %arg8[%get3A_187, %get3A_188] {strides = array<i32>} : memref<128x128xf32, #tpu.memory_space<vmem>>, vector<1x16xf32>,
        %get3A_190 = vector.shape_cast %get3A_189 : vector<1x16xf32> to vector<16xf32>
        %get3A_191 = arith.index_cast %scan3A_104 : i32 to index
        %get3A_192 = arith.constant 96 : index
        %get3A_193 = tpu.vector_load %arg10[%get3A_191, %get3A_192] {strides = array<i32>} : memref<128x128xf32, #tpu.memory_space<vmem>>, vector<1x16xf32>,
        %get3A_194 = vector.shape_cast %get3A_193 : vector<1x16xf32> to vector<16xf32>
        %mul3A_195 = arith.mulf %get3A_190, %get3A_194 : vector<16xf32>
        %swap3A_196 = arith.index_cast %scan3A_104 : i32 to index
        %swap3A_197 = arith.constant 96 : index
        %swap3A_198 = tpu.vector_load %arg12[%swap3A_196, %swap3A_197] {strides = array<i32>} : memref<128x128xf32, #tpu.memory_space<vmem>>, vector<1x16xf32>,
        %swap3A_199 = vector.shape_cast %swap3A_198 : vector<1x16xf32> to vector<16xf32>
        %swap3A_200 = vector.shape_cast %mul3A_195 : vector<16xf32> to vector<1x16xf32>
        tpu.vector_store %arg12[%swap3A_196, %swap3A_197], %swap3A_200 {strides = array<i32>} : memref<128x128xf32, #tpu.memory_space<vmem>>, vector<1x16xf32>,
        %get3A_201 = arith.index_cast %scan3A_104 : i32 to index
        %get3A_202 = arith.constant 112 : index
        %get3A_203 = tpu.vector_load %arg8[%get3A_201, %get3A_202] {strides = array<i32>} : memref<128x128xf32, #tpu.memory_space<vmem>>, vector<1x16xf32>,
        %get3A_204 = vector.shape_cast %get3A_203 : vector<1x16xf32> to vector<16xf32>
        %get3A_205 = arith.index_cast %scan3A_104 : i32 to index
        %get3A_206 = arith.constant 112 : index
        %get3A_207 = tpu.vector_load %arg10[%get3A_205, %get3A_206] {strides = array<i32>} : memref<128x128xf32, #tpu.memory_space<vmem>>, vector<1x16xf32>,
        %get3A_208 = vector.shape_cast %get3A_207 : vector<1x16xf32> to vector<16xf32>
        %mul3A_209 = arith.mulf %get3A_204, %get3A_208 : vector<16xf32>
        %swap3A_210 = arith.index_cast %scan3A_104 : i32 to index
        %swap3A_211 = arith.constant 112 : index
        %swap3A_212 = tpu.vector_load %arg12[%swap3A_210, %swap3A_211] {strides = array<i32>} : memref<128x128xf32, #tpu.memory_space<vmem>>, vector<1x16xf32>,
        %swap3A_213 = vector.shape_cast %swap3A_212 : vector<1x16xf32> to vector<16xf32>
        %swap3A_214 = vector.shape_cast %mul3A_209 : vector<16xf32> to vector<1x16xf32>
        tpu.vector_store %arg12[%swap3A_210, %swap3A_211], %swap3A_214 {strides = array<i32>} : memref<128x128xf32, #tpu.memory_space<vmem>>, vector<1x16xf32>,
      }
      %scan3A_63 = arith.constant 128 : i32
      %dma_start3A_64 = arith.constant 0 : i32
      %dma_start3A_65 = tpu.memref_slice %arg5[%multiple_of3A, %dma_start3A_64] : memref<65536x128xf32, #tpu.memory_space<hbm>> -> memref<128x128xf32, #tpu.memory_space<hbm>>
      %dma_start3A_66 = arith.constant 0 : i32
      %dma_start3A_67 = tpu.memref_slice %arg5[%multiple_of3A, %dma_start3A_66] : memref<65536x128xf32, #tpu.memory_space<hbm>> -> memref<128x128xf32, #tpu.memory_space<hbm>>
      tpu.enqueue_dma source(%arg12 : memref<128x128xf32, #tpu.memory_space<vmem>>) target(%dma_start3A_67 : memref<128x128xf32, #tpu.memory_space<hbm>>) target_semaphore(%arg18 : memref<!tpu.dma_semaphore, #tpu.memory_space<semaphore_mem>>)
      %add3A_68 = arith.addi %mul3A_2, %mul3A_10 : i32
      %add3A_69 = arith.constant 1 : i32
      %add3A_70 = arith.addi %add3A_68, %add3A_69 : i32
      %mul3A_71 = arith.constant 128 : i32
      %mul3A_72 = arith.muli %add3A_70, %mul3A_71 : i32
      %multiple_of3A_73 = tpu.assume_multiple %mul3A_72, 8 : i32
      %dma_wait3A_74 = arith.constant 0 : i32
      %dma_wait3A_75 = tpu.memref_slice %arg6[%add3A_27, %dma_wait3A_74] : memref<16x128xi32, #tpu.memory_space<vmem>> -> memref<1x128xi32, #tpu.memory_space<vmem>>
      %dma_wait3A_76 = tpu.memref_squeeze %dma_wait3A_75 : memref<1x128xi32, #tpu.memory_space<vmem>> -> memref<128xi32, #tpu.memory_space<vmem>>
      %dma_wait3A_77 = arith.constant 0 : i32
      %dma_wait3A_78 = arith.constant 0 : i32
      %dma_wait3A_79 = tpu.memref_slice %arg4[%dma_wait3A_77, %dma_wait3A_78] : memref<10240x128xf32, #tpu.memory_space<hbm>> -> memref<10240x128xf32, #tpu.memory_space<hbm>>
      tpu.wait_indirect_dma semaphore(%arg15 : memref<!tpu.dma_semaphore, #tpu.memory_space<semaphore_mem>>) src(%dma_wait3A_79 : memref<10240x128xf32, #tpu.memory_space<hbm>>) dst(%arg9 : memref<128x128xf32, #tpu.memory_space<vmem>>)
      %dma_wait3A_80 = arith.constant 0 : i32
      %dma_wait3A_81 = tpu.memref_slice %arg7[%add3A_35, %dma_wait3A_80] : memref<16x128xi32, #tpu.memory_space<vmem>> -> memref<1x128xi32, #tpu.memory_space<vmem>>
      %dma_wait3A_82 = tpu.memref_squeeze %dma_wait3A_81 : memref<1x128xi32, #tpu.memory_space<vmem>> -> memref<128xi32, #tpu.memory_space<vmem>>
      %dma_wait3A_83 = arith.constant 0 : i32
      %dma_wait3A_84 = arith.constant 0 : i32
      %dma_wait3A_85 = tpu.memref_slice %arg4[%dma_wait3A_83, %dma_wait3A_84] : memref<10240x128xf32, #tpu.memory_space<hbm>> -> memref<10240x128xf32, #tpu.memory_space<hbm>>
      tpu.wait_indirect_dma semaphore(%arg17 : memref<!tpu.dma_semaphore, #tpu.memory_space<semaphore_mem>>) src(%dma_wait3A_85 : memref<10240x128xf32, #tpu.memory_space<hbm>>) dst(%arg11 : memref<128x128xf32, #tpu.memory_space<vmem>>)
      %scan3A_86 = arith.constant 0 : i32
      %scan3A_87 = arith.constant 0 : i32
      %scan3A_88 = arith.constant 128 : i32
      %scan3A_89 = arith.addi %scan3A_87, %scan3A_88 : i32
      %scan3A_90 = arith.constant 1 : i32
      scf.for %scan3A_104 = %scan3A_87 to %scan3A_89 step %scan3A_90  : i32 {
        %get3A = arith.index_cast %scan3A_104 : i32 to index
        %get3A_105 = arith.constant 0 : index
        %get3A_106 = tpu.vector_load %arg9[%get3A, %get3A_105] {strides = array<i32>} : memref<128x128xf32, #tpu.memory_space<vmem>>, vector<1x16xf32>,
        %get3A_107 = vector.shape_cast %get3A_106 : vector<1x16xf32> to vector<16xf32>
        %get3A_108 = arith.index_cast %scan3A_104 : i32 to index
        %get3A_109 = arith.constant 0 : index
        %get3A_110 = tpu.vector_load %arg11[%get3A_108, %get3A_109] {strides = array<i32>} : memref<128x128xf32, #tpu.memory_space<vmem>>, vector<1x16xf32>,
        %get3A_111 = vector.shape_cast %get3A_110 : vector<1x16xf32> to vector<16xf32>
        %mul3A_112 = arith.mulf %get3A_107, %get3A_111 : vector<16xf32>
        %swap3A = arith.index_cast %scan3A_104 : i32 to index
        %swap3A_113 = arith.constant 0 : index
        %swap3A_114 = tpu.vector_load %arg13[%swap3A, %swap3A_113] {strides = array<i32>} : memref<128x128xf32, #tpu.memory_space<vmem>>, vector<1x16xf32>,
        %swap3A_115 = vector.shape_cast %swap3A_114 : vector<1x16xf32> to vector<16xf32>
        %swap3A_116 = vector.shape_cast %mul3A_112 : vector<16xf32> to vector<1x16xf32>
        tpu.vector_store %arg13[%swap3A, %swap3A_113], %swap3A_116 {strides = array<i32>} : memref<128x128xf32, #tpu.memory_space<vmem>>, vector<1x16xf32>,
        %get3A_117 = arith.index_cast %scan3A_104 : i32 to index
        %get3A_118 = arith.constant 16 : index
        %get3A_119 = tpu.vector_load %arg9[%get3A_117, %get3A_118] {strides = array<i32>} : memref<128x128xf32, #tpu.memory_space<vmem>>, vector<1x16xf32>,
        %get3A_120 = vector.shape_cast %get3A_119 : vector<1x16xf32> to vector<16xf32>
        %get3A_121 = arith.index_cast %scan3A_104 : i32 to index
        %get3A_122 = arith.constant 16 : index
        %get3A_123 = tpu.vector_load %arg11[%get3A_121, %get3A_122] {strides = array<i32>} : memref<128x128xf32, #tpu.memory_space<vmem>>, vector<1x16xf32>,
        %get3A_124 = vector.shape_cast %get3A_123 : vector<1x16xf32> to vector<16xf32>
        %mul3A_125 = arith.mulf %get3A_120, %get3A_124 : vector<16xf32>
        %swap3A_126 = arith.index_cast %scan3A_104 : i32 to index
        %swap3A_127 = arith.constant 16 : index
        %swap3A_128 = tpu.vector_load %arg13[%swap3A_126, %swap3A_127] {strides = array<i32>} : memref<128x128xf32, #tpu.memory_space<vmem>>, vector<1x16xf32>,
        %swap3A_129 = vector.shape_cast %swap3A_128 : vector<1x16xf32> to vector<16xf32>
        %swap3A_130 = vector.shape_cast %mul3A_125 : vector<16xf32> to vector<1x16xf32>
        tpu.vector_store %arg13[%swap3A_126, %swap3A_127], %swap3A_130 {strides = array<i32>} : memref<128x128xf32, #tpu.memory_space<vmem>>, vector<1x16xf32>,
        %get3A_131 = arith.index_cast %scan3A_104 : i32 to index
        %get3A_132 = arith.constant 32 : index
        %get3A_133 = tpu.vector_load %arg9[%get3A_131, %get3A_132] {strides = array<i32>} : memref<128x128xf32, #tpu.memory_space<vmem>>, vector<1x16xf32>,
        %get3A_134 = vector.shape_cast %get3A_133 : vector<1x16xf32> to vector<16xf32>
        %get3A_135 = arith.index_cast %scan3A_104 : i32 to index
        %get3A_136 = arith.constant 32 : index
        %get3A_137 = tpu.vector_load %arg11[%get3A_135, %get3A_136] {strides = array<i32>} : memref<128x128xf32, #tpu.memory_space<vmem>>, vector<1x16xf32>,
        %get3A_138 = vector.shape_cast %get3A_137 : vector<1x16xf32> to vector<16xf32>
        %mul3A_139 = arith.mulf %get3A_134, %get3A_138 : vector<16xf32>
        %swap3A_140 = arith.index_cast %scan3A_104 : i32 to index
        %swap3A_141 = arith.constant 32 : index
        %swap3A_142 = tpu.vector_load %arg13[%swap3A_140, %swap3A_141] {strides = array<i32>} : memref<128x128xf32, #tpu.memory_space<vmem>>, vector<1x16xf32>,
        %swap3A_143 = vector.shape_cast %swap3A_142 : vector<1x16xf32> to vector<16xf32>
        %swap3A_144 = vector.shape_cast %mul3A_139 : vector<16xf32> to vector<1x16xf32>
        tpu.vector_store %arg13[%swap3A_140, %swap3A_141], %swap3A_144 {strides = array<i32>} : memref<128x128xf32, #tpu.memory_space<vmem>>, vector<1x16xf32>,
        %get3A_145 = arith.index_cast %scan3A_104 : i32 to index
        %get3A_146 = arith.constant 48 : index
        %get3A_147 = tpu.vector_load %arg9[%get3A_145, %get3A_146] {strides = array<i32>} : memref<128x128xf32, #tpu.memory_space<vmem>>, vector<1x16xf32>,
        %get3A_148 = vector.shape_cast %get3A_147 : vector<1x16xf32> to vector<16xf32>
        %get3A_149 = arith.index_cast %scan3A_104 : i32 to index
        %get3A_150 = arith.constant 48 : index
        %get3A_151 = tpu.vector_load %arg11[%get3A_149, %get3A_150] {strides = array<i32>} : memref<128x128xf32, #tpu.memory_space<vmem>>, vector<1x16xf32>,
        %get3A_152 = vector.shape_cast %get3A_151 : vector<1x16xf32> to vector<16xf32>
        %mul3A_153 = arith.mulf %get3A_148, %get3A_152 : vector<16xf32>
        %swap3A_154 = arith.index_cast %scan3A_104 : i32 to index
        %swap3A_155 = arith.constant 48 : index
        %swap3A_156 = tpu.vector_load %arg13[%swap3A_154, %swap3A_155] {strides = array<i32>} : memref<128x128xf32, #tpu.memory_space<vmem>>, vector<1x16xf32>,
        %swap3A_157 = vector.shape_cast %swap3A_156 : vector<1x16xf32> to vector<16xf32>
        %swap3A_158 = vector.shape_cast %mul3A_153 : vector<16xf32> to vector<1x16xf32>
        tpu.vector_store %arg13[%swap3A_154, %swap3A_155], %swap3A_158 {strides = array<i32>} : memref<128x128xf32, #tpu.memory_space<vmem>>, vector<1x16xf32>,
        %get3A_159 = arith.index_cast %scan3A_104 : i32 to index
        %get3A_160 = arith.constant 64 : index
        %get3A_161 = tpu.vector_load %arg9[%get3A_159, %get3A_160] {strides = array<i32>} : memref<128x128xf32, #tpu.memory_space<vmem>>, vector<1x16xf32>,
        %get3A_162 = vector.shape_cast %get3A_161 : vector<1x16xf32> to vector<16xf32>
        %get3A_163 = arith.index_cast %scan3A_104 : i32 to index
        %get3A_164 = arith.constant 64 : index
        %get3A_165 = tpu.vector_load %arg11[%get3A_163, %get3A_164] {strides = array<i32>} : memref<128x128xf32, #tpu.memory_space<vmem>>, vector<1x16xf32>,
        %get3A_166 = vector.shape_cast %get3A_165 : vector<1x16xf32> to vector<16xf32>
        %mul3A_167 = arith.mulf %get3A_162, %get3A_166 : vector<16xf32>
        %swap3A_168 = arith.index_cast %scan3A_104 : i32 to index
        %swap3A_169 = arith.constant 64 : index
        %swap3A_170 = tpu.vector_load %arg13[%swap3A_168, %swap3A_169] {strides = array<i32>} : memref<128x128xf32, #tpu.memory_space<vmem>>, vector<1x16xf32>,
        %swap3A_171 = vector.shape_cast %swap3A_170 : vector<1x16xf32> to vector<16xf32>
        %swap3A_172 = vector.shape_cast %mul3A_167 : vector<16xf32> to vector<1x16xf32>
        tpu.vector_store %arg13[%swap3A_168, %swap3A_169], %swap3A_172 {strides = array<i32>} : memref<128x128xf32, #tpu.memory_space<vmem>>, vector<1x16xf32>,
        %get3A_173 = arith.index_cast %scan3A_104 : i32 to index
        %get3A_174 = arith.constant 80 : index
        %get3A_175 = tpu.vector_load %arg9[%get3A_173, %get3A_174] {strides = array<i32>} : memref<128x128xf32, #tpu.memory_space<vmem>>, vector<1x16xf32>,
        %get3A_176 = vector.shape_cast %get3A_175 : vector<1x16xf32> to vector<16xf32>
        %get3A_177 = arith.index_cast %scan3A_104 : i32 to index
        %get3A_178 = arith.constant 80 : index
        %get3A_179 = tpu.vector_load %arg11[%get3A_177, %get3A_178] {strides = array<i32>} : memref<128x128xf32, #tpu.memory_space<vmem>>, vector<1x16xf32>,
        %get3A_180 = vector.shape_cast %get3A_179 : vector<1x16xf32> to vector<16xf32>
        %mul3A_181 = arith.mulf %get3A_176, %get3A_180 : vector<16xf32>
        %swap3A_182 = arith.index_cast %scan3A_104 : i32 to index
        %swap3A_183 = arith.constant 80 : index
        %swap3A_184 = tpu.vector_load %arg13[%swap3A_182, %swap3A_183] {strides = array<i32>} : memref<128x128xf32, #tpu.memory_space<vmem>>, vector<1x16xf32>,
        %swap3A_185 = vector.shape_cast %swap3A_184 : vector<1x16xf32> to vector<16xf32>
        %swap3A_186 = vector.shape_cast %mul3A_181 : vector<16xf32> to vector<1x16xf32>
        tpu.vector_store %arg13[%swap3A_182, %swap3A_183], %swap3A_186 {strides = array<i32>} : memref<128x128xf32, #tpu.memory_space<vmem>>, vector<1x16xf32>,
        %get3A_187 = arith.index_cast %scan3A_104 : i32 to index
        %get3A_188 = arith.constant 96 : index
        %get3A_189 = tpu.vector_load %arg9[%get3A_187, %get3A_188] {strides = array<i32>} : memref<128x128xf32, #tpu.memory_space<vmem>>, vector<1x16xf32>,
        %get3A_190 = vector.shape_cast %get3A_189 : vector<1x16xf32> to vector<16xf32>
        %get3A_191 = arith.index_cast %scan3A_104 : i32 to index
        %get3A_192 = arith.constant 96 : index
        %get3A_193 = tpu.vector_load %arg11[%get3A_191, %get3A_192] {strides = array<i32>} : memref<128x128xf32, #tpu.memory_space<vmem>>, vector<1x16xf32>,
        %get3A_194 = vector.shape_cast %get3A_193 : vector<1x16xf32> to vector<16xf32>
        %mul3A_195 = arith.mulf %get3A_190, %get3A_194 : vector<16xf32>
        %swap3A_196 = arith.index_cast %scan3A_104 : i32 to index
        %swap3A_197 = arith.constant 96 : index
        %swap3A_198 = tpu.vector_load %arg13[%swap3A_196, %swap3A_197] {strides = array<i32>} : memref<128x128xf32, #tpu.memory_space<vmem>>, vector<1x16xf32>,
        %swap3A_199 = vector.shape_cast %swap3A_198 : vector<1x16xf32> to vector<16xf32>
        %swap3A_200 = vector.shape_cast %mul3A_195 : vector<16xf32> to vector<1x16xf32>
        tpu.vector_store %arg13[%swap3A_196, %swap3A_197], %swap3A_200 {strides = array<i32>} : memref<128x128xf32, #tpu.memory_space<vmem>>, vector<1x16xf32>,
        %get3A_201 = arith.index_cast %scan3A_104 : i32 to index
        %get3A_202 = arith.constant 112 : index
        %get3A_203 = tpu.vector_load %arg9[%get3A_201, %get3A_202] {strides = array<i32>} : memref<128x128xf32, #tpu.memory_space<vmem>>, vector<1x16xf32>,
        %get3A_204 = vector.shape_cast %get3A_203 : vector<1x16xf32> to vector<16xf32>
        %get3A_205 = arith.index_cast %scan3A_104 : i32 to index
        %get3A_206 = arith.constant 112 : index
        %get3A_207 = tpu.vector_load %arg11[%get3A_205, %get3A_206] {strides = array<i32>} : memref<128x128xf32, #tpu.memory_space<vmem>>, vector<1x16xf32>,
        %get3A_208 = vector.shape_cast %get3A_207 : vector<1x16xf32> to vector<16xf32>
        %mul3A_209 = arith.mulf %get3A_204, %get3A_208 : vector<16xf32>
        %swap3A_210 = arith.index_cast %scan3A_104 : i32 to index
        %swap3A_211 = arith.constant 112 : index
        %swap3A_212 = tpu.vector_load %arg13[%swap3A_210, %swap3A_211] {strides = array<i32>} : memref<128x128xf32, #tpu.memory_space<vmem>>, vector<1x16xf32>,
        %swap3A_213 = vector.shape_cast %swap3A_212 : vector<1x16xf32> to vector<16xf32>
        %swap3A_214 = vector.shape_cast %mul3A_209 : vector<16xf32> to vector<1x16xf32>
        tpu.vector_store %arg13[%swap3A_210, %swap3A_211], %swap3A_214 {strides = array<i32>} : memref<128x128xf32, #tpu.memory_space<vmem>>, vector<1x16xf32>,
      }
      %scan3A_91 = arith.constant 128 : i32
      %dma_start3A_92 = arith.constant 0 : i32
      %dma_start3A_93 = tpu.memref_slice %arg5[%multiple_of3A_73, %dma_start3A_92] : memref<65536x128xf32, #tpu.memory_space<hbm>> -> memref<128x128xf32, #tpu.memory_space<hbm>>
      %dma_start3A_94 = arith.constant 0 : i32
      %dma_start3A_95 = tpu.memref_slice %arg5[%multiple_of3A_73, %dma_start3A_94] : memref<65536x128xf32, #tpu.memory_space<hbm>> -> memref<128x128xf32, #tpu.memory_space<hbm>>
      tpu.enqueue_dma source(%arg13 : memref<128x128xf32, #tpu.memory_space<vmem>>) target(%dma_start3A_95 : memref<128x128xf32, #tpu.memory_space<hbm>>) target_semaphore(%arg18 : memref<!tpu.dma_semaphore, #tpu.memory_space<semaphore_mem>>)
      %dma_wait3A_96 = arith.constant 0 : i32
      %dma_wait3A_97 = tpu.memref_slice %arg5[%multiple_of3A, %dma_wait3A_96] : memref<65536x128xf32, #tpu.memory_space<hbm>> -> memref<128x128xf32, #tpu.memory_space<hbm>>
      %dma_wait3A_98 = arith.constant 0 : i32
      %dma_wait3A_99 = tpu.memref_slice %arg5[%multiple_of3A, %dma_wait3A_98] : memref<65536x128xf32, #tpu.memory_space<hbm>> -> memref<128x128xf32, #tpu.memory_space<hbm>>
      tpu.wait_dma2 semaphore(%arg18 : memref<!tpu.dma_semaphore, #tpu.memory_space<semaphore_mem>>) src(%arg12 : memref<128x128xf32, #tpu.memory_space<vmem>>) dst(%dma_wait3A_99 : memref<128x128xf32, #tpu.memory_space<hbm>>)
      %dma_wait3A_100 = arith.constant 0 : i32
      %dma_wait3A_101 = tpu.memref_slice %arg5[%multiple_of3A_73, %dma_wait3A_100] : memref<65536x128xf32, #tpu.memory_space<hbm>> -> memref<128x128xf32, #tpu.memory_space<hbm>>
      %dma_wait3A_102 = arith.constant 0 : i32
      %dma_wait3A_103 = tpu.memref_slice %arg5[%multiple_of3A_73, %dma_wait3A_102] : memref<65536x128xf32, #tpu.memory_space<hbm>> -> memref<128x128xf32, #tpu.memory_space<hbm>>
      tpu.wait_dma2 semaphore(%arg18 : memref<!tpu.dma_semaphore, #tpu.memory_space<semaphore_mem>>) src(%arg13 : memref<128x128xf32, #tpu.memory_space<vmem>>) dst(%dma_wait3A_103 : memref<128x128xf32, #tpu.memory_space<hbm>>)
    }
    %scan3A_7 = arith.constant 8 : i32
    return
  }
}

#map = affine_map<(d0, d1) -> (0, 0)>
#map1 = affine_map<(d0, d1) -> (0, 0, 0)>
module attributes {stable_mosaic.version = 14 : i64} {
  func.func @_sc_pass2_body(%arg0: i32, %arg1: i32, %arg2: memref<5120x128xi32, #tpu.memory_space<hbm>>, %arg3: memref<5120x128xi32, #tpu.memory_space<hbm>>, %arg4: memref<10240x128xf32, #tpu.memory_space<hbm>>, %arg5: memref<10240x128xf32, #tpu.memory_space<hbm>>, %arg6: memref<2x10240x128xf32, #tpu.memory_space<hbm>>, %arg7: memref<16x128xi32, #tpu.memory_space<vmem>>, %arg8: memref<16x128xi32, #tpu.memory_space<vmem>>, %arg9: memref<128x128xf32, #tpu.memory_space<vmem>>, %arg10: memref<128x128xf32, #tpu.memory_space<vmem>>, %arg11: memref<10240x128xf32, #tpu.memory_space<vmem_shared>>, %arg12: memref<!tpu.dma_semaphore, #tpu.memory_space<semaphore_mem>>, %arg13: memref<!tpu.dma_semaphore, #tpu.memory_space<semaphore_mem>>, %arg14: memref<!tpu.dma_semaphore, #tpu.memory_space<semaphore_mem>>) attributes {dimension_semantics = [#tpu.dimension_semantics<core_parallel>, #tpu.dimension_semantics<subcore_parallel>], iteration_bounds = array<i64: 2, 16>, scalar_prefetch = 0 : i64, scratch_operands = 8 : i64, tpu.core_type = #tpu.core_type<sc_vector_subcore>, window_params = [{transform_indices = #map}, {transform_indices = #map}, {transform_indices = #map}, {transform_indices = #map}, {transform_indices = #map1}]} {
    %mul3A = arith.constant 2 : i32
    %mul3A_0 = arith.muli %arg1, %mul3A : i32
    %add3A = arith.addi %mul3A_0, %arg0 : i32
    %eq3A = arith.constant 0 : i32
    %eq3A_1 = arith.cmpi eq, %arg1, %eq3A : i32
    %convert_element_type3A = arith.extui %eq3A_1 : i1 to i32
    %cond3A = arith.constant 0 : i32
    %cond3A_2 = arith.cmpi ne, %convert_element_type3A, %cond3A : i32
    scf.if %cond3A_2 {
      "tpu.region"() ({
        %run_scoped3A = tpu.sem_alloc : memref<!tpu.dma_semaphore, #tpu.memory_space<semaphore_mem>>
        tpu.enqueue_dma source(%arg5 : memref<10240x128xf32, #tpu.memory_space<hbm>>) target(%arg11 : memref<10240x128xf32, #tpu.memory_space<vmem_shared>>) target_semaphore(%run_scoped3A : memref<!tpu.dma_semaphore, #tpu.memory_space<semaphore_mem>>)
        tpu.wait_dma2 semaphore(%run_scoped3A : memref<!tpu.dma_semaphore, #tpu.memory_space<semaphore_mem>>) src(%arg5 : memref<10240x128xf32, #tpu.memory_space<hbm>>) dst(%arg11 : memref<10240x128xf32, #tpu.memory_space<vmem_shared>>)
        tpu.yield
      }) : () -> ()
    } else {
    }
    %mul3A_3 = arith.constant 160 : i32
    %mul3A_4 = arith.muli %add3A, %mul3A_3 : i32
    %barrier3A = arith.constant 0 : index
    tpu.barrier barrier_id(%barrier3A)
    %scan3A = arith.constant 0 : i32
    %scan3A_5 = arith.constant 0 : i32
    %scan3A_6 = arith.constant 10 : i32
    %scan3A_7 = arith.addi %scan3A_5, %scan3A_6 : i32
    %scan3A_8 = arith.constant 1 : i32
    scf.for %scan3A_16 = %scan3A_5 to %scan3A_7 step %scan3A_8  : i32 {
      %mul3A_17 = arith.constant 16 : i32
      %mul3A_18 = arith.muli %scan3A_16, %mul3A_17 : i32
      %add3A_19 = arith.addi %mul3A_4, %mul3A_18 : i32
      %multiple_of3A = tpu.assume_multiple %add3A_19, 8 : i32
      "tpu.region"() ({
        %run_scoped3A = tpu.sem_alloc : memref<!tpu.dma_semaphore, #tpu.memory_space<semaphore_mem>>
        %dma_start3A = arith.constant 0 : i32
        %dma_start3A_26 = tpu.memref_slice %arg2[%multiple_of3A, %dma_start3A] : memref<5120x128xi32, #tpu.memory_space<hbm>> -> memref<16x128xi32, #tpu.memory_space<hbm>>
        %dma_start3A_27 = arith.constant 0 : i32
        %dma_start3A_28 = tpu.memref_slice %arg2[%multiple_of3A, %dma_start3A_27] : memref<5120x128xi32, #tpu.memory_space<hbm>> -> memref<16x128xi32, #tpu.memory_space<hbm>>
        tpu.enqueue_dma source(%dma_start3A_28 : memref<16x128xi32, #tpu.memory_space<hbm>>) target(%arg7 : memref<16x128xi32, #tpu.memory_space<vmem>>) target_semaphore(%run_scoped3A : memref<!tpu.dma_semaphore, #tpu.memory_space<semaphore_mem>>)
        %dma_wait3A = arith.constant 0 : i32
        %dma_wait3A_29 = tpu.memref_slice %arg2[%multiple_of3A, %dma_wait3A] : memref<5120x128xi32, #tpu.memory_space<hbm>> -> memref<16x128xi32, #tpu.memory_space<hbm>>
        %dma_wait3A_30 = arith.constant 0 : i32
        %dma_wait3A_31 = tpu.memref_slice %arg2[%multiple_of3A, %dma_wait3A_30] : memref<5120x128xi32, #tpu.memory_space<hbm>> -> memref<16x128xi32, #tpu.memory_space<hbm>>
        tpu.wait_dma2 semaphore(%run_scoped3A : memref<!tpu.dma_semaphore, #tpu.memory_space<semaphore_mem>>) src(%dma_wait3A_31 : memref<16x128xi32, #tpu.memory_space<hbm>>) dst(%arg7 : memref<16x128xi32, #tpu.memory_space<vmem>>)
        tpu.yield
      }) : () -> ()
      "tpu.region"() ({
        %run_scoped3A = tpu.sem_alloc : memref<!tpu.dma_semaphore, #tpu.memory_space<semaphore_mem>>
        %dma_start3A = arith.constant 0 : i32
        %dma_start3A_26 = tpu.memref_slice %arg3[%multiple_of3A, %dma_start3A] : memref<5120x128xi32, #tpu.memory_space<hbm>> -> memref<16x128xi32, #tpu.memory_space<hbm>>
        %dma_start3A_27 = arith.constant 0 : i32
        %dma_start3A_28 = tpu.memref_slice %arg3[%multiple_of3A, %dma_start3A_27] : memref<5120x128xi32, #tpu.memory_space<hbm>> -> memref<16x128xi32, #tpu.memory_space<hbm>>
        tpu.enqueue_dma source(%dma_start3A_28 : memref<16x128xi32, #tpu.memory_space<hbm>>) target(%arg8 : memref<16x128xi32, #tpu.memory_space<vmem>>) target_semaphore(%run_scoped3A : memref<!tpu.dma_semaphore, #tpu.memory_space<semaphore_mem>>)
        %dma_wait3A = arith.constant 0 : i32
        %dma_wait3A_29 = tpu.memref_slice %arg3[%multiple_of3A, %dma_wait3A] : memref<5120x128xi32, #tpu.memory_space<hbm>> -> memref<16x128xi32, #tpu.memory_space<hbm>>
        %dma_wait3A_30 = arith.constant 0 : i32
        %dma_wait3A_31 = tpu.memref_slice %arg3[%multiple_of3A, %dma_wait3A_30] : memref<5120x128xi32, #tpu.memory_space<hbm>> -> memref<16x128xi32, #tpu.memory_space<hbm>>
        tpu.wait_dma2 semaphore(%run_scoped3A : memref<!tpu.dma_semaphore, #tpu.memory_space<semaphore_mem>>) src(%dma_wait3A_31 : memref<16x128xi32, #tpu.memory_space<hbm>>) dst(%arg8 : memref<16x128xi32, #tpu.memory_space<vmem>>)
        tpu.yield
      }) : () -> ()
      %scan3A_20 = arith.constant 0 : i32
      %scan3A_21 = arith.constant 0 : i32
      %scan3A_22 = arith.constant 8 : i32
      %scan3A_23 = arith.addi %scan3A_21, %scan3A_22 : i32
      %scan3A_24 = arith.constant 1 : i32
      scf.for %scan3A_26 = %scan3A_21 to %scan3A_23 step %scan3A_24  : i32 {
        %mul3A_27 = arith.constant 2 : i32
        %mul3A_28 = arith.muli %scan3A_26, %mul3A_27 : i32
        %add3A_29 = arith.constant 0 : i32
        %add3A_30 = arith.addi %mul3A_28, %add3A_29 : i32
        %dma_start3A = arith.constant 0 : i32
        %dma_start3A_31 = tpu.memref_slice %arg7[%add3A_30, %dma_start3A] : memref<16x128xi32, #tpu.memory_space<vmem>> -> memref<1x128xi32, #tpu.memory_space<vmem>>
        %dma_start3A_32 = tpu.memref_squeeze %dma_start3A_31 : memref<1x128xi32, #tpu.memory_space<vmem>> -> memref<128xi32, #tpu.memory_space<vmem>>
        %dma_start3A_33 = arith.constant 0 : i32
        %dma_start3A_34 = arith.constant 0 : i32
        %dma_start3A_35 = tpu.memref_slice %arg4[%dma_start3A_33, %dma_start3A_34] : memref<10240x128xf32, #tpu.memory_space<hbm>> -> memref<10240x128xf32, #tpu.memory_space<hbm>>
        tpu.enqueue_indirect_dma source(%dma_start3A_35 : memref<10240x128xf32, #tpu.memory_space<hbm>>) target(%arg9 : memref<128x128xf32, #tpu.memory_space<vmem>>) offsets(%dma_start3A_32 : memref<128xi32, #tpu.memory_space<vmem>>) semaphore(%arg12 : memref<!tpu.dma_semaphore, #tpu.memory_space<semaphore_mem>>)
        %add3A_36 = arith.constant 1 : i32
        %add3A_37 = arith.addi %mul3A_28, %add3A_36 : i32
        %dma_start3A_38 = arith.constant 0 : i32
        %dma_start3A_39 = tpu.memref_slice %arg7[%add3A_37, %dma_start3A_38] : memref<16x128xi32, #tpu.memory_space<vmem>> -> memref<1x128xi32, #tpu.memory_space<vmem>>
        %dma_start3A_40 = tpu.memref_squeeze %dma_start3A_39 : memref<1x128xi32, #tpu.memory_space<vmem>> -> memref<128xi32, #tpu.memory_space<vmem>>
        %dma_start3A_41 = arith.constant 0 : i32
        %dma_start3A_42 = arith.constant 0 : i32
        %dma_start3A_43 = tpu.memref_slice %arg4[%dma_start3A_41, %dma_start3A_42] : memref<10240x128xf32, #tpu.memory_space<hbm>> -> memref<10240x128xf32, #tpu.memory_space<hbm>>
        tpu.enqueue_indirect_dma source(%dma_start3A_43 : memref<10240x128xf32, #tpu.memory_space<hbm>>) target(%arg10 : memref<128x128xf32, #tpu.memory_space<vmem>>) offsets(%dma_start3A_40 : memref<128xi32, #tpu.memory_space<vmem>>) semaphore(%arg13 : memref<!tpu.dma_semaphore, #tpu.memory_space<semaphore_mem>>)
        %dma_wait3A = arith.constant 0 : i32
        %dma_wait3A_44 = tpu.memref_slice %arg7[%add3A_30, %dma_wait3A] : memref<16x128xi32, #tpu.memory_space<vmem>> -> memref<1x128xi32, #tpu.memory_space<vmem>>
        %dma_wait3A_45 = tpu.memref_squeeze %dma_wait3A_44 : memref<1x128xi32, #tpu.memory_space<vmem>> -> memref<128xi32, #tpu.memory_space<vmem>>
        %dma_wait3A_46 = arith.constant 0 : i32
        %dma_wait3A_47 = arith.constant 0 : i32
        %dma_wait3A_48 = tpu.memref_slice %arg4[%dma_wait3A_46, %dma_wait3A_47] : memref<10240x128xf32, #tpu.memory_space<hbm>> -> memref<10240x128xf32, #tpu.memory_space<hbm>>
        tpu.wait_indirect_dma semaphore(%arg12 : memref<!tpu.dma_semaphore, #tpu.memory_space<semaphore_mem>>) src(%dma_wait3A_48 : memref<10240x128xf32, #tpu.memory_space<hbm>>) dst(%arg9 : memref<128x128xf32, #tpu.memory_space<vmem>>)
        %add3A_49 = arith.constant 0 : i32
        %add3A_50 = arith.addi %mul3A_28, %add3A_49 : i32
        %dma_start3A_51 = arith.constant 0 : i32
        %dma_start3A_52 = tpu.memref_slice %arg8[%add3A_50, %dma_start3A_51] : memref<16x128xi32, #tpu.memory_space<vmem>> -> memref<1x128xi32, #tpu.memory_space<vmem>>
        %dma_start3A_53 = tpu.memref_squeeze %dma_start3A_52 : memref<1x128xi32, #tpu.memory_space<vmem>> -> memref<128xi32, #tpu.memory_space<vmem>>
        %dma_start3A_54 = arith.constant 0 : i32
        %dma_start3A_55 = arith.constant 0 : i32
        %dma_start3A_56 = tpu.memref_slice %arg11[%dma_start3A_54, %dma_start3A_55] : memref<10240x128xf32, #tpu.memory_space<vmem_shared>> -> memref<10240x128xf32, #tpu.memory_space<vmem_shared>>
        tpu.enqueue_indirect_dma source(%arg9 : memref<128x128xf32, #tpu.memory_space<vmem>>) target(%dma_start3A_56 : memref<10240x128xf32, #tpu.memory_space<vmem_shared>>) offsets(%dma_start3A_53 : memref<128xi32, #tpu.memory_space<vmem>>) semaphore(%arg14 : memref<!tpu.dma_semaphore, #tpu.memory_space<semaphore_mem>>) {add = true}
        %dma_wait3A_57 = arith.constant 0 : i32
        %dma_wait3A_58 = tpu.memref_slice %arg7[%add3A_37, %dma_wait3A_57] : memref<16x128xi32, #tpu.memory_space<vmem>> -> memref<1x128xi32, #tpu.memory_space<vmem>>
        %dma_wait3A_59 = tpu.memref_squeeze %dma_wait3A_58 : memref<1x128xi32, #tpu.memory_space<vmem>> -> memref<128xi32, #tpu.memory_space<vmem>>
        %dma_wait3A_60 = arith.constant 0 : i32
        %dma_wait3A_61 = arith.constant 0 : i32
        %dma_wait3A_62 = tpu.memref_slice %arg4[%dma_wait3A_60, %dma_wait3A_61] : memref<10240x128xf32, #tpu.memory_space<hbm>> -> memref<10240x128xf32, #tpu.memory_space<hbm>>
        tpu.wait_indirect_dma semaphore(%arg13 : memref<!tpu.dma_semaphore, #tpu.memory_space<semaphore_mem>>) src(%dma_wait3A_62 : memref<10240x128xf32, #tpu.memory_space<hbm>>) dst(%arg10 : memref<128x128xf32, #tpu.memory_space<vmem>>)
        %add3A_63 = arith.constant 1 : i32
        %add3A_64 = arith.addi %mul3A_28, %add3A_63 : i32
        %dma_start3A_65 = arith.constant 0 : i32
        %dma_start3A_66 = tpu.memref_slice %arg8[%add3A_64, %dma_start3A_65] : memref<16x128xi32, #tpu.memory_space<vmem>> -> memref<1x128xi32, #tpu.memory_space<vmem>>
        %dma_start3A_67 = tpu.memref_squeeze %dma_start3A_66 : memref<1x128xi32, #tpu.memory_space<vmem>> -> memref<128xi32, #tpu.memory_space<vmem>>
        %dma_start3A_68 = arith.constant 0 : i32
        %dma_start3A_69 = arith.constant 0 : i32
        %dma_start3A_70 = tpu.memref_slice %arg11[%dma_start3A_68, %dma_start3A_69] : memref<10240x128xf32, #tpu.memory_space<vmem_shared>> -> memref<10240x128xf32, #tpu.memory_space<vmem_shared>>
        tpu.enqueue_indirect_dma source(%arg10 : memref<128x128xf32, #tpu.memory_space<vmem>>) target(%dma_start3A_70 : memref<10240x128xf32, #tpu.memory_space<vmem_shared>>) offsets(%dma_start3A_67 : memref<128xi32, #tpu.memory_space<vmem>>) semaphore(%arg14 : memref<!tpu.dma_semaphore, #tpu.memory_space<semaphore_mem>>) {add = true}
        %dma_wait3A_71 = arith.constant 0 : i32
        %dma_wait3A_72 = tpu.memref_slice %arg8[%add3A_50, %dma_wait3A_71] : memref<16x128xi32, #tpu.memory_space<vmem>> -> memref<1x128xi32, #tpu.memory_space<vmem>>
        %dma_wait3A_73 = tpu.memref_squeeze %dma_wait3A_72 : memref<1x128xi32, #tpu.memory_space<vmem>> -> memref<128xi32, #tpu.memory_space<vmem>>
        %dma_wait3A_74 = arith.constant 0 : i32
        %dma_wait3A_75 = arith.constant 0 : i32
        %dma_wait3A_76 = tpu.memref_slice %arg11[%dma_wait3A_74, %dma_wait3A_75] : memref<10240x128xf32, #tpu.memory_space<vmem_shared>> -> memref<10240x128xf32, #tpu.memory_space<vmem_shared>>
        tpu.wait_indirect_dma semaphore(%arg14 : memref<!tpu.dma_semaphore, #tpu.memory_space<semaphore_mem>>) src(%arg9 : memref<128x128xf32, #tpu.memory_space<vmem>>) dst(%dma_wait3A_76 : memref<10240x128xf32, #tpu.memory_space<vmem_shared>>)
        %dma_wait3A_77 = arith.constant 0 : i32
        %dma_wait3A_78 = tpu.memref_slice %arg8[%add3A_64, %dma_wait3A_77] : memref<16x128xi32, #tpu.memory_space<vmem>> -> memref<1x128xi32, #tpu.memory_space<vmem>>
        %dma_wait3A_79 = tpu.memref_squeeze %dma_wait3A_78 : memref<1x128xi32, #tpu.memory_space<vmem>> -> memref<128xi32, #tpu.memory_space<vmem>>
        %dma_wait3A_80 = arith.constant 0 : i32
        %dma_wait3A_81 = arith.constant 0 : i32
        %dma_wait3A_82 = tpu.memref_slice %arg11[%dma_wait3A_80, %dma_wait3A_81] : memref<10240x128xf32, #tpu.memory_space<vmem_shared>> -> memref<10240x128xf32, #tpu.memory_space<vmem_shared>>
        tpu.wait_indirect_dma semaphore(%arg14 : memref<!tpu.dma_semaphore, #tpu.memory_space<semaphore_mem>>) src(%arg10 : memref<128x128xf32, #tpu.memory_space<vmem>>) dst(%dma_wait3A_82 : memref<10240x128xf32, #tpu.memory_space<vmem_shared>>)
      }
      %scan3A_25 = arith.constant 8 : i32
    }
    %scan3A_9 = arith.constant 10 : i32
    %barrier3A_10 = arith.constant 0 : index
    tpu.barrier barrier_id(%barrier3A_10)
    %eq3A_11 = arith.constant 0 : i32
    %eq3A_12 = arith.cmpi eq, %arg1, %eq3A_11 : i32
    %convert_element_type3A_13 = arith.extui %eq3A_12 : i1 to i32
    %cond3A_14 = arith.constant 0 : i32
    %cond3A_15 = arith.cmpi ne, %convert_element_type3A_13, %cond3A_14 : i32
    scf.if %cond3A_15 {
      "tpu.region"() ({
        %run_scoped3A = tpu.sem_alloc : memref<!tpu.dma_semaphore, #tpu.memory_space<semaphore_mem>>
        %dma_start3A = arith.constant 0 : i32
        %dma_start3A_16 = arith.constant 0 : i32
        %dma_start3A_17 = tpu.memref_slice %arg6[%arg0, %dma_start3A, %dma_start3A_16] : memref<2x10240x128xf32, #tpu.memory_space<hbm>> -> memref<1x10240x128xf32, #tpu.memory_space<hbm>>
        %dma_start3A_18 = tpu.memref_squeeze %dma_start3A_17 : memref<1x10240x128xf32, #tpu.memory_space<hbm>> -> memref<10240x128xf32, #tpu.memory_space<hbm>>
        tpu.enqueue_dma source(%arg11 : memref<10240x128xf32, #tpu.memory_space<vmem_shared>>) target(%dma_start3A_18 : memref<10240x128xf32, #tpu.memory_space<hbm>>) target_semaphore(%run_scoped3A : memref<!tpu.dma_semaphore, #tpu.memory_space<semaphore_mem>>)
        %dma_wait3A = arith.constant 0 : i32
        %dma_wait3A_19 = arith.constant 0 : i32
        %dma_wait3A_20 = tpu.memref_slice %arg6[%arg0, %dma_wait3A, %dma_wait3A_19] : memref<2x10240x128xf32, #tpu.memory_space<hbm>> -> memref<1x10240x128xf32, #tpu.memory_space<hbm>>
        %dma_wait3A_21 = tpu.memref_squeeze %dma_wait3A_20 : memref<1x10240x128xf32, #tpu.memory_space<hbm>> -> memref<10240x128xf32, #tpu.memory_space<hbm>>
        tpu.wait_dma2 semaphore(%run_scoped3A : memref<!tpu.dma_semaphore, #tpu.memory_space<semaphore_mem>>) src(%arg11 : memref<10240x128xf32, #tpu.memory_space<vmem_shared>>) dst(%dma_wait3A_21 : memref<10240x128xf32, #tpu.memory_space<hbm>>)
        tpu.yield
      }) : () -> ()
    } else {
    }
    return
  }
}

#map = affine_map<(d0, d1) -> (0, 0)>
#map1 = affine_map<(d0, d1) -> (0)>
module attributes {stable_mosaic.version = 14 : i64} {
  func.func @_sc_pass1_body(%arg0: i32, %arg1: i32, %arg2: memref<5120x128xi32, #tpu.memory_space<hbm>>, %arg3: memref<5120x128xi32, #tpu.memory_space<hbm>>, %arg4: memref<10240xf32, #tpu.memory_space<hbm>>, %arg5: memref<128xf32, #tpu.memory_space<hbm>>, %arg6: memref<10240xf32, #tpu.memory_space<hbm>>, %arg7: memref<2x10240xf32, #tpu.memory_space<hbm>>, %arg8: memref<2x10240xf32, #tpu.memory_space<hbm>>, %arg9: memref<160x128xi32, #tpu.memory_space<vmem>>, %arg10: memref<160x128xi32, #tpu.memory_space<vmem>>, %arg11: memref<128xf32, #tpu.memory_space<vmem>>, %arg12: memref<128xf32, #tpu.memory_space<vmem>>, %arg13: memref<128xf32, #tpu.memory_space<vmem>>, %arg14: memref<128xf32, #tpu.memory_space<vmem>>, %arg15: memref<128xf32, #tpu.memory_space<vmem>>, %arg16: memref<10240xf32, #tpu.memory_space<vmem_shared>>, %arg17: memref<10240xf32, #tpu.memory_space<vmem_shared>>, %arg18: memref<10240xf32, #tpu.memory_space<vmem_shared>>, %arg19: memref<!tpu.dma_semaphore, #tpu.memory_space<semaphore_mem>>, %arg20: memref<!tpu.dma_semaphore, #tpu.memory_space<semaphore_mem>>, %arg21: memref<!tpu.dma_semaphore, #tpu.memory_space<semaphore_mem>>, %arg22: memref<!tpu.dma_semaphore, #tpu.memory_space<semaphore_mem>>, %arg23: memref<!tpu.dma_semaphore, #tpu.memory_space<semaphore_mem>>) attributes {dimension_semantics = [#tpu.dimension_semantics<core_parallel>, #tpu.dimension_semantics<subcore_parallel>], iteration_bounds = array<i64: 2, 16>, scalar_prefetch = 0 : i64, scratch_operands = 15 : i64, tpu.core_type = #tpu.core_type<sc_vector_subcore>, window_params = [{transform_indices = #map}, {transform_indices = #map}, {transform_indices = #map1}, {transform_indices = #map1}, {transform_indices = #map1}, {transform_indices = #map}, {transform_indices = #map}]} {
    %mul3A = arith.constant 2 : i32
    %mul3A_0 = arith.muli %arg1, %mul3A : i32
    %add3A = arith.addi %mul3A_0, %arg0 : i32
    %eq3A = arith.constant 0 : i32
    %eq3A_1 = arith.cmpi eq, %arg1, %eq3A : i32
    %convert_element_type3A = arith.extui %eq3A_1 : i1 to i32
    %cond3A = arith.constant 0 : i32
    %cond3A_2 = arith.cmpi ne, %convert_element_type3A, %cond3A : i32
    scf.if %cond3A_2 {
      "tpu.region"() ({
        %run_scoped3A = tpu.sem_alloc : memref<!tpu.dma_semaphore, #tpu.memory_space<semaphore_mem>>
        tpu.enqueue_dma source(%arg6 : memref<10240xf32, #tpu.memory_space<hbm>>) target(%arg17 : memref<10240xf32, #tpu.memory_space<vmem_shared>>) target_semaphore(%run_scoped3A : memref<!tpu.dma_semaphore, #tpu.memory_space<semaphore_mem>>)
        tpu.wait_dma2 semaphore(%run_scoped3A : memref<!tpu.dma_semaphore, #tpu.memory_space<semaphore_mem>>) src(%arg6 : memref<10240xf32, #tpu.memory_space<hbm>>) dst(%arg17 : memref<10240xf32, #tpu.memory_space<vmem_shared>>)
        tpu.yield
      }) : () -> ()
      "tpu.region"() ({
        %run_scoped3A = tpu.sem_alloc : memref<!tpu.dma_semaphore, #tpu.memory_space<semaphore_mem>>
        tpu.enqueue_dma source(%arg6 : memref<10240xf32, #tpu.memory_space<hbm>>) target(%arg18 : memref<10240xf32, #tpu.memory_space<vmem_shared>>) target_semaphore(%run_scoped3A : memref<!tpu.dma_semaphore, #tpu.memory_space<semaphore_mem>>)
        tpu.wait_dma2 semaphore(%run_scoped3A : memref<!tpu.dma_semaphore, #tpu.memory_space<semaphore_mem>>) src(%arg6 : memref<10240xf32, #tpu.memory_space<hbm>>) dst(%arg18 : memref<10240xf32, #tpu.memory_space<vmem_shared>>)
        tpu.yield
      }) : () -> ()
      "tpu.region"() ({
        %run_scoped3A = tpu.sem_alloc : memref<!tpu.dma_semaphore, #tpu.memory_space<semaphore_mem>>
        tpu.enqueue_dma source(%arg4 : memref<10240xf32, #tpu.memory_space<hbm>>) target(%arg16 : memref<10240xf32, #tpu.memory_space<vmem_shared>>) target_semaphore(%run_scoped3A : memref<!tpu.dma_semaphore, #tpu.memory_space<semaphore_mem>>)
        tpu.wait_dma2 semaphore(%run_scoped3A : memref<!tpu.dma_semaphore, #tpu.memory_space<semaphore_mem>>) src(%arg4 : memref<10240xf32, #tpu.memory_space<hbm>>) dst(%arg16 : memref<10240xf32, #tpu.memory_space<vmem_shared>>)
        tpu.yield
      }) : () -> ()
    } else {
    }
    "tpu.region"() ({
      %run_scoped3A = tpu.sem_alloc : memref<!tpu.dma_semaphore, #tpu.memory_space<semaphore_mem>>
      tpu.enqueue_dma source(%arg5 : memref<128xf32, #tpu.memory_space<hbm>>) target(%arg15 : memref<128xf32, #tpu.memory_space<vmem>>) target_semaphore(%run_scoped3A : memref<!tpu.dma_semaphore, #tpu.memory_space<semaphore_mem>>)
      tpu.wait_dma2 semaphore(%run_scoped3A : memref<!tpu.dma_semaphore, #tpu.memory_space<semaphore_mem>>) src(%arg5 : memref<128xf32, #tpu.memory_space<hbm>>) dst(%arg15 : memref<128xf32, #tpu.memory_space<vmem>>)
      tpu.yield
    }) : () -> ()
    %mul3A_3 = arith.constant 160 : i32
    %mul3A_4 = arith.muli %add3A, %mul3A_3 : i32
    "tpu.region"() ({
      %run_scoped3A = tpu.sem_alloc : memref<!tpu.dma_semaphore, #tpu.memory_space<semaphore_mem>>
      %dma_start3A = arith.constant 0 : i32
      %dma_start3A_16 = tpu.memref_slice %arg2[%mul3A_4, %dma_start3A] : memref<5120x128xi32, #tpu.memory_space<hbm>> -> memref<160x128xi32, #tpu.memory_space<hbm>>
      %dma_start3A_17 = arith.constant 0 : i32
      %dma_start3A_18 = tpu.memref_slice %arg2[%mul3A_4, %dma_start3A_17] : memref<5120x128xi32, #tpu.memory_space<hbm>> -> memref<160x128xi32, #tpu.memory_space<hbm>>
      tpu.enqueue_dma source(%dma_start3A_18 : memref<160x128xi32, #tpu.memory_space<hbm>>) target(%arg9 : memref<160x128xi32, #tpu.memory_space<vmem>>) target_semaphore(%run_scoped3A : memref<!tpu.dma_semaphore, #tpu.memory_space<semaphore_mem>>)
      %dma_wait3A = arith.constant 0 : i32
      %dma_wait3A_19 = tpu.memref_slice %arg2[%mul3A_4, %dma_wait3A] : memref<5120x128xi32, #tpu.memory_space<hbm>> -> memref<160x128xi32, #tpu.memory_space<hbm>>
      %dma_wait3A_20 = arith.constant 0 : i32
      %dma_wait3A_21 = tpu.memref_slice %arg2[%mul3A_4, %dma_wait3A_20] : memref<5120x128xi32, #tpu.memory_space<hbm>> -> memref<160x128xi32, #tpu.memory_space<hbm>>
      tpu.wait_dma2 semaphore(%run_scoped3A : memref<!tpu.dma_semaphore, #tpu.memory_space<semaphore_mem>>) src(%dma_wait3A_21 : memref<160x128xi32, #tpu.memory_space<hbm>>) dst(%arg9 : memref<160x128xi32, #tpu.memory_space<vmem>>)
      tpu.yield
    }) : () -> ()
    "tpu.region"() ({
      %run_scoped3A = tpu.sem_alloc : memref<!tpu.dma_semaphore, #tpu.memory_space<semaphore_mem>>
      %dma_start3A = arith.constant 0 : i32
      %dma_start3A_16 = tpu.memref_slice %arg3[%mul3A_4, %dma_start3A] : memref<5120x128xi32, #tpu.memory_space<hbm>> -> memref<160x128xi32, #tpu.memory_space<hbm>>
      %dma_start3A_17 = arith.constant 0 : i32
      %dma_start3A_18 = tpu.memref_slice %arg3[%mul3A_4, %dma_start3A_17] : memref<5120x128xi32, #tpu.memory_space<hbm>> -> memref<160x128xi32, #tpu.memory_space<hbm>>
      tpu.enqueue_dma source(%dma_start3A_18 : memref<160x128xi32, #tpu.memory_space<hbm>>) target(%arg10 : memref<160x128xi32, #tpu.memory_space<vmem>>) target_semaphore(%run_scoped3A : memref<!tpu.dma_semaphore, #tpu.memory_space<semaphore_mem>>)
      %dma_wait3A = arith.constant 0 : i32
      %dma_wait3A_19 = tpu.memref_slice %arg3[%mul3A_4, %dma_wait3A] : memref<5120x128xi32, #tpu.memory_space<hbm>> -> memref<160x128xi32, #tpu.memory_space<hbm>>
      %dma_wait3A_20 = arith.constant 0 : i32
      %dma_wait3A_21 = tpu.memref_slice %arg3[%mul3A_4, %dma_wait3A_20] : memref<5120x128xi32, #tpu.memory_space<hbm>> -> memref<160x128xi32, #tpu.memory_space<hbm>>
      tpu.wait_dma2 semaphore(%run_scoped3A : memref<!tpu.dma_semaphore, #tpu.memory_space<semaphore_mem>>) src(%dma_wait3A_21 : memref<160x128xi32, #tpu.memory_space<hbm>>) dst(%arg10 : memref<160x128xi32, #tpu.memory_space<vmem>>)
      tpu.yield
    }) : () -> ()
    %barrier3A = arith.constant 0 : index
    tpu.barrier barrier_id(%barrier3A)
    %scan3A = arith.constant 0 : i32
    %scan3A_5 = arith.constant 0 : i32
    %scan3A_6 = arith.constant 40 : i32
    %scan3A_7 = arith.addi %scan3A_5, %scan3A_6 : i32
    %scan3A_8 = arith.constant 1 : i32
    scf.for %scan3A_16 = %scan3A_5 to %scan3A_7 step %scan3A_8  : i32 {
      %mul3A_17 = arith.constant 4 : i32
      %mul3A_18 = arith.muli %scan3A_16, %mul3A_17 : i32
      %add3A_19 = arith.constant 0 : i32
      %add3A_20 = arith.addi %mul3A_18, %add3A_19 : i32
      %dma_start3A = arith.constant 0 : i32
      %dma_start3A_21 = tpu.memref_slice %arg9[%add3A_20, %dma_start3A] : memref<160x128xi32, #tpu.memory_space<vmem>> -> memref<1x128xi32, #tpu.memory_space<vmem>>
      %dma_start3A_22 = tpu.memref_squeeze %dma_start3A_21 : memref<1x128xi32, #tpu.memory_space<vmem>> -> memref<128xi32, #tpu.memory_space<vmem>>
      %dma_start3A_23 = arith.constant 0 : i32
      %dma_start3A_24 = tpu.memref_slice %arg16[%dma_start3A_23] : memref<10240xf32, #tpu.memory_space<vmem_shared>> -> memref<10240xf32, #tpu.memory_space<vmem_shared>>
      tpu.enqueue_indirect_dma source(%dma_start3A_24 : memref<10240xf32, #tpu.memory_space<vmem_shared>>) target(%arg11 : memref<128xf32, #tpu.memory_space<vmem>>) offsets(%dma_start3A_22 : memref<128xi32, #tpu.memory_space<vmem>>) semaphore(%arg19 : memref<!tpu.dma_semaphore, #tpu.memory_space<semaphore_mem>>)
      %add3A_25 = arith.constant 1 : i32
      %add3A_26 = arith.addi %mul3A_18, %add3A_25 : i32
      %dma_start3A_27 = arith.constant 0 : i32
      %dma_start3A_28 = tpu.memref_slice %arg9[%add3A_26, %dma_start3A_27] : memref<160x128xi32, #tpu.memory_space<vmem>> -> memref<1x128xi32, #tpu.memory_space<vmem>>
      %dma_start3A_29 = tpu.memref_squeeze %dma_start3A_28 : memref<1x128xi32, #tpu.memory_space<vmem>> -> memref<128xi32, #tpu.memory_space<vmem>>
      %dma_start3A_30 = arith.constant 0 : i32
      %dma_start3A_31 = tpu.memref_slice %arg16[%dma_start3A_30] : memref<10240xf32, #tpu.memory_space<vmem_shared>> -> memref<10240xf32, #tpu.memory_space<vmem_shared>>
      tpu.enqueue_indirect_dma source(%dma_start3A_31 : memref<10240xf32, #tpu.memory_space<vmem_shared>>) target(%arg12 : memref<128xf32, #tpu.memory_space<vmem>>) offsets(%dma_start3A_29 : memref<128xi32, #tpu.memory_space<vmem>>) semaphore(%arg20 : memref<!tpu.dma_semaphore, #tpu.memory_space<semaphore_mem>>)
      %add3A_32 = arith.constant 2 : i32
      %add3A_33 = arith.addi %mul3A_18, %add3A_32 : i32
      %dma_start3A_34 = arith.constant 0 : i32
      %dma_start3A_35 = tpu.memref_slice %arg9[%add3A_33, %dma_start3A_34] : memref<160x128xi32, #tpu.memory_space<vmem>> -> memref<1x128xi32, #tpu.memory_space<vmem>>
      %dma_start3A_36 = tpu.memref_squeeze %dma_start3A_35 : memref<1x128xi32, #tpu.memory_space<vmem>> -> memref<128xi32, #tpu.memory_space<vmem>>
      %dma_start3A_37 = arith.constant 0 : i32
      %dma_start3A_38 = tpu.memref_slice %arg16[%dma_start3A_37] : memref<10240xf32, #tpu.memory_space<vmem_shared>> -> memref<10240xf32, #tpu.memory_space<vmem_shared>>
      tpu.enqueue_indirect_dma source(%dma_start3A_38 : memref<10240xf32, #tpu.memory_space<vmem_shared>>) target(%arg13 : memref<128xf32, #tpu.memory_space<vmem>>) offsets(%dma_start3A_36 : memref<128xi32, #tpu.memory_space<vmem>>) semaphore(%arg21 : memref<!tpu.dma_semaphore, #tpu.memory_space<semaphore_mem>>)
      %add3A_39 = arith.constant 3 : i32
      %add3A_40 = arith.addi %mul3A_18, %add3A_39 : i32
      %dma_start3A_41 = arith.constant 0 : i32
      %dma_start3A_42 = tpu.memref_slice %arg9[%add3A_40, %dma_start3A_41] : memref<160x128xi32, #tpu.memory_space<vmem>> -> memref<1x128xi32, #tpu.memory_space<vmem>>
      %dma_start3A_43 = tpu.memref_squeeze %dma_start3A_42 : memref<1x128xi32, #tpu.memory_space<vmem>> -> memref<128xi32, #tpu.memory_space<vmem>>
      %dma_start3A_44 = arith.constant 0 : i32
      %dma_start3A_45 = tpu.memref_slice %arg16[%dma_start3A_44] : memref<10240xf32, #tpu.memory_space<vmem_shared>> -> memref<10240xf32, #tpu.memory_space<vmem_shared>>
      tpu.enqueue_indirect_dma source(%dma_start3A_45 : memref<10240xf32, #tpu.memory_space<vmem_shared>>) target(%arg14 : memref<128xf32, #tpu.memory_space<vmem>>) offsets(%dma_start3A_43 : memref<128xi32, #tpu.memory_space<vmem>>) semaphore(%arg22 : memref<!tpu.dma_semaphore, #tpu.memory_space<semaphore_mem>>)
      %dma_wait3A = arith.constant 0 : i32
      %dma_wait3A_46 = tpu.memref_slice %arg9[%add3A_20, %dma_wait3A] : memref<160x128xi32, #tpu.memory_space<vmem>> -> memref<1x128xi32, #tpu.memory_space<vmem>>
      %dma_wait3A_47 = tpu.memref_squeeze %dma_wait3A_46 : memref<1x128xi32, #tpu.memory_space<vmem>> -> memref<128xi32, #tpu.memory_space<vmem>>
      %dma_wait3A_48 = arith.constant 0 : i32
      %dma_wait3A_49 = tpu.memref_slice %arg16[%dma_wait3A_48] : memref<10240xf32, #tpu.memory_space<vmem_shared>> -> memref<10240xf32, #tpu.memory_space<vmem_shared>>
      tpu.wait_indirect_dma semaphore(%arg19 : memref<!tpu.dma_semaphore, #tpu.memory_space<semaphore_mem>>) src(%dma_wait3A_49 : memref<10240xf32, #tpu.memory_space<vmem_shared>>) dst(%arg11 : memref<128xf32, #tpu.memory_space<vmem>>)
      %add3A_50 = arith.constant 0 : i32
      %add3A_51 = arith.addi %mul3A_18, %add3A_50 : i32
      %dma_start3A_52 = arith.constant 0 : i32
      %dma_start3A_53 = tpu.memref_slice %arg10[%add3A_51, %dma_start3A_52] : memref<160x128xi32, #tpu.memory_space<vmem>> -> memref<1x128xi32, #tpu.memory_space<vmem>>
      %dma_start3A_54 = tpu.memref_squeeze %dma_start3A_53 : memref<1x128xi32, #tpu.memory_space<vmem>> -> memref<128xi32, #tpu.memory_space<vmem>>
      %dma_start3A_55 = arith.constant 0 : i32
      %dma_start3A_56 = tpu.memref_slice %arg17[%dma_start3A_55] : memref<10240xf32, #tpu.memory_space<vmem_shared>> -> memref<10240xf32, #tpu.memory_space<vmem_shared>>
      tpu.enqueue_indirect_dma source(%arg11 : memref<128xf32, #tpu.memory_space<vmem>>) target(%dma_start3A_56 : memref<10240xf32, #tpu.memory_space<vmem_shared>>) offsets(%dma_start3A_54 : memref<128xi32, #tpu.memory_space<vmem>>) semaphore(%arg23 : memref<!tpu.dma_semaphore, #tpu.memory_space<semaphore_mem>>) {add = true}
      %add3A_57 = arith.constant 0 : i32
      %add3A_58 = arith.addi %mul3A_18, %add3A_57 : i32
      %dma_start3A_59 = arith.constant 0 : i32
      %dma_start3A_60 = tpu.memref_slice %arg10[%add3A_58, %dma_start3A_59] : memref<160x128xi32, #tpu.memory_space<vmem>> -> memref<1x128xi32, #tpu.memory_space<vmem>>
      %dma_start3A_61 = tpu.memref_squeeze %dma_start3A_60 : memref<1x128xi32, #tpu.memory_space<vmem>> -> memref<128xi32, #tpu.memory_space<vmem>>
      %dma_start3A_62 = arith.constant 0 : i32
      %dma_start3A_63 = tpu.memref_slice %arg18[%dma_start3A_62] : memref<10240xf32, #tpu.memory_space<vmem_shared>> -> memref<10240xf32, #tpu.memory_space<vmem_shared>>
      tpu.enqueue_indirect_dma source(%arg15 : memref<128xf32, #tpu.memory_space<vmem>>) target(%dma_start3A_63 : memref<10240xf32, #tpu.memory_space<vmem_shared>>) offsets(%dma_start3A_61 : memref<128xi32, #tpu.memory_space<vmem>>) semaphore(%arg23 : memref<!tpu.dma_semaphore, #tpu.memory_space<semaphore_mem>>) {add = true}
      %dma_wait3A_64 = arith.constant 0 : i32
      %dma_wait3A_65 = tpu.memref_slice %arg9[%add3A_26, %dma_wait3A_64] : memref<160x128xi32, #tpu.memory_space<vmem>> -> memref<1x128xi32, #tpu.memory_space<vmem>>
      %dma_wait3A_66 = tpu.memref_squeeze %dma_wait3A_65 : memref<1x128xi32, #tpu.memory_space<vmem>> -> memref<128xi32, #tpu.memory_space<vmem>>
      %dma_wait3A_67 = arith.constant 0 : i32
      %dma_wait3A_68 = tpu.memref_slice %arg16[%dma_wait3A_67] : memref<10240xf32, #tpu.memory_space<vmem_shared>> -> memref<10240xf32, #tpu.memory_space<vmem_shared>>
      tpu.wait_indirect_dma semaphore(%arg20 : memref<!tpu.dma_semaphore, #tpu.memory_space<semaphore_mem>>) src(%dma_wait3A_68 : memref<10240xf32, #tpu.memory_space<vmem_shared>>) dst(%arg12 : memref<128xf32, #tpu.memory_space<vmem>>)
      %add3A_69 = arith.constant 1 : i32
      %add3A_70 = arith.addi %mul3A_18, %add3A_69 : i32
      %dma_start3A_71 = arith.constant 0 : i32
      %dma_start3A_72 = tpu.memref_slice %arg10[%add3A_70, %dma_start3A_71] : memref<160x128xi32, #tpu.memory_space<vmem>> -> memref<1x128xi32, #tpu.memory_space<vmem>>
      %dma_start3A_73 = tpu.memref_squeeze %dma_start3A_72 : memref<1x128xi32, #tpu.memory_space<vmem>> -> memref<128xi32, #tpu.memory_space<vmem>>
      %dma_start3A_74 = arith.constant 0 : i32
      %dma_start3A_75 = tpu.memref_slice %arg17[%dma_start3A_74] : memref<10240xf32, #tpu.memory_space<vmem_shared>> -> memref<10240xf32, #tpu.memory_space<vmem_shared>>
      tpu.enqueue_indirect_dma source(%arg12 : memref<128xf32, #tpu.memory_space<vmem>>) target(%dma_start3A_75 : memref<10240xf32, #tpu.memory_space<vmem_shared>>) offsets(%dma_start3A_73 : memref<128xi32, #tpu.memory_space<vmem>>) semaphore(%arg23 : memref<!tpu.dma_semaphore, #tpu.memory_space<semaphore_mem>>) {add = true}
      %add3A_76 = arith.constant 1 : i32
      %add3A_77 = arith.addi %mul3A_18, %add3A_76 : i32
      %dma_start3A_78 = arith.constant 0 : i32
      %dma_start3A_79 = tpu.memref_slice %arg10[%add3A_77, %dma_start3A_78] : memref<160x128xi32, #tpu.memory_space<vmem>> -> memref<1x128xi32, #tpu.memory_space<vmem>>
      %dma_start3A_80 = tpu.memref_squeeze %dma_start3A_79 : memref<1x128xi32, #tpu.memory_space<vmem>> -> memref<128xi32, #tpu.memory_space<vmem>>
      %dma_start3A_81 = arith.constant 0 : i32
      %dma_start3A_82 = tpu.memref_slice %arg18[%dma_start3A_81] : memref<10240xf32, #tpu.memory_space<vmem_shared>> -> memref<10240xf32, #tpu.memory_space<vmem_shared>>
      tpu.enqueue_indirect_dma source(%arg15 : memref<128xf32, #tpu.memory_space<vmem>>) target(%dma_start3A_82 : memref<10240xf32, #tpu.memory_space<vmem_shared>>) offsets(%dma_start3A_80 : memref<128xi32, #tpu.memory_space<vmem>>) semaphore(%arg23 : memref<!tpu.dma_semaphore, #tpu.memory_space<semaphore_mem>>) {add = true}
      %dma_wait3A_83 = arith.constant 0 : i32
      %dma_wait3A_84 = tpu.memref_slice %arg9[%add3A_33, %dma_wait3A_83] : memref<160x128xi32, #tpu.memory_space<vmem>> -> memref<1x128xi32, #tpu.memory_space<vmem>>
      %dma_wait3A_85 = tpu.memref_squeeze %dma_wait3A_84 : memref<1x128xi32, #tpu.memory_space<vmem>> -> memref<128xi32, #tpu.memory_space<vmem>>
      %dma_wait3A_86 = arith.constant 0 : i32
      %dma_wait3A_87 = tpu.memref_slice %arg16[%dma_wait3A_86] : memref<10240xf32, #tpu.memory_space<vmem_shared>> -> memref<10240xf32, #tpu.memory_space<vmem_shared>>
      tpu.wait_indirect_dma semaphore(%arg21 : memref<!tpu.dma_semaphore, #tpu.memory_space<semaphore_mem>>) src(%dma_wait3A_87 : memref<10240xf32, #tpu.memory_space<vmem_shared>>) dst(%arg13 : memref<128xf32, #tpu.memory_space<vmem>>)
      %add3A_88 = arith.constant 2 : i32
      %add3A_89 = arith.addi %mul3A_18, %add3A_88 : i32
      %dma_start3A_90 = arith.constant 0 : i32
      %dma_start3A_91 = tpu.memref_slice %arg10[%add3A_89, %dma_start3A_90] : memref<160x128xi32, #tpu.memory_space<vmem>> -> memref<1x128xi32, #tpu.memory_space<vmem>>
      %dma_start3A_92 = tpu.memref_squeeze %dma_start3A_91 : memref<1x128xi32, #tpu.memory_space<vmem>> -> memref<128xi32, #tpu.memory_space<vmem>>
      %dma_start3A_93 = arith.constant 0 : i32
      %dma_start3A_94 = tpu.memref_slice %arg17[%dma_start3A_93] : memref<10240xf32, #tpu.memory_space<vmem_shared>> -> memref<10240xf32, #tpu.memory_space<vmem_shared>>
      tpu.enqueue_indirect_dma source(%arg13 : memref<128xf32, #tpu.memory_space<vmem>>) target(%dma_start3A_94 : memref<10240xf32, #tpu.memory_space<vmem_shared>>) offsets(%dma_start3A_92 : memref<128xi32, #tpu.memory_space<vmem>>) semaphore(%arg23 : memref<!tpu.dma_semaphore, #tpu.memory_space<semaphore_mem>>) {add = true}
      %add3A_95 = arith.constant 2 : i32
      %add3A_96 = arith.addi %mul3A_18, %add3A_95 : i32
      %dma_start3A_97 = arith.constant 0 : i32
      %dma_start3A_98 = tpu.memref_slice %arg10[%add3A_96, %dma_start3A_97] : memref<160x128xi32, #tpu.memory_space<vmem>> -> memref<1x128xi32, #tpu.memory_space<vmem>>
      %dma_start3A_99 = tpu.memref_squeeze %dma_start3A_98 : memref<1x128xi32, #tpu.memory_space<vmem>> -> memref<128xi32, #tpu.memory_space<vmem>>
      %dma_start3A_100 = arith.constant 0 : i32
      %dma_start3A_101 = tpu.memref_slice %arg18[%dma_start3A_100] : memref<10240xf32, #tpu.memory_space<vmem_shared>> -> memref<10240xf32, #tpu.memory_space<vmem_shared>>
      tpu.enqueue_indirect_dma source(%arg15 : memref<128xf32, #tpu.memory_space<vmem>>) target(%dma_start3A_101 : memref<10240xf32, #tpu.memory_space<vmem_shared>>) offsets(%dma_start3A_99 : memref<128xi32, #tpu.memory_space<vmem>>) semaphore(%arg23 : memref<!tpu.dma_semaphore, #tpu.memory_space<semaphore_mem>>) {add = true}
      %dma_wait3A_102 = arith.constant 0 : i32
      %dma_wait3A_103 = tpu.memref_slice %arg9[%add3A_40, %dma_wait3A_102] : memref<160x128xi32, #tpu.memory_space<vmem>> -> memref<1x128xi32, #tpu.memory_space<vmem>>
      %dma_wait3A_104 = tpu.memref_squeeze %dma_wait3A_103 : memref<1x128xi32, #tpu.memory_space<vmem>> -> memref<128xi32, #tpu.memory_space<vmem>>
      %dma_wait3A_105 = arith.constant 0 : i32
      %dma_wait3A_106 = tpu.memref_slice %arg16[%dma_wait3A_105] : memref<10240xf32, #tpu.memory_space<vmem_shared>> -> memref<10240xf32, #tpu.memory_space<vmem_shared>>
      tpu.wait_indirect_dma semaphore(%arg22 : memref<!tpu.dma_semaphore, #tpu.memory_space<semaphore_mem>>) src(%dma_wait3A_106 : memref<10240xf32, #tpu.memory_space<vmem_shared>>) dst(%arg14 : memref<128xf32, #tpu.memory_space<vmem>>)
      %add3A_107 = arith.constant 3 : i32
      %add3A_108 = arith.addi %mul3A_18, %add3A_107 : i32
      %dma_start3A_109 = arith.constant 0 : i32
      %dma_start3A_110 = tpu.memref_slice %arg10[%add3A_108, %dma_start3A_109] : memref<160x128xi32, #tpu.memory_space<vmem>> -> memref<1x128xi32, #tpu.memory_space<vmem>>
      %dma_start3A_111 = tpu.memref_squeeze %dma_start3A_110 : memref<1x128xi32, #tpu.memory_space<vmem>> -> memref<128xi32, #tpu.memory_space<vmem>>
      %dma_start3A_112 = arith.constant 0 : i32
      %dma_start3A_113 = tpu.memref_slice %arg17[%dma_start3A_112] : memref<10240xf32, #tpu.memory_space<vmem_shared>> -> memref<10240xf32, #tpu.memory_space<vmem_shared>>
      tpu.enqueue_indirect_dma source(%arg14 : memref<128xf32, #tpu.memory_space<vmem>>) target(%dma_start3A_113 : memref<10240xf32, #tpu.memory_space<vmem_shared>>) offsets(%dma_start3A_111 : memref<128xi32, #tpu.memory_space<vmem>>) semaphore(%arg23 : memref<!tpu.dma_semaphore, #tpu.memory_space<semaphore_mem>>) {add = true}
      %add3A_114 = arith.constant 3 : i32
      %add3A_115 = arith.addi %mul3A_18, %add3A_114 : i32
      %dma_start3A_116 = arith.constant 0 : i32
      %dma_start3A_117 = tpu.memref_slice %arg10[%add3A_115, %dma_start3A_116] : memref<160x128xi32, #tpu.memory_space<vmem>> -> memref<1x128xi32, #tpu.memory_space<vmem>>
      %dma_start3A_118 = tpu.memref_squeeze %dma_start3A_117 : memref<1x128xi32, #tpu.memory_space<vmem>> -> memref<128xi32, #tpu.memory_space<vmem>>
      %dma_start3A_119 = arith.constant 0 : i32
      %dma_start3A_120 = tpu.memref_slice %arg18[%dma_start3A_119] : memref<10240xf32, #tpu.memory_space<vmem_shared>> -> memref<10240xf32, #tpu.memory_space<vmem_shared>>
      tpu.enqueue_indirect_dma source(%arg15 : memref<128xf32, #tpu.memory_space<vmem>>) target(%dma_start3A_120 : memref<10240xf32, #tpu.memory_space<vmem_shared>>) offsets(%dma_start3A_118 : memref<128xi32, #tpu.memory_space<vmem>>) semaphore(%arg23 : memref<!tpu.dma_semaphore, #tpu.memory_space<semaphore_mem>>) {add = true}
      %dma_wait3A_121 = arith.constant 0 : i32
      %dma_wait3A_122 = tpu.memref_slice %arg10[%add3A_51, %dma_wait3A_121] : memref<160x128xi32, #tpu.memory_space<vmem>> -> memref<1x128xi32, #tpu.memory_space<vmem>>
      %dma_wait3A_123 = tpu.memref_squeeze %dma_wait3A_122 : memref<1x128xi32, #tpu.memory_space<vmem>> -> memref<128xi32, #tpu.memory_space<vmem>>
      %dma_wait3A_124 = arith.constant 0 : i32
      %dma_wait3A_125 = tpu.memref_slice %arg17[%dma_wait3A_124] : memref<10240xf32, #tpu.memory_space<vmem_shared>> -> memref<10240xf32, #tpu.memory_space<vmem_shared>>
      tpu.wait_indirect_dma semaphore(%arg23 : memref<!tpu.dma_semaphore, #tpu.memory_space<semaphore_mem>>) src(%arg11 : memref<128xf32, #tpu.memory_space<vmem>>) dst(%dma_wait3A_125 : memref<10240xf32, #tpu.memory_space<vmem_shared>>)
      %dma_wait3A_126 = arith.constant 0 : i32
      %dma_wait3A_127 = tpu.memref_slice %arg10[%add3A_58, %dma_wait3A_126] : memref<160x128xi32, #tpu.memory_space<vmem>> -> memref<1x128xi32, #tpu.memory_space<vmem>>
      %dma_wait3A_128 = tpu.memref_squeeze %dma_wait3A_127 : memref<1x128xi32, #tpu.memory_space<vmem>> -> memref<128xi32, #tpu.memory_space<vmem>>
      %dma_wait3A_129 = arith.constant 0 : i32
      %dma_wait3A_130 = tpu.memref_slice %arg18[%dma_wait3A_129] : memref<10240xf32, #tpu.memory_space<vmem_shared>> -> memref<10240xf32, #tpu.memory_space<vmem_shared>>
      tpu.wait_indirect_dma semaphore(%arg23 : memref<!tpu.dma_semaphore, #tpu.memory_space<semaphore_mem>>) src(%arg15 : memref<128xf32, #tpu.memory_space<vmem>>) dst(%dma_wait3A_130 : memref<10240xf32, #tpu.memory_space<vmem_shared>>)
      %dma_wait3A_131 = arith.constant 0 : i32
      %dma_wait3A_132 = tpu.memref_slice %arg10[%add3A_70, %dma_wait3A_131] : memref<160x128xi32, #tpu.memory_space<vmem>> -> memref<1x128xi32, #tpu.memory_space<vmem>>
      %dma_wait3A_133 = tpu.memref_squeeze %dma_wait3A_132 : memref<1x128xi32, #tpu.memory_space<vmem>> -> memref<128xi32, #tpu.memory_space<vmem>>
      %dma_wait3A_134 = arith.constant 0 : i32
      %dma_wait3A_135 = tpu.memref_slice %arg17[%dma_wait3A_134] : memref<10240xf32, #tpu.memory_space<vmem_shared>> -> memref<10240xf32, #tpu.memory_space<vmem_shared>>
      tpu.wait_indirect_dma semaphore(%arg23 : memref<!tpu.dma_semaphore, #tpu.memory_space<semaphore_mem>>) src(%arg12 : memref<128xf32, #tpu.memory_space<vmem>>) dst(%dma_wait3A_135 : memref<10240xf32, #tpu.memory_space<vmem_shared>>)
      %dma_wait3A_136 = arith.constant 0 : i32
      %dma_wait3A_137 = tpu.memref_slice %arg10[%add3A_77, %dma_wait3A_136] : memref<160x128xi32, #tpu.memory_space<vmem>> -> memref<1x128xi32, #tpu.memory_space<vmem>>
      %dma_wait3A_138 = tpu.memref_squeeze %dma_wait3A_137 : memref<1x128xi32, #tpu.memory_space<vmem>> -> memref<128xi32, #tpu.memory_space<vmem>>
      %dma_wait3A_139 = arith.constant 0 : i32
      %dma_wait3A_140 = tpu.memref_slice %arg18[%dma_wait3A_139] : memref<10240xf32, #tpu.memory_space<vmem_shared>> -> memref<10240xf32, #tpu.memory_space<vmem_shared>>
      tpu.wait_indirect_dma semaphore(%arg23 : memref<!tpu.dma_semaphore, #tpu.memory_space<semaphore_mem>>) src(%arg15 : memref<128xf32, #tpu.memory_space<vmem>>) dst(%dma_wait3A_140 : memref<10240xf32, #tpu.memory_space<vmem_shared>>)
      %dma_wait3A_141 = arith.constant 0 : i32
      %dma_wait3A_142 = tpu.memref_slice %arg10[%add3A_89, %dma_wait3A_141] : memref<160x128xi32, #tpu.memory_space<vmem>> -> memref<1x128xi32, #tpu.memory_space<vmem>>
      %dma_wait3A_143 = tpu.memref_squeeze %dma_wait3A_142 : memref<1x128xi32, #tpu.memory_space<vmem>> -> memref<128xi32, #tpu.memory_space<vmem>>
      %dma_wait3A_144 = arith.constant 0 : i32
      %dma_wait3A_145 = tpu.memref_slice %arg17[%dma_wait3A_144] : memref<10240xf32, #tpu.memory_space<vmem_shared>> -> memref<10240xf32, #tpu.memory_space<vmem_shared>>
      tpu.wait_indirect_dma semaphore(%arg23 : memref<!tpu.dma_semaphore, #tpu.memory_space<semaphore_mem>>) src(%arg13 : memref<128xf32, #tpu.memory_space<vmem>>) dst(%dma_wait3A_145 : memref<10240xf32, #tpu.memory_space<vmem_shared>>)
      %dma_wait3A_146 = arith.constant 0 : i32
      %dma_wait3A_147 = tpu.memref_slice %arg10[%add3A_96, %dma_wait3A_146] : memref<160x128xi32, #tpu.memory_space<vmem>> -> memref<1x128xi32, #tpu.memory_space<vmem>>
      %dma_wait3A_148 = tpu.memref_squeeze %dma_wait3A_147 : memref<1x128xi32, #tpu.memory_space<vmem>> -> memref<128xi32, #tpu.memory_space<vmem>>
      %dma_wait3A_149 = arith.constant 0 : i32
      %dma_wait3A_150 = tpu.memref_slice %arg18[%dma_wait3A_149] : memref<10240xf32, #tpu.memory_space<vmem_shared>> -> memref<10240xf32, #tpu.memory_space<vmem_shared>>
      tpu.wait_indirect_dma semaphore(%arg23 : memref<!tpu.dma_semaphore, #tpu.memory_space<semaphore_mem>>) src(%arg15 : memref<128xf32, #tpu.memory_space<vmem>>) dst(%dma_wait3A_150 : memref<10240xf32, #tpu.memory_space<vmem_shared>>)
      %dma_wait3A_151 = arith.constant 0 : i32
      %dma_wait3A_152 = tpu.memref_slice %arg10[%add3A_108, %dma_wait3A_151] : memref<160x128xi32, #tpu.memory_space<vmem>> -> memref<1x128xi32, #tpu.memory_space<vmem>>
      %dma_wait3A_153 = tpu.memref_squeeze %dma_wait3A_152 : memref<1x128xi32, #tpu.memory_space<vmem>> -> memref<128xi32, #tpu.memory_space<vmem>>
      %dma_wait3A_154 = arith.constant 0 : i32
      %dma_wait3A_155 = tpu.memref_slice %arg17[%dma_wait3A_154] : memref<10240xf32, #tpu.memory_space<vmem_shared>> -> memref<10240xf32, #tpu.memory_space<vmem_shared>>
      tpu.wait_indirect_dma semaphore(%arg23 : memref<!tpu.dma_semaphore, #tpu.memory_space<semaphore_mem>>) src(%arg14 : memref<128xf32, #tpu.memory_space<vmem>>) dst(%dma_wait3A_155 : memref<10240xf32, #tpu.memory_space<vmem_shared>>)
      %dma_wait3A_156 = arith.constant 0 : i32
      %dma_wait3A_157 = tpu.memref_slice %arg10[%add3A_115, %dma_wait3A_156] : memref<160x128xi32, #tpu.memory_space<vmem>> -> memref<1x128xi32, #tpu.memory_space<vmem>>
      %dma_wait3A_158 = tpu.memref_squeeze %dma_wait3A_157 : memref<1x128xi32, #tpu.memory_space<vmem>> -> memref<128xi32, #tpu.memory_space<vmem>>
      %dma_wait3A_159 = arith.constant 0 : i32
      %dma_wait3A_160 = tpu.memref_slice %arg18[%dma_wait3A_159] : memref<10240xf32, #tpu.memory_space<vmem_shared>> -> memref<10240xf32, #tpu.memory_space<vmem_shared>>
      tpu.wait_indirect_dma semaphore(%arg23 : memref<!tpu.dma_semaphore, #tpu.memory_space<semaphore_mem>>) src(%arg15 : memref<128xf32, #tpu.memory_space<vmem>>) dst(%dma_wait3A_160 : memref<10240xf32, #tpu.memory_space<vmem_shared>>)
    }
    %scan3A_9 = arith.constant 40 : i32
    %barrier3A_10 = arith.constant 0 : index
    tpu.barrier barrier_id(%barrier3A_10)
    %eq3A_11 = arith.constant 0 : i32
    %eq3A_12 = arith.cmpi eq, %arg1, %eq3A_11 : i32
    %convert_element_type3A_13 = arith.extui %eq3A_12 : i1 to i32
    %cond3A_14 = arith.constant 0 : i32
    %cond3A_15 = arith.cmpi ne, %convert_element_type3A_13, %cond3A_14 : i32
    scf.if %cond3A_15 {
      "tpu.region"() ({
        %run_scoped3A = tpu.sem_alloc : memref<!tpu.dma_semaphore, #tpu.memory_space<semaphore_mem>>
        %dma_start3A = arith.constant 0 : i32
        %dma_start3A_16 = tpu.memref_slice %arg7[%arg0, %dma_start3A] : memref<2x10240xf32, #tpu.memory_space<hbm>> -> memref<1x10240xf32, #tpu.memory_space<hbm>>
        %dma_start3A_17 = tpu.memref_squeeze %dma_start3A_16 : memref<1x10240xf32, #tpu.memory_space<hbm>> -> memref<10240xf32, #tpu.memory_space<hbm>>
        tpu.enqueue_dma source(%arg17 : memref<10240xf32, #tpu.memory_space<vmem_shared>>) target(%dma_start3A_17 : memref<10240xf32, #tpu.memory_space<hbm>>) target_semaphore(%run_scoped3A : memref<!tpu.dma_semaphore, #tpu.memory_space<semaphore_mem>>)
        %dma_wait3A = arith.constant 0 : i32
        %dma_wait3A_18 = tpu.memref_slice %arg7[%arg0, %dma_wait3A] : memref<2x10240xf32, #tpu.memory_space<hbm>> -> memref<1x10240xf32, #tpu.memory_space<hbm>>
        %dma_wait3A_19 = tpu.memref_squeeze %dma_wait3A_18 : memref<1x10240xf32, #tpu.memory_space<hbm>> -> memref<10240xf32, #tpu.memory_space<hbm>>
        tpu.wait_dma2 semaphore(%run_scoped3A : memref<!tpu.dma_semaphore, #tpu.memory_space<semaphore_mem>>) src(%arg17 : memref<10240xf32, #tpu.memory_space<vmem_shared>>) dst(%dma_wait3A_19 : memref<10240xf32, #tpu.memory_space<hbm>>)
        tpu.yield
      }) : () -> ()
      "tpu.region"() ({
        %run_scoped3A = tpu.sem_alloc : memref<!tpu.dma_semaphore, #tpu.memory_space<semaphore_mem>>
        %dma_start3A = arith.constant 0 : i32
        %dma_start3A_16 = tpu.memref_slice %arg8[%arg0, %dma_start3A] : memref<2x10240xf32, #tpu.memory_space<hbm>> -> memref<1x10240xf32, #tpu.memory_space<hbm>>
        %dma_start3A_17 = tpu.memref_squeeze %dma_start3A_16 : memref<1x10240xf32, #tpu.memory_space<hbm>> -> memref<10240xf32, #tpu.memory_space<hbm>>
        tpu.enqueue_dma source(%arg18 : memref<10240xf32, #tpu.memory_space<vmem_shared>>) target(%dma_start3A_17 : memref<10240xf32, #tpu.memory_space<hbm>>) target_semaphore(%run_scoped3A : memref<!tpu.dma_semaphore, #tpu.memory_space<semaphore_mem>>)
        %dma_wait3A = arith.constant 0 : i32
        %dma_wait3A_18 = tpu.memref_slice %arg8[%arg0, %dma_wait3A] : memref<2x10240xf32, #tpu.memory_space<hbm>> -> memref<1x10240xf32, #tpu.memory_space<hbm>>
        %dma_wait3A_19 = tpu.memref_squeeze %dma_wait3A_18 : memref<1x10240xf32, #tpu.memory_space<hbm>> -> memref<10240xf32, #tpu.memory_space<hbm>>
        tpu.wait_dma2 semaphore(%run_scoped3A : memref<!tpu.dma_semaphore, #tpu.memory_space<semaphore_mem>>) src(%arg18 : memref<10240xf32, #tpu.memory_space<vmem_shared>>) dst(%dma_wait3A_19 : memref<10240xf32, #tpu.memory_space<hbm>>)
        tpu.yield
      }) : () -> ()
    } else {
    }
    return
  }
}

module attributes {stable_mosaic.version = 14 : i64} {
  func.func @_tc1_body(%arg0: memref<10240x1xf32, #tpu.memory_space<vmem>>, %arg1: memref<10240x2xf32, #tpu.memory_space<vmem>>, %arg2: memref<10240x2xf32, #tpu.memory_space<vmem>>, %arg3: memref<1x128xf32, #tpu.memory_space<vmem>>, %arg4: memref<1x128xf32, #tpu.memory_space<vmem>>, %arg5: memref<1x128xf32, #tpu.memory_space<vmem>>, %arg6: memref<128x128xf32, #tpu.memory_space<vmem>>, %arg7: memref<128x64xf32, #tpu.memory_space<vmem>>, %arg8: memref<10240x128xf32, #tpu.memory_space<vmem>>, %arg9: memref<10240x64xf32, #tpu.memory_space<vmem>>) attributes {dimension_semantics = [], scalar_prefetch = 0 : i64, scratch_operands = 0 : i64, tpu.core_type = #tpu.core_type<tc>} {
    %get3A = arith.constant 0 : index
    %get3A_0 = arith.constant 0 : index
    %get3A_1 = vector.load %arg1[%get3A, %get3A_0] : memref<10240x2xf32, #tpu.memory_space<vmem>>, vector<10240x1xf32>
    %get3A_2 = arith.constant 0 : index
    %get3A_3 = arith.constant 1 : index
    %get3A_4 = vector.load %arg1[%get3A_2, %get3A_3] : memref<10240x2xf32, #tpu.memory_space<vmem>>, vector<10240x1xf32>
    %add3A = arith.addf %get3A_1, %get3A_4 : vector<10240x1xf32>
    %get3A_5 = arith.constant 0 : index
    %get3A_6 = arith.constant 0 : index
    %get3A_7 = vector.load %arg2[%get3A_5, %get3A_6] : memref<10240x2xf32, #tpu.memory_space<vmem>>, vector<10240x1xf32>
    %get3A_8 = arith.constant 0 : index
    %get3A_9 = arith.constant 1 : index
    %get3A_10 = vector.load %arg2[%get3A_8, %get3A_9] : memref<10240x2xf32, #tpu.memory_space<vmem>>, vector<10240x1xf32>
    %add3A_11 = arith.addf %get3A_7, %get3A_10 : vector<10240x1xf32>
    %max3A = arith.constant 1.000000e+00 : f32
    %max3A_12 = vector.broadcast %max3A : f32 to vector<10240x1xf32>
    %max3A_13 = arith.maximumf %add3A_11, %max3A_12 : vector<10240x1xf32>
    %div3A = arith.divf %add3A, %max3A_13 : vector<10240x1xf32>
    %get3A_14 = arith.constant 0 : index
    %get3A_15 = arith.constant 0 : index
    %get3A_16 = vector.load %arg3[%get3A_14, %get3A_15] : memref<1x128xf32, #tpu.memory_space<vmem>>, vector<1x128xf32>
    %mul3A = vector.broadcast %div3A : vector<10240x1xf32> to vector<10240x128xf32>
    %mul3A_17 = vector.broadcast %get3A_16 : vector<1x128xf32> to vector<10240x128xf32>
    %mul3A_18 = arith.mulf %mul3A, %mul3A_17 : vector<10240x128xf32>
    %get3A_19 = arith.constant 0 : index
    %get3A_20 = arith.constant 0 : index
    %get3A_21 = vector.load %arg0[%get3A_19, %get3A_20] : memref<10240x1xf32, #tpu.memory_space<vmem>>, vector<10240x1xf32>
    %get3A_22 = arith.constant 0 : index
    %get3A_23 = arith.constant 0 : index
    %get3A_24 = vector.load %arg4[%get3A_22, %get3A_23] : memref<1x128xf32, #tpu.memory_space<vmem>>, vector<1x128xf32>
    %mul3A_25 = vector.broadcast %get3A_21 : vector<10240x1xf32> to vector<10240x128xf32>
    %mul3A_26 = vector.broadcast %get3A_24 : vector<1x128xf32> to vector<10240x128xf32>
    %mul3A_27 = arith.mulf %mul3A_25, %mul3A_26 : vector<10240x128xf32>
    %add3A_28 = arith.addf %mul3A_18, %mul3A_27 : vector<10240x128xf32>
    %get3A_29 = arith.constant 0 : index
    %get3A_30 = arith.constant 0 : index
    %get3A_31 = vector.load %arg5[%get3A_29, %get3A_30] : memref<1x128xf32, #tpu.memory_space<vmem>>, vector<1x128xf32>
    %add3A_32 = vector.broadcast %get3A_31 : vector<1x128xf32> to vector<10240x128xf32>
    %add3A_33 = arith.addf %add3A_28, %add3A_32 : vector<10240x128xf32>
    %max3A_34 = arith.constant 0.000000e+00 : f32
    %max3A_35 = vector.broadcast %max3A_34 : f32 to vector<10240x128xf32>
    %max3A_36 = arith.maximumf %add3A_33, %max3A_35 : vector<10240x128xf32>
    %get3A_37 = arith.constant 0 : index
    %get3A_38 = arith.constant 0 : index
    %get3A_39 = vector.load %arg6[%get3A_37, %get3A_38] : memref<128x128xf32, #tpu.memory_space<vmem>>, vector<128x128xf32>
    %dot_general3A = arith.constant dense<0.000000e+00> : vector<10240x128xf32>
    %dot_general3A_40 = tpu.matmul %max3A_36, %get3A_39, %dot_general3A {dimension_numbers = #tpu.dot_dimension_numbers<[1], [0], [0], [1], [0, 0, 1, 1], [], []>, transpose_lhs_hint = false} : vector<10240x128xf32>, vector<128x128xf32>, vector<10240x128xf32> -> vector<10240x128xf32>
    %swap3A = arith.constant 0 : index
    %swap3A_41 = arith.constant 0 : index
    %swap3A_42 = vector.load %arg8[%swap3A, %swap3A_41] : memref<10240x128xf32, #tpu.memory_space<vmem>>, vector<10240x128xf32>
    tpu.vector_store %arg8[%swap3A, %swap3A_41], %dot_general3A_40 {strides = array<i32>} : memref<10240x128xf32, #tpu.memory_space<vmem>>, vector<10240x128xf32>,
    %get3A_43 = arith.constant 0 : index
    %get3A_44 = arith.constant 0 : index
    %get3A_45 = vector.load %arg7[%get3A_43, %get3A_44] : memref<128x64xf32, #tpu.memory_space<vmem>>, vector<128x64xf32>
    %dot_general3A_46 = arith.constant dense<0.000000e+00> : vector<10240x64xf32>
    %dot_general3A_47 = tpu.matmul %max3A_36, %get3A_45, %dot_general3A_46 {dimension_numbers = #tpu.dot_dimension_numbers<[1], [0], [0], [1], [0, 0, 1, 1], [], []>, transpose_lhs_hint = false} : vector<10240x128xf32>, vector<128x64xf32>, vector<10240x64xf32> -> vector<10240x64xf32>
    %swap3A_48 = arith.constant 0 : index
    %swap3A_49 = arith.constant 0 : index
    %swap3A_50 = vector.load %arg9[%swap3A_48, %swap3A_49] : memref<10240x64xf32, #tpu.memory_space<vmem>>, vector<10240x64xf32>
    tpu.vector_store %arg9[%swap3A_48, %swap3A_49], %dot_general3A_47 {strides = array<i32>} : memref<10240x64xf32, #tpu.memory_space<vmem>>, vector<10240x64xf32>,
    return
  }
}

module attributes {stable_mosaic.version = 14 : i64} {
  func.func @_tc2_body(%arg0: memref<2x10240x128xf32, #tpu.memory_space<vmem>>, %arg1: memref<10240x2xf32, #tpu.memory_space<vmem>>, %arg2: memref<10240x64xf32, #tpu.memory_space<vmem>>, %arg3: memref<1x64xf32, #tpu.memory_space<vmem>>, %arg4: memref<10240x128xf32, #tpu.memory_space<vmem>>) attributes {dimension_semantics = [], scalar_prefetch = 0 : i64, scratch_operands = 0 : i64, tpu.core_type = #tpu.core_type<tc>} {
    %get3A = arith.constant 0 : index
    %get3A_0 = arith.constant 0 : index
    %get3A_1 = vector.load %arg1[%get3A, %get3A_0] : memref<10240x2xf32, #tpu.memory_space<vmem>>, vector<10240x1xf32>
    %get3A_2 = arith.constant 0 : index
    %get3A_3 = arith.constant 1 : index
    %get3A_4 = vector.load %arg1[%get3A_2, %get3A_3] : memref<10240x2xf32, #tpu.memory_space<vmem>>, vector<10240x1xf32>
    %add3A = arith.addf %get3A_1, %get3A_4 : vector<10240x1xf32>
    %max3A = arith.constant 1.000000e+00 : f32
    %max3A_5 = vector.broadcast %max3A : f32 to vector<10240x1xf32>
    %max3A_6 = arith.maximumf %add3A, %max3A_5 : vector<10240x1xf32>
    %get3A_7 = arith.constant 0 : index
    %get3A_8 = arith.constant 0 : index
    %get3A_9 = arith.constant 0 : index
    %get3A_10 = vector.load %arg0[%get3A_7, %get3A_8, %get3A_9] : memref<2x10240x128xf32, #tpu.memory_space<vmem>>, vector<1x10240x64xf32>
    %get3A_11 = vector.shape_cast %get3A_10 : vector<1x10240x64xf32> to vector<10240x64xf32>
    %get3A_12 = arith.constant 1 : index
    %get3A_13 = arith.constant 0 : index
    %get3A_14 = arith.constant 0 : index
    %get3A_15 = vector.load %arg0[%get3A_12, %get3A_13, %get3A_14] : memref<2x10240x128xf32, #tpu.memory_space<vmem>>, vector<1x10240x64xf32>
    %get3A_16 = vector.shape_cast %get3A_15 : vector<1x10240x64xf32> to vector<10240x64xf32>
    %add3A_17 = arith.addf %get3A_11, %get3A_16 : vector<10240x64xf32>
    %div3A = vector.broadcast %max3A_6 : vector<10240x1xf32> to vector<10240x64xf32>
    %div3A_18 = arith.divf %add3A_17, %div3A : vector<10240x64xf32>
    %get3A_19 = arith.constant 0 : index
    %get3A_20 = arith.constant 0 : index
    %get3A_21 = vector.load %arg2[%get3A_19, %get3A_20] : memref<10240x64xf32, #tpu.memory_space<vmem>>, vector<10240x64xf32>
    %add3A_22 = arith.addf %div3A_18, %get3A_21 : vector<10240x64xf32>
    %get3A_23 = arith.constant 0 : index
    %get3A_24 = arith.constant 0 : index
    %get3A_25 = vector.load %arg3[%get3A_23, %get3A_24] : memref<1x64xf32, #tpu.memory_space<vmem>>, vector<1x64xf32>
    %add3A_26 = vector.broadcast %get3A_25 : vector<1x64xf32> to vector<10240x64xf32>
    %add3A_27 = arith.addf %add3A_22, %add3A_26 : vector<10240x64xf32>
    %max3A_28 = arith.constant 0.000000e+00 : f32
    %max3A_29 = vector.broadcast %max3A_28 : f32 to vector<10240x64xf32>
    %max3A_30 = arith.maximumf %add3A_27, %max3A_29 : vector<10240x64xf32>
    %broadcast_in_dim3A = arith.constant 0.000000e+00 : f32
    %broadcast_in_dim3A_31 = vector.broadcast %broadcast_in_dim3A : f32 to vector<10240x64xf32>
    %concatenate3A = tpu.concatenate %max3A_30, %broadcast_in_dim3A_31 in 1 : vector<10240x64xf32>, vector<10240x64xf32> -> vector<10240x128xf32>
    %swap3A = arith.constant 0 : index
    %swap3A_32 = arith.constant 0 : index
    %swap3A_33 = vector.load %arg4[%swap3A, %swap3A_32] : memref<10240x128xf32, #tpu.memory_space<vmem>>, vector<10240x128xf32>
    tpu.vector_store %arg4[%swap3A, %swap3A_32], %concatenate3A {strides = array<i32>} : memref<10240x128xf32, #tpu.memory_space<vmem>>, vector<10240x128xf32>,
    return
  }
}

module attributes {stable_mosaic.version = 14 : i64} {
  func.func @_tcp_body(%arg0: i32, %arg1: memref<2048x768xf32, #tpu.memory_space<vmem>>, %arg2: memref<768x128xf32, #tpu.memory_space<vmem>>, %arg3: memref<1x128xf32, #tpu.memory_space<vmem>>, %arg4: memref<2048x128xf32, #tpu.memory_space<vmem>>) attributes {dimension_semantics = [#tpu.dimension_semantics<arbitrary>], iteration_bounds = array<i64: 32>, scalar_prefetch = 0 : i64, scratch_operands = 0 : i64, tpu.core_type = #tpu.core_type<tc>, window_params = [{transform_indices = @transform_0, window_bounds = array<i64: 2048, 768>}, {pipeline_mode = #tpu.pipeline_mode<synchronous>, transform_indices = @transform_1, window_bounds = array<i64: 768, 128>}, {pipeline_mode = #tpu.pipeline_mode<synchronous>, transform_indices = @transform_2, window_bounds = array<i64: 1, 128>}, {transform_indices = @transform_3, window_bounds = array<i64: 2048, 128>}]} {
    %get3A = arith.constant 0 : index
    %get3A_0 = arith.constant 0 : index
    %get3A_1 = vector.load %arg1[%get3A, %get3A_0] : memref<2048x768xf32, #tpu.memory_space<vmem>>, vector<2048x768xf32>
    %get3A_2 = arith.constant 0 : index
    %get3A_3 = arith.constant 0 : index
    %get3A_4 = vector.load %arg2[%get3A_2, %get3A_3] : memref<768x128xf32, #tpu.memory_space<vmem>>, vector<768x128xf32>
    %dot_general3A = arith.constant dense<0.000000e+00> : vector<2048x128xf32>
    %dot_general3A_5 = tpu.matmul %get3A_1, %get3A_4, %dot_general3A {dimension_numbers = #tpu.dot_dimension_numbers<[1], [0], [0], [1], [0, 0, 1, 1], [], []>, transpose_lhs_hint = false} : vector<2048x768xf32>, vector<768x128xf32>, vector<2048x128xf32> -> vector<2048x128xf32>
    %get3A_6 = arith.constant 0 : index
    %get3A_7 = arith.constant 0 : index
    %get3A_8 = vector.load %arg3[%get3A_6, %get3A_7] : memref<1x128xf32, #tpu.memory_space<vmem>>, vector<1x128xf32>
    %add3A = vector.broadcast %get3A_8 : vector<1x128xf32> to vector<2048x128xf32>
    %add3A_9 = arith.addf %dot_general3A_5, %add3A : vector<2048x128xf32>
    %swap3A = arith.constant 0 : index
    %swap3A_10 = arith.constant 0 : index
    %swap3A_11 = vector.load %arg4[%swap3A, %swap3A_10] : memref<2048x128xf32, #tpu.memory_space<vmem>>, vector<2048x128xf32>
    tpu.vector_store %arg4[%swap3A, %swap3A_10], %add3A_9 {strides = array<i32>} : memref<2048x128xf32, #tpu.memory_space<vmem>>, vector<2048x128xf32>,
    return
  }
  func.func @transform_0(%arg0: i32) -> (i32, i32) {
    %c0_i32 = arith.constant 0 : i32
    %c0_i32_0 = arith.constant 0 : i32
    return %arg0, %c0_i32 : i32, i32
  }
  func.func @transform_1(%arg0: i32) -> (i32, i32) {
    %c0_i32 = arith.constant 0 : i32
    %c0_i32_0 = arith.constant 0 : i32
    %c0_i32_1 = arith.constant 0 : i32
    return %c0_i32, %c0_i32_0 : i32, i32
  }
  func.func @transform_2(%arg0: i32) -> (i32, i32) {
    %c0_i32 = arith.constant 0 : i32
    %c0_i32_0 = arith.constant 0 : i32
    %c0_i32_1 = arith.constant 0 : i32
    return %c0_i32, %c0_i32_0 : i32, i32
  }
  func.func @transform_3(%arg0: i32) -> (i32, i32) {
    %c0_i32 = arith.constant 0 : i32
    %c0_i32_0 = arith.constant 0 : i32
    return %arg0, %c0_i32 : i32, i32
  }
}

module attributes {stable_mosaic.version = 14 : i64} {
  func.func @_tc3_body(%arg0: i32, %arg1: memref<2048x128xf32, #tpu.memory_space<vmem>>, %arg2: memref<2048x128xf32, #tpu.memory_space<vmem>>, %arg3: memref<128x128xf32, #tpu.memory_space<vmem>>, %arg4: memref<128x5xf32, #tpu.memory_space<vmem>>, %arg5: memref<1x5xf32, #tpu.memory_space<vmem>>, %arg6: memref<2048x5xf32, #tpu.memory_space<vmem>>) attributes {dimension_semantics = [#tpu.dimension_semantics<arbitrary>], iteration_bounds = array<i64: 32>, scalar_prefetch = 0 : i64, scratch_operands = 0 : i64, tpu.core_type = #tpu.core_type<tc>, window_params = [{transform_indices = @transform_0, window_bounds = array<i64: 2048, 128>}, {transform_indices = @transform_1, window_bounds = array<i64: 2048, 128>}, {pipeline_mode = #tpu.pipeline_mode<synchronous>, transform_indices = @transform_2, window_bounds = array<i64: 128, 128>}, {pipeline_mode = #tpu.pipeline_mode<synchronous>, transform_indices = @transform_3, window_bounds = array<i64: 128, 5>}, {pipeline_mode = #tpu.pipeline_mode<synchronous>, transform_indices = @transform_4, window_bounds = array<i64: 1, 5>}, {transform_indices = @transform_5, window_bounds = array<i64: 2048, 5>}]} {
    %get3A = arith.constant 0 : index
    %get3A_0 = arith.constant 0 : index
    %get3A_1 = vector.load %arg1[%get3A, %get3A_0] : memref<2048x128xf32, #tpu.memory_space<vmem>>, vector<2048x128xf32>
    %get3A_2 = arith.constant 0 : index
    %get3A_3 = arith.constant 0 : index
    %get3A_4 = vector.load %arg3[%get3A_2, %get3A_3] : memref<128x128xf32, #tpu.memory_space<vmem>>, vector<128x128xf32>
    %dot_general3A = arith.constant dense<0.000000e+00> : vector<2048x128xf32>
    %dot_general3A_5 = tpu.matmul %get3A_1, %get3A_4, %dot_general3A {dimension_numbers = #tpu.dot_dimension_numbers<[1], [0], [0], [1], [0, 0, 1, 1], [], []>, transpose_lhs_hint = false} : vector<2048x128xf32>, vector<128x128xf32>, vector<2048x128xf32> -> vector<2048x128xf32>
    %get3A_6 = arith.constant 0 : index
    %get3A_7 = arith.constant 0 : index
    %get3A_8 = vector.load %arg2[%get3A_6, %get3A_7] : memref<2048x128xf32, #tpu.memory_space<vmem>>, vector<2048x128xf32>
    %add3A = arith.addf %dot_general3A_5, %get3A_8 : vector<2048x128xf32>
    %max3A = arith.constant 0.000000e+00 : f32
    %max3A_9 = vector.broadcast %max3A : f32 to vector<2048x128xf32>
    %max3A_10 = arith.maximumf %add3A, %max3A_9 : vector<2048x128xf32>
    %get3A_11 = arith.constant 0 : index
    %get3A_12 = arith.constant 0 : index
    %get3A_13 = vector.load %arg4[%get3A_11, %get3A_12] : memref<128x5xf32, #tpu.memory_space<vmem>>, vector<128x5xf32>
    %dot_general3A_14 = arith.constant dense<0.000000e+00> : vector<2048x5xf32>
    %dot_general3A_15 = tpu.matmul %max3A_10, %get3A_13, %dot_general3A_14 {dimension_numbers = #tpu.dot_dimension_numbers<[1], [0], [0], [1], [0, 0, 1, 1], [], []>, transpose_lhs_hint = false} : vector<2048x128xf32>, vector<128x5xf32>, vector<2048x5xf32> -> vector<2048x5xf32>
    %get3A_16 = arith.constant 0 : index
    %get3A_17 = arith.constant 0 : index
    %get3A_18 = vector.load %arg5[%get3A_16, %get3A_17] : memref<1x5xf32, #tpu.memory_space<vmem>>, vector<1x5xf32>
    %add3A_19 = vector.broadcast %get3A_18 : vector<1x5xf32> to vector<2048x5xf32>
    %add3A_20 = arith.addf %dot_general3A_15, %add3A_19 : vector<2048x5xf32>
    %reduce_max3A = arith.constant dense<0xFF800000> : vector<2048xf32>
    %reduce_max3A_21 = vector.multi_reduction <maximumf>, %add3A_20, %reduce_max3A [1] : vector<2048x5xf32> to vector<2048xf32>
    %broadcast_in_dim3A = vector.shape_cast %reduce_max3A_21 : vector<2048xf32> to vector<2048x1xf32>
    %sub3A = vector.broadcast %broadcast_in_dim3A : vector<2048x1xf32> to vector<2048x5xf32>
    %sub3A_22 = arith.subf %add3A_20, %sub3A : vector<2048x5xf32>
    %exp3A = math.exp %sub3A_22 : vector<2048x5xf32>
    %reduce_sum3A = arith.constant dense<0.000000e+00> : vector<2048xf32>
    %reduce_sum3A_23 = vector.multi_reduction <add>, %exp3A, %reduce_sum3A [1] : vector<2048x5xf32> to vector<2048xf32>
    %broadcast_in_dim3A_24 = vector.shape_cast %reduce_sum3A_23 : vector<2048xf32> to vector<2048x1xf32>
    %div3A = vector.broadcast %broadcast_in_dim3A_24 : vector<2048x1xf32> to vector<2048x5xf32>
    %div3A_25 = arith.divf %exp3A, %div3A : vector<2048x5xf32>
    %swap3A = arith.constant 0 : index
    %swap3A_26 = arith.constant 0 : index
    %swap3A_27 = vector.load %arg6[%swap3A, %swap3A_26] : memref<2048x5xf32, #tpu.memory_space<vmem>>, vector<2048x5xf32>
    tpu.vector_store %arg6[%swap3A, %swap3A_26], %div3A_25 {strides = array<i32>} : memref<2048x5xf32, #tpu.memory_space<vmem>>, vector<2048x5xf32>,
    return
  }
  func.func @transform_0(%arg0: i32) -> (i32, i32) {
    %c0_i32 = arith.constant 0 : i32
    %c0_i32_0 = arith.constant 0 : i32
    return %arg0, %c0_i32 : i32, i32
  }
  func.func @transform_1(%arg0: i32) -> (i32, i32) {
    %c0_i32 = arith.constant 0 : i32
    %c0_i32_0 = arith.constant 0 : i32
    return %arg0, %c0_i32 : i32, i32
  }
  func.func @transform_2(%arg0: i32) -> (i32, i32) {
    %c0_i32 = arith.constant 0 : i32
    %c0_i32_0 = arith.constant 0 : i32
    %c0_i32_1 = arith.constant 0 : i32
    return %c0_i32, %c0_i32_0 : i32, i32
  }
  func.func @transform_3(%arg0: i32) -> (i32, i32) {
    %c0_i32 = arith.constant 0 : i32
    %c0_i32_0 = arith.constant 0 : i32
    %c0_i32_1 = arith.constant 0 : i32
    return %c0_i32, %c0_i32_0 : i32, i32
  }
  func.func @transform_4(%arg0: i32) -> (i32, i32) {
    %c0_i32 = arith.constant 0 : i32
    %c0_i32_0 = arith.constant 0 : i32
    %c0_i32_1 = arith.constant 0 : i32
    return %c0_i32, %c0_i32_0 : i32, i32
  }
  func.func @transform_5(%arg0: i32) -> (i32, i32) {
    %c0_i32 = arith.constant 0 : i32
    %c0_i32_0 = arith.constant 0 : i32
    return %arg0, %c0_i32 : i32, i32
  }
}

</mosaic_0001>

<sc_bundles>
// kernel: kernel.12.cloned.1.call-start
scs
__scs_entry_jumppad:
0x0: {  	(pc) =	sbr.rel $0x88, $3  }
0x1: {  	(tag) =	ssettag $0x0;
	lr =	simm.s32 $0x1  }
0x2: {  	[smem:$0x3F93] =	sst lr;
	_ =	strace $0xD0000000  }
0x3: {  	_ = 	snop  }
0x4: {  	_ = 	snop  }
0x5: {  	_ = 	snop  }
0x6: {  	_ = 	snop  }
0x7: {  	_ = 	snop  }
__scs_overlays_trampoline_lowered:
0x8: {  	[smem:$0x3FA2] =	sst s0  }
0x9: {  	[smem:$0x3FA3] =	sst s1  }
0xa: {  	[smem:$0x3FA4] =	sst s2  }
0xb: {  	[smem:$0x3FA5] =	sst s3  }
0xc: {  	[smem:$0x3FA6] =	sst s4  }
0xd: {  	[smem:$0x3FA7] =	sst s5  }
0xe: {  	[smem:$0x3FA8] =	sst s6  }
0xf: {  	[smem:$0x3FA9] =	sst s7  }
0x10: {  	[smem:$0x3FAA] =	sst s8  }
0x11: {  	[smem:$0x3FAB] =	sst s9;
	s0 =	simm.s32 @!p0 $0x0  }
0x12: {  	s1 =	sld [smem:$0x3F91];
	s0 =	simm.s32 @p0 $0x1  }
0x13: {  	[smem:$0x3FAC] =	sst s0;
	s0 =	simm.s32 @!p1 $0x0  }
0x14: {  	s2 =	sld [smem:$0x3F90];
	s0 =	simm.s32 @p1 $0x1  }
0x15: {  	[smem:$0x3FAD] =	sst s0;
	s0 =	simm.s32 @!p2 $0x0  }
0x16: {  	s3 =	sld [smem:$0x3FDB];
	s0 =	simm.s32 @p2 $0x1  }
0x17: {  	s4 =	simm.s32 $0x1BF5;
	[smem:$0x3FAF] =	sst s0  }
0x18: {  	s0 =	sld [smem:$0x3F92];
	_ =	swait.ge [sflag:s4], $0x0  }
0x19: {  	s7 =	sld [smem:$0x3F93]  }
0x1a: {  	s8 =	sadd.s32 $0xFFFFE003, lr  }
0x1b: {  	s9 =	sadd.s32 $0xFFFFFEF7, lr;
	s5 =	simm.s32 $0xFFFFFFFF;
	p2 =	slt.u32 s8, $0xFFFFF086  }
0x1c: {  	p1 =	slt.u32 s9, $0xF7A;
	s5 =	simm.s32 @!p2 $0x0  }
0x1d: {  	s5 =	simm.s32 @p1 $0x1;
	p0 =	seq.s32 s7, s2  }
0x1e: {  	s7 =	smul.u32 @!p0 $0xF7A, s2;
	p2 =	seq.s32 @!p0 s5, $0x0  }
0x1f: {  	s9 =	smul.u32 $0xF7A, s1;
	s8 =	simm.s32 @!p0 $0x1BF5;
	p2 =	por !p2, p0  }
0x20: {  	[sflag:s8] =	ssyncset.s32 @!p0 $0xFFFFF086;
	s6 =	sadd.s32 @!p0 s3, s7;
	s7 =	simm.s32 @!p0 $0x108  }
0x21: {  	s3 =	sadd.s32 s3, s9;
	s6 =	sadd.s32 @!p0 $0x88, s6;
	s7 =	simm.s32 @p2 $0x1082  }
0x22: {  	[simem:s7], [sflag:s8] =	dma.local @!p0 [hbm:s6], $0xF7A  }
0x23: {  	s9 =	sor.u32 $0xD0000000, s2;
	s6 =	simm.s32 $0x108;
	_ =	swait.ge @!p0 [sflag:s8], $0x0  }
0x24: {  	s3 =	sadd.s32 $0x88, s3;
	s6 =	simm.s32 @!p1 $0x1082;
	[sflag:s4] =	ssyncset.s32 $0xFFFFF086  }
0x25: {  	[simem:s6], [sflag:s4] =	dma.local [hbm:s3], $0xF7A  }
0x26: {  	[smem:$0x3F93] =	sst s1;
	(tag) =	ssettag s2;
	_ =	strace s9  }
0x27: {  	s1 =	sld [smem:$0x3FA3]  }
0x28: {  	s2 =	sld [smem:$0x3FA4]  }
0x29: {  	s4 =	sld [smem:$0x3FA6]  }
0x2a: {  	p0 =	seq.s32 s5, $0x0;
	s5 =	sld [smem:$0x3FA7]  }
0x2b: {  	s6 =	sld [smem:$0x3FA8]  }
0x2c: {  	s7 =	sld [smem:$0x3FA9]  }
0x2d: {  	s3 =	simm.s32 $0x108;
	s8 =	sld [smem:$0x3FAA]  }
0x2e: {  	s3 =	simm.s32 @!p0 $0x1082;
	s9 =	sld [smem:$0x3FAB]  }
0x2f: {  	lr =	sadd.s32 s0, s3;
	s0 =	sld [smem:$0x3FA2]  }
0x30: {  	s3 =	sld [smem:$0x3FA5]  }
0x31: {  	[smem:$0x3FAE] =	sst s10  }
0x32: {  	s10 =	sld [smem:$0x3FAC];
	_ =	sdelay $0x3  }
0x33: {  	p0 =	seq.s32 s10, $0x1;
	s10 =	sld [smem:$0x3FAE];
	_ =	sdelay $0x3  }
0x34: {  	[smem:$0x3FAE] =	sst s10  }
0x35: {  	s10 =	sld [smem:$0x3FAD];
	_ =	sdelay $0x3  }
0x36: {  	p1 =	seq.s32 s10, $0x1;
	s10 =	sld [smem:$0x3FAE];
	_ =	sdelay $0x3  }
0x37: {  	[smem:$0x3FAE] =	sst s10  }
0x38: {  	s10 =	sld [smem:$0x3FAF]  }
0x39: {  	_ = 	snop;
	(pc) =	sbr.ind lr, $3  }
0x3a: {  	_ = 	snop  }
0x3b: {  	_ = 	snop  }
0x3c: {  	p2 =	seq.s32 s10, $0x1;
	s10 =	sld [smem:$0x3FAE]  }
0x3d: {  	_ =	shalt  }
0x3e: {  	_ =	shalt  }
0x3f: {  	_ =	shalt  }
0x40: {  	_ =	shalt  }
0x41: {  	_ =	shalt  }
0x42: {  	_ =	shalt  }
0x43: {  	_ =	shalt  }
0x44: {  	_ =	shalt  }
0x45: {  	_ =	shalt  }
0x46: {  	_ =	shalt  }
0x47: {  	_ =	shalt  }
0x48: {  	_ =	shalt  }
0x49: {  	_ =	shalt  }
0x4a: {  	_ =	shalt  }
0x4b: {  	_ =	shalt  }
0x4c: {  	_ =	shalt  }
0x4d: {  	_ =	shalt  }
0x4e: {  	_ =	shalt  }
0x4f: {  	_ =	shalt  }
0x50: {  	_ =	shalt  }
0x51: {  	_ =	shalt  }
0x52: {  	_ =	shalt  }
0x53: {  	_ =	shalt  }
0x54: {  	_ =	shalt  }
0x55: {  	_ =	shalt  }
0x56: {  	_ =	shalt  }
0x57: {  	_ =	shalt  }
0x58: {  	_ =	shalt  }
0x59: {  	_ =	shalt  }
0x5a: {  	_ =	shalt  }
0x5b: {  	_ =	shalt  }
0x5c: {  	_ =	shalt  }
0x5d: {  	_ =	shalt  }
0x5e: {  	_ =	shalt  }
0x5f: {  	_ =	shalt  }
0x60: {  	_ =	shalt  }
0x61: {  	_ =	shalt  }
0x62: {  	_ =	shalt  }
0x63: {  	_ =	shalt  }
0x64: {  	_ =	shalt  }
0x65: {  	_ =	shalt  }
0x66: {  	_ =	shalt  }
0x67: {  	_ =	shalt  }
0x68: {  	_ =	shalt  }
0x69: {  	_ =	shalt  }
0x6a: {  	_ =	shalt  }
0x6b: {  	_ =	shalt  }
0x6c: {  	_ =	shalt  }
0x6d: {  	_ =	shalt  }
0x6e: {  	_ =	shalt  }
0x6f: {  	_ =	shalt  }
0x70: {  	_ =	shalt  }
0x71: {  	_ =	shalt  }
0x72: {  	_ =	shalt  }
0x73: {  	_ =	shalt  }
0x74: {  	_ =	shalt  }
0x75: {  	_ =	shalt  }
0x76: {  	_ =	shalt  }
0x77: {  	_ =	shalt  }
0x78: {  	_ =	shalt  }
0x79: {  	_ =	shalt  }
0x7a: {  	_ =	shalt  }
0x7b: {  	_ =	shalt  }
0x7c: {  	_ =	shalt  }
0x7d: {  	_ =	shalt  }
0x7e: {  	_ =	shalt  }
0x7f: {  	_ =	shalt  }
0x80: {  	_ =	shalt  }
0x81: {  	_ =	shalt  }
0x82: {  	_ =	shalt  }
0x83: {  	_ =	shalt  }
0x84: {  	_ =	shalt  }
0x85: {  	_ =	shalt  }
0x86: {  	_ =	shalt  }
0x87: {  	_ =	shalt  }
.Lfunc_end0:
.L_simem_size_0:
called_computation.1_lowered:
.L_overlay_start_0:
0x88: {  	s2 =	sld [smem:$0x3FD9]  }
0x89: {  	s3 =	sld [smem:$0x3FFE];
	_ =	sdelay $0x1  }
0x8a: {  	s1 =	srdreg.scid  }
0x8b: {  	s0 =	sand.u32 $0x1, s1  }
0x8c: {  	s16 =	sshll.u32 s0, $0xA;
	s2 =	sadd.s32 s3, s2  }
0x8d: {  	s2 =	sadd.s32 s2, s16  }
0x8e: {  	[smem:$0x3FBA] =	sst s2  }
0x8f: {  	_ = 	snop  }
0x90: {  	(tm) =	ssettm $0x1  }
0x91: {  	s17 =	sld [smem:$0x3FFB];
	_ =	sdelay $0x3  }
0x92: {  	_ =	strace s17  }
0x93: {  	s2 =	sld [smem:$0x3FFC];
	_ =	sdelay $0x3  }
0x94: {  	_ =	strace s2  }
0x95: {  	s2 =	sld [smem:$0x3FFD];
	_ =	sdelay $0x3  }
0x96: {  	_ =	strace s2  }
0x97: {  	_ =	strace $0x8FFFFFFF  }
0x98: {  	s18 =	sld [smem:$0x3FDB];
	_ =	sdelay $0x1  }
0x99: {  	s19 =	simm.s32 $_scs_section_size  }
0x9a: {  	s4 =	simm.s32 $_size__tile_overlayer_lowered;
	s5 =	simm.s32 $_tile_overlayer_lowered  }
0x9b: {  	s22 =	simm.s32 $0x1BFF;
	s21 =	sshll.u32 s5, $0x1;
	s2 =	sadd.s32 s19, s18  }
0x9c: {  	s6 =	simm.s32 $0x0;
	s20 =	sshll.u32 s4, $0x1;
	s4 =	sadd.s32 s21, s2  }
0x9d: {  	[timem:s6], [sflag:s22] =	dma.local [hbm:s4], s20  }
0x9e: {  	_ =	swait.ge [sflag:s22], s20  }
0x9f: {  	s3 =	ssub.s32 $0x0, s20;
	[sflag:s22] =	ssyncset.done $0x0  }
0xa0: {  	[sflag:s22] =	ssyncadd.s32 s3;
	_ =	sdelay $0x1  }
0xa1: {  	s23 =	simm.s32 $0x1B8B  }
0xa2: {  	_ =	swait.ge [sflag:s23], $0x1  }
0xa3: {  	[sflag:s23] =	ssyncset.done $0x0  }
0xa4: {  	s25 =	simm.s32 $0x1B8E;
	s24 =	sld [smem:$0x3FFE];
	[sflag:s23] =	ssyncadd.s32 $0xFFFFFFFF  }
0xa5: {  	s26 =	simm.s32 $execute0_lowered;
	[smem:$0x3FD2] =	sst s25  }
0xa6: {  	s4 =	sshll.u32 s26, $0x1;
	_ =	strace $0x80000049;
	[dreg:$0x1] =	wrdreg $0xFFFFFFFF  }
0xa7: {  	s28 =	simm.s32 $_size_execute0_lowered;
	s2 =	sadd.s32 s2, s4;
	[dreg:$0x0] =	wrdreg $0x0  }
0xa8: {  	s4 =	sshll.u32 s28, $0x1;
	[dreg:$0x2] =	wrdreg s2  }
0xa9: {  	[dreg:$0x3] =	wrdreg s4  }
0xaa: {  	[dreg:$0x4] =	wrdreg $0xC0  }
0xab: {  	_ =	task [dreg:s6], $0x5FFFF  }
0xac: {  	[dreg:$0x1] =	wrdreg $0xFFFFFFFF  }
0xad: {  	[dreg:$0x0] =	wrdreg $0x60  }
0xae: {  	[dreg:$0x2] =	wrdreg s24  }
0xaf: {  	[dreg:$0x3] =	wrdreg $0x90000  }
0xb0: {  	[dreg:$0x4] =	wrdreg $0x9  }
0xb1: {  	_ =	task.clear_ibuf [dreg:s6], $0x5FFFF;
	_ =	strace $0x90000049  }
0xb2: {  	s29 =	simm.s32 $0x9;
	_ =	strace $0x8000004B  }
0xb3: {  	_ =	swait.ge [sflag:s29], $0x1  }
0xb4: {  	[sflag:s29] =	ssyncadd.s32 $0xFFFFFFFF  }
0xb5: {  	_ =	strace $0x9000004B  }
0xb6: {  	_ =	sfence  }
0xb7: {  	s30 =	sld [smem:$0x0];
	_ =	sdelay $0x2  }
0xb8: {  	s31 =	sshll.u32 s1, $0xD;
	s1 =	sshrl.u32 s1, $0x2  }
0xb9: {  	s3 =	sand.u32 $0x4000, s31;
	s1 =	sadd.s32 s1, s30  }
0xba: {  	s0 =	sor.u32 s3, s0;
	s1 =	sshll.u32 s1, $0x11  }
0xbb: {  	s0 =	sor.u32 s1, s0  }
0xbc: {  	s0 =	sadd.s32 $0x8F2B, s0  }
0xbd: {  	[sflag:s0] =	ssyncadd.remote.s32 $0x1  }
0xbe: {  	_ =	sfence.sel $0xFFFF  }
0xbf: {  	[dreg:$0x0] =	wrdreg $0xFFFFFFFF;
	(pc) =	sbr.abs _section_cstart, $3  }
0xc0: {  	[dreg:$0x1] =	wrdreg $0xFFFFFFFF  }
0xc1: {  	_ =	task.clear_ibuf [dreg:s6], $0x2FFFF;
	_ =	strace $0x9FFFFFFF  }
0xc2: {  	(tm) =	ssettm $0x7FFFFFFF  }
0xc3: {  	_ =	shalt  }
tec
execute0_lowered:
.L_overlay_start_1:
0x0: {  	(tag) =	ssettag $0x1  }
0x1: {  	s0 =	srdreg.scid;
	s5 =	rddreg [dreg:$0x0]  }
0x2: {  	s4 =	stileid.u32;
	s1 =	rddreg [dreg:$0x1];
	s2 =	simm.s32 $0x0  }
0x3: {  	s14 =	simm.s32 $0x880;
	[smem:$0x7FF] =	sst s2;
	s8 =	sadd.s32 $0x7C400, s5  }
0x4: {  	s15 =	simm.s32 $0x100;
	_ =	strace $0x8000004A;
	[dreg:$0x12] =	wrdreg s8  }
0x5: {  	s16 =	simm.s32 $0x180;
	s17 =	simm.s32 $0x900;
	[dreg:$0x5] =	wrdreg s14  }
0x6: {  	s18 =	simm.s32 $0x980;
	s19 =	simm.s32 $0x200;
	[dreg:$0x6] =	wrdreg s15  }
0x7: {  	s9 =	simm.s32 $0x800;
	s20 =	simm.s32 $0x280;
	[dreg:$0x7] =	wrdreg s16  }
0x8: {  	s21 =	simm.s32 $0xA00;
	s22 =	simm.s32 $0xA80;
	[dreg:$0x8] =	wrdreg s17  }
0x9: {  	s23 =	simm.s32 $0x300;
	s24 =	simm.s32 $0x380;
	[dreg:$0x9] =	wrdreg s18  }
0xa: {  	s25 =	simm.s32 $0xB00;
	s26 =	simm.s32 $0xB80;
	[dreg:$0xa] =	wrdreg s19  }
0xb: {  	s28 =	simm.s32 $0xE80;
	s29 =	simm.s32 $0x700;
	[dreg:$0xb] =	wrdreg s20  }
0xc: {  	s30 =	simm.s32 $0x780;
	s31 =	simm.s32 $0xF00;
	[dreg:$0xc] =	wrdreg s21  }
0xd: {  	s0 =	sand.u32 $0x1, s0;
	s3 =	smul.u32 $0xA000, s4;
	[dreg:$0xd] =	wrdreg s22  }
0xe: {  	p0 =	sne.s32 s4, $0x0;
	s6 =	smul.u32 $0x5000, s0;
	[dreg:$0xe] =	wrdreg s23  }
0xf: {  	s10 =	smul.u32 $0x28000, s0;
	s0 =	ssub.s32 $0x2, s0;
	[dreg:$0xf] =	wrdreg s24  }
0x10: {  	s8 =	simm.s32 $0x4;
	s14 =	simm.s32 $0x2;
	[dreg:$0x10] =	wrdreg s25  }
0x11: {  	s15 =	simm.s32 $0x3;
	[dreg:$0x11] =	wrdreg s26;
	s16 =	simm.s32 $0x400  }
0x12: {  	s17 =	simm.s32 $0x480;
	s18 =	simm.s32 $0xC00;
	s19 =	simm.s32 $0xC80  }
0x13: {  	s20 =	simm.s32 $0x500;
	s21 =	simm.s32 $0x580;
	s22 =	simm.s32 $0xD00  }
0x14: {  	s23 =	simm.s32 $0xD80;
	s24 =	simm.s32 $0x600;
	s25 =	simm.s32 $0x680  }
0x15: {  	s26 =	simm.s32 $0xE00;
	s12 =	sshrl.u32 s0, $0x1;
	s3 =	sadd.s32 s6, s3  }
0x16: {  	s0 =	ssub.s32 s0, s12;
	s6 =	sshrl.u32 @!p0 s1, $0x3;
	s12 =	simm.s32 $0x5000  }
0x17: {  	s3 =	sshrl.u32 s3, $0x3;
	s0 =	smax.u32 s0, $0x1;
	[dreg:$0x15] =	wrdreg s6  }
0x18: {  	s7 =	sadd.s32 s3, s5;
	s3 =	sadd.s32 $0x54400, s5;
	s5 =	sadd.s32 s10, s5  }
0x19: {  	[dreg:$0x14] =	wrdreg s0;
	s10 =	simm.s32 $0x80;
	s11 =	sadd.s32 $0x4400, s7  }
0x1a: {  	s0 =	simm.s32 $0xF80;
	s13 =	sadd.s32 $0x18400, s7;
	[dreg:$0x3] =	wrdreg s11  }
0x1b: {  	s5 =	sadd.s32 $0xA4400, s5;
	s7 =	simm.s32 $0x0;
	[dreg:$0x4] =	wrdreg s13  }
0x1c: {  	[dreg:$0x13] =	wrdreg s5;
	s11 =	simm.s32 $0x1000;
	s13 =	simm.s32 $0x1  }
.LBB2_1:
0x1d: {  	[dreg:$0x16] =	wrdreg s7  }
0x1e: {  	s5 =	simm.s32 @!p0 $0x1C04;
	s4 =	rddreg [dreg:$0x12]  }
0x1f: {  	[spmem:s6], [sflag:s5] =	dma.local @!p0 [hbm:s4], $0x28000  }
0x20: {  	s5 =	simm.s32 @!p0 $0x4  }
0x21: {  	_ =	swait.ge @!p0 [sflag:s5], $0x28000  }
0x22: {  	[sflag:s5] =	ssyncset.done @!p0 $0x0  }
0x23: {  	[sflag:s5] =	ssyncadd.s32 @!p0 $0xFFFD8000  }
0x24: {  	[bflag:$0x0] =	sbarrier.arrive $0xFFFF  }
0x25: {  	s7 =	rddreg [dreg:$0x4]  }
0x26: {  	s5 =	sadd.s32 $0x0, s7  }
0x27: {  	[tilespmem:s2], [sflag:$0x4] =	stream.linear.gather [hbm4b:s5+s2], $0x800, $0x38;
	[tilespmem:$0x1D000] =	vst v63  }
0x28: {  	_ =	swait.ge [sflag:s8], $0x800  }
0x29: {  	s4 =	rddreg [dreg:$0x3];
	[sflag:s8] =	ssyncset.done $0x0  }
0x2a: {  	[sflag:s8] =	ssyncadd.s32 $0xFFFFF800;
	s5 =	sadd.s32 $0x0, s4  }
0x2b: {  	[tilespmem:s9], [sflag:$0x4] =	stream.linear.gather [hbm4b:s5+s2], $0x800, $0x38;
	[tilespmem:$0x1D000] =	vst v63  }
0x2c: {  	_ =	swait.ge [sflag:s8], $0x800  }
0x2d: {  	[sflag:s8] =	ssyncset.done $0x0  }
0x2e: {  	[sflag:s8] =	ssyncadd.s32 $0xFFFFF800  }
0x2f: {  	[tilespmem:s11], [sflag:$0x1] =	stream.indirect.gather [hbm4b:s3+s10], $0x80, s2, s10, $0xb8;
	[tilespmem:$0x1D000] =	vst v63  }
0x30: {  	_ = 	snop  }
0x31: {  	[tilespmem:s12], [sflag:$0x2] =	stream.indirect.gather [hbm4b:s3+s10], $0x80, s10, s10, $0xb8;
	[tilespmem:$0x1D000] =	vst v63  }
0x32: {  	_ =	swait.ge [sflag:s13], $0x4000  }
0x33: {  	[sflag:s13] =	ssyncset.done $0x0  }
0x34: {  	[sflag:s13] =	ssyncadd.s32 $0xFFFFC000  }
0x35: {  	[spmem:s1] =	stream.indirect.scatter.add.f32 [tilespmem:s11], [sflag:$0x3], $0x80, s9, s10, $0xb8;
	[tilespmem:$0x1D000] =	vst v63  }
0x36: {  	_ =	swait.ge [sflag:s14], $0x4000  }
0x37: {  	[sflag:s14] =	ssyncset.done $0x0  }
0x38: {  	s6 =	rddreg [dreg:$0x5];
	[sflag:s14] =	ssyncadd.s32 $0xFFFFC000  }
0x39: {  	[spmem:s1] =	stream.indirect.scatter.add.f32 [tilespmem:s12], [sflag:$0x3], $0x80, s6, s10, $0xb8;
	[tilespmem:$0x1D000] =	vst v63  }
0x3a: {  	_ =	swait.ge [sflag:s15], $0x4000  }
0x3b: {  	[sflag:s15] =	ssyncset.done $0x0  }
0x3c: {  	[sflag:s15] =	ssyncadd.s32 $0xFFFFC000  }
0x3d: {  	_ =	swait.ge [sflag:s15], $0x4000  }
0x3e: {  	[sflag:s15] =	ssyncset.done $0x0  }
0x3f: {  	s7 =	rddreg [dreg:$0x6];
	[sflag:s15] =	ssyncadd.s32 $0xFFFFC000  }
0x40: {  	[tilespmem:s11], [sflag:$0x1] =	stream.indirect.gather [hbm4b:s3+s10], $0x80, s7, s10, $0xb8;
	[tilespmem:$0x1D000] =	vst v63  }
0x41: {  	s4 =	rddreg [dreg:$0x7]  }
0x42: {  	[tilespmem:s12], [sflag:$0x2] =	stream.indirect.gather [hbm4b:s3+s10], $0x80, s4, s10, $0xb8;
	[tilespmem:$0x1D000] =	vst v63  }
0x43: {  	_ =	swait.ge [sflag:s13], $0x4000  }
0x44: {  	[sflag:s13] =	ssyncset.done $0x0  }
0x45: {  	s7 =	rddreg [dreg:$0x8];
	[sflag:s13] =	ssyncadd.s32 $0xFFFFC000  }
0x46: {  	[spmem:s1] =	stream.indirect.scatter.add.f32 [tilespmem:s11], [sflag:$0x3], $0x80, s7, s10, $0xb8;
	[tilespmem:$0x1D000] =	vst v63  }
0x47: {  	_ =	swait.ge [sflag:s14], $0x4000  }
0x48: {  	[sflag:s14] =	ssyncset.done $0x0  }
0x49: {  	s4 =	rddreg [dreg:$0x9];
	[sflag:s14] =	ssyncadd.s32 $0xFFFFC000  }
0x4a: {  	[spmem:s1] =	stream.indirect.scatter.add.f32 [tilespmem:s12], [sflag:$0x3], $0x80, s4, s10, $0xb8;
	[tilespmem:$0x1D000] =	vst v63  }
0x4b: {  	_ =	swait.ge [sflag:s15], $0x4000  }
0x4c: {  	[sflag:s15] =	ssyncset.done $0x0  }
0x4d: {  	[sflag:s15] =	ssyncadd.s32 $0xFFFFC000  }
0x4e: {  	_ =	swait.ge [sflag:s15], $0x4000  }
0x4f: {  	[sflag:s15] =	ssyncset.done $0x0  }
0x50: {  	s6 =	rddreg [dreg:$0xa];
	[sflag:s15] =	ssyncadd.s32 $0xFFFFC000  }
0x51: {  	[tilespmem:s11], [sflag:$0x1] =	stream.indirect.gather [hbm4b:s3+s10], $0x80, s6, s10, $0xb8;
	[tilespmem:$0x1D000] =	vst v63  }
0x52: {  	s7 =	rddreg [dreg:$0xb]  }
0x53: {  	[tilespmem:s12], [sflag:$0x2] =	stream.indirect.gather [hbm4b:s3+s10], $0x80, s7, s10, $0xb8;
	[tilespmem:$0x1D000] =	vst v63  }
0x54: {  	_ =	swait.ge [sflag:s13], $0x4000  }
0x55: {  	[sflag:s13] =	ssyncset.done $0x0  }
0x56: {  	s4 =	rddreg [dreg:$0xc];
	[sflag:s13] =	ssyncadd.s32 $0xFFFFC000  }
0x57: {  	[spmem:s1] =	stream.indirect.scatter.add.f32 [tilespmem:s11], [sflag:$0x3], $0x80, s4, s10, $0xb8;
	[tilespmem:$0x1D000] =	vst v63  }
0x58: {  	_ =	swait.ge [sflag:s14], $0x4000  }
0x59: {  	[sflag:s14] =	ssyncset.done $0x0  }
0x5a: {  	s6 =	rddreg [dreg:$0xd];
	[sflag:s14] =	ssyncadd.s32 $0xFFFFC000  }
0x5b: {  	[spmem:s1] =	stream.indirect.scatter.add.f32 [tilespmem:s12], [sflag:$0x3], $0x80, s6, s10, $0xb8;
	[tilespmem:$0x1D000] =	vst v63  }
0x5c: {  	_ =	swait.ge [sflag:s15], $0x4000  }
0x5d: {  	[sflag:s15] =	ssyncset.done $0x0  }
0x5e: {  	[sflag:s15] =	ssyncadd.s32 $0xFFFFC000  }
0x5f: {  	_ =	swait.ge [sflag:s15], $0x4000  }
0x60: {  	[sflag:s15] =	ssyncset.done $0x0  }
0x61: {  	s7 =	rddreg [dreg:$0xe];
	[sflag:s15] =	ssyncadd.s32 $0xFFFFC000  }
0x62: {  	[tilespmem:s11], [sflag:$0x1] =	stream.indirect.gather [hbm4b:s3+s10], $0x80, s7, s10, $0xb8;
	[tilespmem:$0x1D000] =	vst v63  }
0x63: {  	s4 =	rddreg [dreg:$0xf]  }
0x64: {  	[tilespmem:s12], [sflag:$0x2] =	stream.indirect.gather [hbm4b:s3+s10], $0x80, s4, s10, $0xb8;
	[tilespmem:$0x1D000] =	vst v63  }
0x65: {  	_ =	swait.ge [sflag:s13], $0x4000  }
0x66: {  	[sflag:s13] =	ssyncset.done $0x0  }
0x67: {  	s6 =	rddreg [dreg:$0x10];
	[sflag:s13] =	ssyncadd.s32 $0xFFFFC000  }
0x68: {  	[spmem:s1] =	stream.indirect.scatter.add.f32 [tilespmem:s11], [sflag:$0x3], $0x80, s6, s10, $0xb8;
	[tilespmem:$0x1D000] =	vst v63  }
0x69: {  	_ =	swait.ge [sflag:s14], $0x4000  }
0x6a: {  	[sflag:s14] =	ssyncset.done $0x0  }
0x6b: {  	s7 =	rddreg [dreg:$0x11];
	[sflag:s14] =	ssyncadd.s32 $0xFFFFC000  }
0x6c: {  	[spmem:s1] =	stream.indirect.scatter.add.f32 [tilespmem:s12], [sflag:$0x3], $0x80, s7, s10, $0xb8;
	[tilespmem:$0x1D000] =	vst v63  }
0x6d: {  	_ =	swait.ge [sflag:s15], $0x4000  }
0x6e: {  	[sflag:s15] =	ssyncset.done $0x0  }
0x6f: {  	[sflag:s15] =	ssyncadd.s32 $0xFFFFC000  }
0x70: {  	_ =	swait.ge [sflag:s15], $0x4000  }
0x71: {  	[sflag:s15] =	ssyncset.done $0x0  }
0x72: {  	[sflag:s15] =	ssyncadd.s32 $0xFFFFC000  }
0x73: {  	[tilespmem:s11], [sflag:$0x1] =	stream.indirect.gather [hbm4b:s3+s10], $0x80, s16, s10, $0xb8;
	[tilespmem:$0x1D000] =	vst v63  }
0x74: {  	_ = 	snop  }
0x75: {  	[tilespmem:s12], [sflag:$0x2] =	stream.indirect.gather [hbm4b:s3+s10], $0x80, s17, s10, $0xb8;
	[tilespmem:$0x1D000] =	vst v63  }
0x76: {  	_ =	swait.ge [sflag:s13], $0x4000  }
0x77: {  	[sflag:s13] =	ssyncset.done $0x0  }
0x78: {  	[sflag:s13] =	ssyncadd.s32 $0xFFFFC000  }
0x79: {  	[spmem:s1] =	stream.indirect.scatter.add.f32 [tilespmem:s11], [sflag:$0x3], $0x80, s18, s10, $0xb8;
	[tilespmem:$0x1D000] =	vst v63  }
0x7a: {  	_ =	swait.ge [sflag:s14], $0x4000  }
0x7b: {  	[sflag:s14] =	ssyncset.done $0x0  }
0x7c: {  	[sflag:s14] =	ssyncadd.s32 $0xFFFFC000  }
0x7d: {  	[spmem:s1] =	stream.indirect.scatter.add.f32 [tilespmem:s12], [sflag:$0x3], $0x80, s19, s10, $0xb8;
	[tilespmem:$0x1D000] =	vst v63  }
0x7e: {  	_ =	swait.ge [sflag:s15], $0x4000  }
0x7f: {  	[sflag:s15] =	ssyncset.done $0x0  }
0x80: {  	[sflag:s15] =	ssyncadd.s32 $0xFFFFC000  }
0x81: {  	_ =	swait.ge [sflag:s15], $0x4000  }
0x82: {  	[sflag:s15] =	ssyncset.done $0x0  }
0x83: {  	[sflag:s15] =	ssyncadd.s32 $0xFFFFC000  }
0x84: {  	[tilespmem:s11], [sflag:$0x1] =	stream.indirect.gather [hbm4b:s3+s10], $0x80, s20, s10, $0xb8;
	[tilespmem:$0x1D000] =	vst v63  }
0x85: {  	_ = 	snop  }
0x86: {  	[tilespmem:s12], [sflag:$0x2] =	stream.indirect.gather [hbm4b:s3+s10], $0x80, s21, s10, $0xb8;
	[tilespmem:$0x1D000] =	vst v63  }
0x87: {  	_ =	swait.ge [sflag:s13], $0x4000  }
0x88: {  	[sflag:s13] =	ssyncset.done $0x0  }
0x89: {  	[sflag:s13] =	ssyncadd.s32 $0xFFFFC000  }
0x8a: {  	[spmem:s1] =	stream.indirect.scatter.add.f32 [tilespmem:s11], [sflag:$0x3], $0x80, s22, s10, $0xb8;
	[tilespmem:$0x1D000] =	vst v63  }
0x8b: {  	_ =	swait.ge [sflag:s14], $0x4000  }
0x8c: {  	[sflag:s14] =	ssyncset.done $0x0  }
0x8d: {  	[sflag:s14] =	ssyncadd.s32 $0xFFFFC000  }
0x8e: {  	[spmem:s1] =	stream.indirect.scatter.add.f32 [tilespmem:s12], [sflag:$0x3], $0x80, s23, s10, $0xb8;
	[tilespmem:$0x1D000] =	vst v63  }
0x8f: {  	_ =	swait.ge [sflag:s15], $0x4000  }
0x90: {  	[sflag:s15] =	ssyncset.done $0x0  }
0x91: {  	[sflag:s15] =	ssyncadd.s32 $0xFFFFC000  }
0x92: {  	_ =	swait.ge [sflag:s15], $0x4000  }
0x93: {  	[sflag:s15] =	ssyncset.done $0x0  }
0x94: {  	[sflag:s15] =	ssyncadd.s32 $0xFFFFC000  }
0x95: {  	[tilespmem:s11], [sflag:$0x1] =	stream.indirect.gather [hbm4b:s3+s10], $0x80, s24, s10, $0xb8;
	[tilespmem:$0x1D000] =	vst v63  }
0x96: {  	_ = 	snop  }
0x97: {  	[tilespmem:s12], [sflag:$0x2] =	stream.indirect.gather [hbm4b:s3+s10], $0x80, s25, s10, $0xb8;
	[tilespmem:$0x1D000] =	vst v63  }
0x98: {  	_ =	swait.ge [sflag:s13], $0x4000  }
0x99: {  	[sflag:s13] =	ssyncset.done $0x0  }
0x9a: {  	[sflag:s13] =	ssyncadd.s32 $0xFFFFC000  }
0x9b: {  	[spmem:s1] =	stream.indirect.scatter.add.f32 [tilespmem:s11], [sflag:$0x3], $0x80, s26, s10, $0xb8;
	[tilespmem:$0x1D000] =	vst v63  }
0x9c: {  	_ =	swait.ge [sflag:s14], $0x4000  }
0x9d: {  	[sflag:s14] =	ssyncset.done $0x0  }
0x9e: {  	[sflag:s14] =	ssyncadd.s32 $0xFFFFC000  }
0x9f: {  	[spmem:s1] =	stream.indirect.scatter.add.f32 [tilespmem:s12], [sflag:$0x3], $0x80, s28, s10, $0xb8;
	[tilespmem:$0x1D000] =	vst v63  }
0xa0: {  	_ =	swait.ge [sflag:s15], $0x4000  }
0xa1: {  	[sflag:s15] =	ssyncset.done $0x0  }
0xa2: {  	[sflag:s15] =	ssyncadd.s32 $0xFFFFC000  }
0xa3: {  	_ =	swait.ge [sflag:s15], $0x4000  }
0xa4: {  	[sflag:s15] =	ssyncset.done $0x0  }
0xa5: {  	[sflag:s15] =	ssyncadd.s32 $0xFFFFC000  }
0xa6: {  	[tilespmem:s11], [sflag:$0x1] =	stream.indirect.gather [hbm4b:s3+s10], $0x80, s29, s10, $0xb8;
	[tilespmem:$0x1D000] =	vst v63  }
0xa7: {  	_ = 	snop  }
0xa8: {  	[tilespmem:s12], [sflag:$0x2] =	stream.indirect.gather [hbm4b:s3+s10], $0x80, s30, s10, $0xb8;
	[tilespmem:$0x1D000] =	vst v63  }
0xa9: {  	_ =	swait.ge [sflag:s13], $0x4000  }
0xaa: {  	[sflag:s13] =	ssyncset.done $0x0  }
0xab: {  	[sflag:s13] =	ssyncadd.s32 $0xFFFFC000  }
0xac: {  	[spmem:s1] =	stream.indirect.scatter.add.f32 [tilespmem:s11], [sflag:$0x3], $0x80, s31, s10, $0xb8;
	[tilespmem:$0x1D000] =	vst v63  }
0xad: {  	_ =	swait.ge [sflag:s14], $0x4000  }
0xae: {  	[sflag:s14] =	ssyncset.done $0x0  }
0xaf: {  	[sflag:s14] =	ssyncadd.s32 $0xFFFFC000  }
0xb0: {  	[spmem:s1] =	stream.indirect.scatter.add.f32 [tilespmem:s12], [sflag:$0x3], $0x80, s0, s10, $0xb8;
	[tilespmem:$0x1D000] =	vst v63  }
0xb1: {  	_ =	swait.ge [sflag:s15], $0x4000  }
0xb2: {  	[sflag:s15] =	ssyncset.done $0x0  }
0xb3: {  	[sflag:s15] =	ssyncadd.s32 $0xFFFFC000  }
0xb4: {  	s5 =	simm.s32 $0x100;
	_ =	swait.ge [sflag:s15], $0x4000  }
0xb5: {  	s6 =	simm.s32 $0x200;
	s7 =	rddreg [dreg:$0x4];
	[sflag:s15] =	ssyncset.done $0x0  }
.LBB2_2:
0xb6: {  	[sflag:s15] =	ssyncadd.s32 $0xFFFFC000;
	s7 =	sadd.s32 s5, s7  }
0xb7: {  	[tilespmem:s2], [sflag:$0x4] =	stream.linear.gather [hbm4b:s7+s2], $0x800, $0x38;
	[tilespmem:$0x1D000] =	vst v63  }
0xb8: {  	_ =	swait.ge [sflag:s8], $0x800  }
0xb9: {  	s7 =	rddreg [dreg:$0x3];
	[sflag:s8] =	ssyncset.done $0x0  }
0xba: {  	[sflag:s8] =	ssyncadd.s32 $0xFFFFF800;
	s7 =	sadd.s32 s5, s7  }
0xbb: {  	[tilespmem:s9], [sflag:$0x4] =	stream.linear.gather [hbm4b:s7+s2], $0x800, $0x38;
	[tilespmem:$0x1D000] =	vst v63  }
0xbc: {  	_ =	swait.ge [sflag:s8], $0x800  }
0xbd: {  	[sflag:s8] =	ssyncset.done $0x0  }
0xbe: {  	[sflag:s8] =	ssyncadd.s32 $0xFFFFF800  }
0xbf: {  	[tilespmem:s11], [sflag:$0x1] =	stream.indirect.gather [hbm4b:s3+s10], $0x80, s2, s10, $0xb8;
	[tilespmem:$0x1D000] =	vst v63  }
0xc0: {  	_ = 	snop  }
0xc1: {  	[tilespmem:s12], [sflag:$0x2] =	stream.indirect.gather [hbm4b:s3+s10], $0x80, s10, s10, $0xb8;
	[tilespmem:$0x1D000] =	vst v63  }
0xc2: {  	_ =	swait.ge [sflag:s13], $0x4000  }
0xc3: {  	[sflag:s13] =	ssyncset.done $0x0  }
0xc4: {  	[sflag:s13] =	ssyncadd.s32 $0xFFFFC000  }
0xc5: {  	[spmem:s1] =	stream.indirect.scatter.add.f32 [tilespmem:s11], [sflag:$0x3], $0x80, s9, s10, $0xb8;
	[tilespmem:$0x1D000] =	vst v63  }
0xc6: {  	_ =	swait.ge [sflag:s14], $0x4000  }
0xc7: {  	[sflag:s14] =	ssyncset.done $0x0  }
0xc8: {  	s7 =	rddreg [dreg:$0x5];
	[sflag:s14] =	ssyncadd.s32 $0xFFFFC000  }
0xc9: {  	[spmem:s1] =	stream.indirect.scatter.add.f32 [tilespmem:s12], [sflag:$0x3], $0x80, s7, s10, $0xb8;
	[tilespmem:$0x1D000] =	vst v63  }
0xca: {  	_ =	swait.ge [sflag:s15], $0x4000  }
0xcb: {  	[sflag:s15] =	ssyncset.done $0x0  }
0xcc: {  	[sflag:s15] =	ssyncadd.s32 $0xFFFFC000  }
0xcd: {  	_ =	swait.ge [sflag:s15], $0x4000  }
0xce: {  	s4 =	smov.u32 s6;
	[sflag:s15] =	ssyncset.done $0x0  }
0xcf: {  	s5 =	smov.u32 s4;
	s4 =	rddreg [dreg:$0x6];
	[sflag:s15] =	ssyncadd.s32 $0xFFFFC000  }
0xd0: {  	[tilespmem:s11], [sflag:$0x1] =	stream.indirect.gather [hbm4b:s3+s10], $0x80, s4, s10, $0xb8;
	[tilespmem:$0x1D000] =	vst v63  }
0xd1: {  	s7 =	rddreg [dreg:$0x7]  }
0xd2: {  	[tilespmem:s12], [sflag:$0x2] =	stream.indirect.gather [hbm4b:s3+s10], $0x80, s7, s10, $0xb8;
	[tilespmem:$0x1D000] =	vst v63  }
0xd3: {  	_ =	swait.ge [sflag:s13], $0x4000  }
0xd4: {  	[sflag:s13] =	ssyncset.done $0x0  }
0xd5: {  	s7 =	rddreg [dreg:$0x8];
	[sflag:s13] =	ssyncadd.s32 $0xFFFFC000  }
0xd6: {  	[spmem:s1] =	stream.indirect.scatter.add.f32 [tilespmem:s11], [sflag:$0x3], $0x80, s7, s10, $0xb8;
	[tilespmem:$0x1D000] =	vst v63  }
0xd7: {  	_ =	swait.ge [sflag:s14], $0x4000  }
0xd8: {  	[sflag:s14] =	ssyncset.done $0x0  }
0xd9: {  	s7 =	rddreg [dreg:$0x9];
	[sflag:s14] =	ssyncadd.s32 $0xFFFFC000  }
0xda: {  	[spmem:s1] =	stream.indirect.scatter.add.f32 [tilespmem:s12], [sflag:$0x3], $0x80, s7, s10, $0xb8;
	[tilespmem:$0x1D000] =	vst v63  }
0xdb: {  	_ =	swait.ge [sflag:s15], $0x4000  }
0xdc: {  	[sflag:s15] =	ssyncset.done $0x0  }
0xdd: {  	[sflag:s15] =	ssyncadd.s32 $0xFFFFC000  }
0xde: {  	_ =	swait.ge [sflag:s15], $0x4000  }
0xdf: {  	[sflag:s15] =	ssyncset.done $0x0  }
0xe0: {  	s4 =	rddreg [dreg:$0xa];
	[sflag:s15] =	ssyncadd.s32 $0xFFFFC000  }
0xe1: {  	[tilespmem:s11], [sflag:$0x1] =	stream.indirect.gather [hbm4b:s3+s10], $0x80, s4, s10, $0xb8;
	[tilespmem:$0x1D000] =	vst v63  }
0xe2: {  	s7 =	rddreg [dreg:$0xb]  }
0xe3: {  	[tilespmem:s12], [sflag:$0x2] =	stream.indirect.gather [hbm4b:s3+s10], $0x80, s7, s10, $0xb8;
	[tilespmem:$0x1D000] =	vst v63  }
0xe4: {  	_ =	swait.ge [sflag:s13], $0x4000  }
0xe5: {  	[sflag:s13] =	ssyncset.done $0x0  }
0xe6: {  	s7 =	rddreg [dreg:$0xc];
	[sflag:s13] =	ssyncadd.s32 $0xFFFFC000  }
0xe7: {  	[spmem:s1] =	stream.indirect.scatter.add.f32 [tilespmem:s11], [sflag:$0x3], $0x80, s7, s10, $0xb8;
	[tilespmem:$0x1D000] =	vst v63  }
0xe8: {  	_ =	swait.ge [sflag:s14], $0x4000  }
0xe9: {  	[sflag:s14] =	ssyncset.done $0x0  }
0xea: {  	s7 =	rddreg [dreg:$0xd];
	[sflag:s14] =	ssyncadd.s32 $0xFFFFC000  }
0xeb: {  	[spmem:s1] =	stream.indirect.scatter.add.f32 [tilespmem:s12], [sflag:$0x3], $0x80, s7, s10, $0xb8;
	[tilespmem:$0x1D000] =	vst v63  }
0xec: {  	_ =	swait.ge [sflag:s15], $0x4000  }
0xed: {  	[sflag:s15] =	ssyncset.done $0x0  }
0xee: {  	[sflag:s15] =	ssyncadd.s32 $0xFFFFC000  }
0xef: {  	_ =	swait.ge [sflag:s15], $0x4000  }
0xf0: {  	[sflag:s15] =	ssyncset.done $0x0  }
0xf1: {  	s4 =	rddreg [dreg:$0xe];
	[sflag:s15] =	ssyncadd.s32 $0xFFFFC000  }
0xf2: {  	[tilespmem:s11], [sflag:$0x1] =	stream.indirect.gather [hbm4b:s3+s10], $0x80, s4, s10, $0xb8;
	[tilespmem:$0x1D000] =	vst v63  }
0xf3: {  	s7 =	rddreg [dreg:$0xf]  }
0xf4: {  	[tilespmem:s12], [sflag:$0x2] =	stream.indirect.gather [hbm4b:s3+s10], $0x80, s7, s10, $0xb8;
	[tilespmem:$0x1D000] =	vst v63  }
0xf5: {  	_ =	swait.ge [sflag:s13], $0x4000  }
0xf6: {  	[sflag:s13] =	ssyncset.done $0x0  }
0xf7: {  	s7 =	rddreg [dreg:$0x10];
	[sflag:s13] =	ssyncadd.s32 $0xFFFFC000  }
0xf8: {  	[spmem:s1] =	stream.indirect.scatter.add.f32 [tilespmem:s11], [sflag:$0x3], $0x80, s7, s10, $0xb8;
	[tilespmem:$0x1D000] =	vst v63  }
0xf9: {  	_ =	swait.ge [sflag:s14], $0x4000  }
0xfa: {  	[sflag:s14] =	ssyncset.done $0x0  }
0xfb: {  	s7 =	rddreg [dreg:$0x11];
	[sflag:s14] =	ssyncadd.s32 $0xFFFFC000  }
0xfc: {  	[spmem:s1] =	stream.indirect.scatter.add.f32 [tilespmem:s12], [sflag:$0x3], $0x80, s7, s10, $0xb8;
	[tilespmem:$0x1D000] =	vst v63  }
0xfd: {  	_ =	swait.ge [sflag:s15], $0x4000  }
0xfe: {  	[sflag:s15] =	ssyncset.done $0x0  }
0xff: {  	[sflag:s15] =	ssyncadd.s32 $0xFFFFC000  }
0x100: {  	_ =	swait.ge [sflag:s15], $0x4000  }
0x101: {  	[sflag:s15] =	ssyncset.done $0x0  }
0x102: {  	[sflag:s15] =	ssyncadd.s32 $0xFFFFC000  }
0x103: {  	[tilespmem:s11], [sflag:$0x1] =	stream.indirect.gather [hbm4b:s3+s10], $0x80, s16, s10, $0xb8;
	[tilespmem:$0x1D000] =	vst v63  }
0x104: {  	_ = 	snop  }
0x105: {  	[tilespmem:s12], [sflag:$0x2] =	stream.indirect.gather [hbm4b:s3+s10], $0x80, s17, s10, $0xb8;
	[tilespmem:$0x1D000] =	vst v63  }
0x106: {  	_ =	swait.ge [sflag:s13], $0x4000  }
0x107: {  	[sflag:s13] =	ssyncset.done $0x0  }
0x108: {  	[sflag:s13] =	ssyncadd.s32 $0xFFFFC000  }
0x109: {  	[spmem:s1] =	stream.indirect.scatter.add.f32 [tilespmem:s11], [sflag:$0x3], $0x80, s18, s10, $0xb8;
	[tilespmem:$0x1D000] =	vst v63  }
0x10a: {  	_ =	swait.ge [sflag:s14], $0x4000  }
0x10b: {  	[sflag:s14] =	ssyncset.done $0x0  }
0x10c: {  	[sflag:s14] =	ssyncadd.s32 $0xFFFFC000  }
0x10d: {  	[spmem:s1] =	stream.indirect.scatter.add.f32 [tilespmem:s12], [sflag:$0x3], $0x80, s19, s10, $0xb8;
	[tilespmem:$0x1D000] =	vst v63  }
0x10e: {  	_ =	swait.ge [sflag:s15], $0x4000  }
0x10f: {  	[sflag:s15] =	ssyncset.done $0x0  }
0x110: {  	[sflag:s15] =	ssyncadd.s32 $0xFFFFC000  }
0x111: {  	_ =	swait.ge [sflag:s15], $0x4000  }
0x112: {  	[sflag:s15] =	ssyncset.done $0x0  }
0x113: {  	[sflag:s15] =	ssyncadd.s32 $0xFFFFC000  }
0x114: {  	[tilespmem:s11], [sflag:$0x1] =	stream.indirect.gather [hbm4b:s3+s10], $0x80, s20, s10, $0xb8;
	[tilespmem:$0x1D000] =	vst v63  }
0x115: {  	_ = 	snop  }
0x116: {  	[tilespmem:s12], [sflag:$0x2] =	stream.indirect.gather [hbm4b:s3+s10], $0x80, s21, s10, $0xb8;
	[tilespmem:$0x1D000] =	vst v63  }
0x117: {  	_ =	swait.ge [sflag:s13], $0x4000  }
0x118: {  	[sflag:s13] =	ssyncset.done $0x0  }
0x119: {  	[sflag:s13] =	ssyncadd.s32 $0xFFFFC000  }
0x11a: {  	[spmem:s1] =	stream.indirect.scatter.add.f32 [tilespmem:s11], [sflag:$0x3], $0x80, s22, s10, $0xb8;
	[tilespmem:$0x1D000] =	vst v63  }
0x11b: {  	_ =	swait.ge [sflag:s14], $0x4000  }
0x11c: {  	[sflag:s14] =	ssyncset.done $0x0  }
0x11d: {  	[sflag:s14] =	ssyncadd.s32 $0xFFFFC000  }
0x11e: {  	[spmem:s1] =	stream.indirect.scatter.add.f32 [tilespmem:s12], [sflag:$0x3], $0x80, s23, s10, $0xb8;
	[tilespmem:$0x1D000] =	vst v63  }
0x11f: {  	_ =	swait.ge [sflag:s15], $0x4000  }
0x120: {  	[sflag:s15] =	ssyncset.done $0x0  }
0x121: {  	[sflag:s15] =	ssyncadd.s32 $0xFFFFC000  }
0x122: {  	_ =	swait.ge [sflag:s15], $0x4000  }
0x123: {  	[sflag:s15] =	ssyncset.done $0x0  }
0x124: {  	[sflag:s15] =	ssyncadd.s32 $0xFFFFC000  }
0x125: {  	[tilespmem:s11], [sflag:$0x1] =	stream.indirect.gather [hbm4b:s3+s10], $0x80, s24, s10, $0xb8;
	[tilespmem:$0x1D000] =	vst v63  }
0x126: {  	_ = 	snop  }
0x127: {  	[tilespmem:s12], [sflag:$0x2] =	stream.indirect.gather [hbm4b:s3+s10], $0x80, s25, s10, $0xb8;
	[tilespmem:$0x1D000] =	vst v63  }
0x128: {  	_ =	swait.ge [sflag:s13], $0x4000  }
0x129: {  	[sflag:s13] =	ssyncset.done $0x0  }
0x12a: {  	[sflag:s13] =	ssyncadd.s32 $0xFFFFC000  }
0x12b: {  	[spmem:s1] =	stream.indirect.scatter.add.f32 [tilespmem:s11], [sflag:$0x3], $0x80, s26, s10, $0xb8;
	[tilespmem:$0x1D000] =	vst v63  }
0x12c: {  	_ =	swait.ge [sflag:s14], $0x4000  }
0x12d: {  	[sflag:s14] =	ssyncset.done $0x0  }
0x12e: {  	[sflag:s14] =	ssyncadd.s32 $0xFFFFC000  }
0x12f: {  	[spmem:s1] =	stream.indirect.scatter.add.f32 [tilespmem:s12], [sflag:$0x3], $0x80, s28, s10, $0xb8;
	[tilespmem:$0x1D000] =	vst v63  }
0x130: {  	_ =	swait.ge [sflag:s15], $0x4000  }
0x131: {  	[sflag:s15] =	ssyncset.done $0x0  }
0x132: {  	[sflag:s15] =	ssyncadd.s32 $0xFFFFC000  }
0x133: {  	_ =	swait.ge [sflag:s15], $0x4000  }
0x134: {  	[sflag:s15] =	ssyncset.done $0x0  }
0x135: {  	[sflag:s15] =	ssyncadd.s32 $0xFFFFC000  }
0x136: {  	[tilespmem:s11], [sflag:$0x1] =	stream.indirect.gather [hbm4b:s3+s10], $0x80, s29, s10, $0xb8;
	[tilespmem:$0x1D000] =	vst v63  }
0x137: {  	_ = 	snop  }
0x138: {  	[tilespmem:s12], [sflag:$0x2] =	stream.indirect.gather [hbm4b:s3+s10], $0x80, s30, s10, $0xb8;
	[tilespmem:$0x1D000] =	vst v63  }
0x139: {  	_ =	swait.ge [sflag:s13], $0x4000  }
0x13a: {  	[sflag:s13] =	ssyncset.done $0x0  }
0x13b: {  	[sflag:s13] =	ssyncadd.s32 $0xFFFFC000  }
0x13c: {  	[spmem:s1] =	stream.indirect.scatter.add.f32 [tilespmem:s11], [sflag:$0x3], $0x80, s31, s10, $0xb8;
	[tilespmem:$0x1D000] =	vst v63  }
0x13d: {  	_ =	swait.ge [sflag:s14], $0x4000  }
0x13e: {  	[sflag:s14] =	ssyncset.done $0x0  }
0x13f: {  	p1 =	sne.s32 s6, $0x900;
	[sflag:s14] =	ssyncadd.s32 $0xFFFFC000  }
0x140: {  	[spmem:s1] =	stream.indirect.scatter.add.f32 [tilespmem:s12], [sflag:$0x3], $0x80, s0, s10, $0xb8;
	[tilespmem:$0x1D000] =	vst v63  }
.Ltmp0:
0x141: {  	_ =	swait.ge [sflag:s15], $0x4000;
	(pc) =	sbr.rel @p1 .LBB2_2-.Ltmp0, $4  }
0x142: {  	[sflag:s15] =	ssyncset.done $0x0  }
0x143: {  	[sflag:s15] =	ssyncadd.s32 $0xFFFFC000  }
0x144: {  	_ =	swait.ge [sflag:s15], $0x4000  }
0x145: {  	s6 =	sadd.s32 $0x100, s6;
	s7 =	rddreg [dreg:$0x4];
	[sflag:s15] =	ssyncset.done $0x0  }
0x146: {  	[sflag:s15] =	ssyncadd.s32 $0xFFFFC000;
	s4 =	sadd.s32 s5, s7  }
0x147: {  	[tilespmem:s2], [sflag:$0x4] =	stream.linear.gather [hbm4b:s4+s2], $0x800, $0x38;
	[tilespmem:$0x1D000] =	vst v63  }
0x148: {  	_ =	swait.ge [sflag:s8], $0x800  }
0x149: {  	s7 =	rddreg [dreg:$0x3];
	[sflag:s8] =	ssyncset.done $0x0  }
0x14a: {  	[sflag:s8] =	ssyncadd.s32 $0xFFFFF800;
	s4 =	sadd.s32 s5, s7  }
0x14b: {  	[tilespmem:s9], [sflag:$0x4] =	stream.linear.gather [hbm4b:s4+s2], $0x800, $0x38;
	[tilespmem:$0x1D000] =	vst v63  }
0x14c: {  	_ =	swait.ge [sflag:s8], $0x800  }
0x14d: {  	[sflag:s8] =	ssyncset.done $0x0  }
0x14e: {  	[sflag:s8] =	ssyncadd.s32 $0xFFFFF800  }
0x14f: {  	[tilespmem:s11], [sflag:$0x1] =	stream.indirect.gather [hbm4b:s3+s10], $0x80, s2, s10, $0xb8;
	[tilespmem:$0x1D000] =	vst v63  }
0x150: {  	_ = 	snop  }
0x151: {  	[tilespmem:s12], [sflag:$0x2] =	stream.indirect.gather [hbm4b:s3+s10], $0x80, s10, s10, $0xb8;
	[tilespmem:$0x1D000] =	vst v63  }
0x152: {  	_ =	swait.ge [sflag:s13], $0x4000  }
0x153: {  	[sflag:s13] =	ssyncset.done $0x0  }
0x154: {  	[sflag:s13] =	ssyncadd.s32 $0xFFFFC000  }
0x155: {  	[spmem:s1] =	stream.indirect.scatter.add.f32 [tilespmem:s11], [sflag:$0x3], $0x80, s9, s10, $0xb8;
	[tilespmem:$0x1D000] =	vst v63  }
0x156: {  	_ =	swait.ge [sflag:s14], $0x4000  }
0x157: {  	[sflag:s14] =	ssyncset.done $0x0  }
0x158: {  	s5 =	rddreg [dreg:$0x5];
	[sflag:s14] =	ssyncadd.s32 $0xFFFFC000  }
0x159: {  	[spmem:s1] =	stream.indirect.scatter.add.f32 [tilespmem:s12], [sflag:$0x3], $0x80, s5, s10, $0xb8;
	[tilespmem:$0x1D000] =	vst v63  }
0x15a: {  	_ =	swait.ge [sflag:s15], $0x4000  }
0x15b: {  	[sflag:s15] =	ssyncset.done $0x0  }
0x15c: {  	[sflag:s15] =	ssyncadd.s32 $0xFFFFC000  }
0x15d: {  	_ =	swait.ge [sflag:s15], $0x4000  }
0x15e: {  	[sflag:s15] =	ssyncset.done $0x0  }
0x15f: {  	s6 =	rddreg [dreg:$0x6];
	[sflag:s15] =	ssyncadd.s32 $0xFFFFC000  }
0x160: {  	[tilespmem:s11], [sflag:$0x1] =	stream.indirect.gather [hbm4b:s3+s10], $0x80, s6, s10, $0xb8;
	[tilespmem:$0x1D000] =	vst v63  }
0x161: {  	s7 =	rddreg [dreg:$0x7]  }
0x162: {  	[tilespmem:s12], [sflag:$0x2] =	stream.indirect.gather [hbm4b:s3+s10], $0x80, s7, s10, $0xb8;
	[tilespmem:$0x1D000] =	vst v63  }
0x163: {  	_ =	swait.ge [sflag:s13], $0x4000  }
0x164: {  	[sflag:s13] =	ssyncset.done $0x0  }
0x165: {  	s6 =	rddreg [dreg:$0x8];
	[sflag:s13] =	ssyncadd.s32 $0xFFFFC000  }
0x166: {  	[spmem:s1] =	stream.indirect.scatter.add.f32 [tilespmem:s11], [sflag:$0x3], $0x80, s6, s10, $0xb8;
	[tilespmem:$0x1D000] =	vst v63  }
0x167: {  	_ =	swait.ge [sflag:s14], $0x4000  }
0x168: {  	[sflag:s14] =	ssyncset.done $0x0  }
0x169: {  	s7 =	rddreg [dreg:$0x9];
	[sflag:s14] =	ssyncadd.s32 $0xFFFFC000  }
0x16a: {  	[spmem:s1] =	stream.indirect.scatter.add.f32 [tilespmem:s12], [sflag:$0x3], $0x80, s7, s10, $0xb8;
	[tilespmem:$0x1D000] =	vst v63  }
0x16b: {  	_ =	swait.ge [sflag:s15], $0x4000  }
0x16c: {  	[sflag:s15] =	ssyncset.done $0x0  }
0x16d: {  	[sflag:s15] =	ssyncadd.s32 $0xFFFFC000  }
0x16e: {  	_ =	swait.ge [sflag:s15], $0x4000  }
0x16f: {  	[sflag:s15] =	ssyncset.done $0x0  }
0x170: {  	s5 =	rddreg [dreg:$0xa];
	[sflag:s15] =	ssyncadd.s32 $0xFFFFC000  }
0x171: {  	[tilespmem:s11], [sflag:$0x1] =	stream.indirect.gather [hbm4b:s3+s10], $0x80, s5, s10, $0xb8;
	[tilespmem:$0x1D000] =	vst v63  }
0x172: {  	s6 =	rddreg [dreg:$0xb]  }
0x173: {  	[tilespmem:s12], [sflag:$0x2] =	stream.indirect.gather [hbm4b:s3+s10], $0x80, s6, s10, $0xb8;
	[tilespmem:$0x1D000] =	vst v63  }
0x174: {  	_ =	swait.ge [sflag:s13], $0x4000  }
0x175: {  	[sflag:s13] =	ssyncset.done $0x0  }
0x176: {  	s7 =	rddreg [dreg:$0xc];
	[sflag:s13] =	ssyncadd.s32 $0xFFFFC000  }
0x177: {  	[spmem:s1] =	stream.indirect.scatter.add.f32 [tilespmem:s11], [sflag:$0x3], $0x80, s7, s10, $0xb8;
	[tilespmem:$0x1D000] =	vst v63  }
0x178: {  	_ =	swait.ge [sflag:s14], $0x4000  }
0x179: {  	[sflag:s14] =	ssyncset.done $0x0  }
0x17a: {  	s5 =	rddreg [dreg:$0xd];
	[sflag:s14] =	ssyncadd.s32 $0xFFFFC000  }
0x17b: {  	[spmem:s1] =	stream.indirect.scatter.add.f32 [tilespmem:s12], [sflag:$0x3], $0x80, s5, s10, $0xb8;
	[tilespmem:$0x1D000] =	vst v63  }
0x17c: {  	_ =	swait.ge [sflag:s15], $0x4000  }
0x17d: {  	[sflag:s15] =	ssyncset.done $0x0  }
0x17e: {  	[sflag:s15] =	ssyncadd.s32 $0xFFFFC000  }
0x17f: {  	_ =	swait.ge [sflag:s15], $0x4000  }
0x180: {  	[sflag:s15] =	ssyncset.done $0x0  }
0x181: {  	s6 =	rddreg [dreg:$0xe];
	[sflag:s15] =	ssyncadd.s32 $0xFFFFC000  }
0x182: {  	[tilespmem:s11], [sflag:$0x1] =	stream.indirect.gather [hbm4b:s3+s10], $0x80, s6, s10, $0xb8;
	[tilespmem:$0x1D000] =	vst v63  }
0x183: {  	s7 =	rddreg [dreg:$0xf]  }
0x184: {  	[tilespmem:s12], [sflag:$0x2] =	stream.indirect.gather [hbm4b:s3+s10], $0x80, s7, s10, $0xb8;
	[tilespmem:$0x1D000] =	vst v63  }
0x185: {  	_ =	swait.ge [sflag:s13], $0x4000  }
0x186: {  	[sflag:s13] =	ssyncset.done $0x0  }
0x187: {  	s6 =	rddreg [dreg:$0x10];
	[sflag:s13] =	ssyncadd.s32 $0xFFFFC000  }
0x188: {  	[spmem:s1] =	stream.indirect.scatter.add.f32 [tilespmem:s11], [sflag:$0x3], $0x80, s6, s10, $0xb8;
	[tilespmem:$0x1D000] =	vst v63  }
0x189: {  	_ =	swait.ge [sflag:s14], $0x4000  }
0x18a: {  	[sflag:s14] =	ssyncset.done $0x0  }
0x18b: {  	s7 =	rddreg [dreg:$0x11];
	[sflag:s14] =	ssyncadd.s32 $0xFFFFC000  }
0x18c: {  	[spmem:s1] =	stream.indirect.scatter.add.f32 [tilespmem:s12], [sflag:$0x3], $0x80, s7, s10, $0xb8;
	[tilespmem:$0x1D000] =	vst v63  }
0x18d: {  	_ =	swait.ge [sflag:s15], $0x4000  }
0x18e: {  	[sflag:s15] =	ssyncset.done $0x0  }
0x18f: {  	[sflag:s15] =	ssyncadd.s32 $0xFFFFC000  }
0x190: {  	_ =	swait.ge [sflag:s15], $0x4000  }
0x191: {  	[sflag:s15] =	ssyncset.done $0x0  }
0x192: {  	[sflag:s15] =	ssyncadd.s32 $0xFFFFC000  }
0x193: {  	[tilespmem:s11], [sflag:$0x1] =	stream.indirect.gather [hbm4b:s3+s10], $0x80, s16, s10, $0xb8;
	[tilespmem:$0x1D000] =	vst v63  }
0x194: {  	_ = 	snop  }
0x195: {  	[tilespmem:s12], [sflag:$0x2] =	stream.indirect.gather [hbm4b:s3+s10], $0x80, s17, s10, $0xb8;
	[tilespmem:$0x1D000] =	vst v63  }
0x196: {  	_ =	swait.ge [sflag:s13], $0x4000  }
0x197: {  	[sflag:s13] =	ssyncset.done $0x0  }
0x198: {  	[sflag:s13] =	ssyncadd.s32 $0xFFFFC000  }
0x199: {  	[spmem:s1] =	stream.indirect.scatter.add.f32 [tilespmem:s11], [sflag:$0x3], $0x80, s18, s10, $0xb8;
	[tilespmem:$0x1D000] =	vst v63  }
0x19a: {  	_ =	swait.ge [sflag:s14], $0x4000  }
0x19b: {  	[sflag:s14] =	ssyncset.done $0x0  }
0x19c: {  	[sflag:s14] =	ssyncadd.s32 $0xFFFFC000  }
0x19d: {  	[spmem:s1] =	stream.indirect.scatter.add.f32 [tilespmem:s12], [sflag:$0x3], $0x80, s19, s10, $0xb8;
	[tilespmem:$0x1D000] =	vst v63  }
0x19e: {  	_ =	swait.ge [sflag:s15], $0x4000  }
0x19f: {  	[sflag:s15] =	ssyncset.done $0x0  }
0x1a0: {  	[sflag:s15] =	ssyncadd.s32 $0xFFFFC000  }
0x1a1: {  	_ =	swait.ge [sflag:s15], $0x4000  }
0x1a2: {  	[sflag:s15] =	ssyncset.done $0x0  }
0x1a3: {  	[sflag:s15] =	ssyncadd.s32 $0xFFFFC000  }
0x1a4: {  	[tilespmem:s11], [sflag:$0x1] =	stream.indirect.gather [hbm4b:s3+s10], $0x80, s20, s10, $0xb8;
	[tilespmem:$0x1D000] =	vst v63  }
0x1a5: {  	_ = 	snop  }
0x1a6: {  	[tilespmem:s12], [sflag:$0x2] =	stream.indirect.gather [hbm4b:s3+s10], $0x80, s21, s10, $0xb8;
	[tilespmem:$0x1D000] =	vst v63  }
0x1a7: {  	_ =	swait.ge [sflag:s13], $0x4000  }
0x1a8: {  	[sflag:s13] =	ssyncset.done $0x0  }
0x1a9: {  	[sflag:s13] =	ssyncadd.s32 $0xFFFFC000  }
0x1aa: {  	[spmem:s1] =	stream.indirect.scatter.add.f32 [tilespmem:s11], [sflag:$0x3], $0x80, s22, s10, $0xb8;
	[tilespmem:$0x1D000] =	vst v63  }
0x1ab: {  	_ =	swait.ge [sflag:s14], $0x4000  }
0x1ac: {  	[sflag:s14] =	ssyncset.done $0x0  }
0x1ad: {  	[sflag:s14] =	ssyncadd.s32 $0xFFFFC000  }
0x1ae: {  	[spmem:s1] =	stream.indirect.scatter.add.f32 [tilespmem:s12], [sflag:$0x3], $0x80, s23, s10, $0xb8;
	[tilespmem:$0x1D000] =	vst v63  }
0x1af: {  	_ =	swait.ge [sflag:s15], $0x4000  }
0x1b0: {  	[sflag:s15] =	ssyncset.done $0x0  }
0x1b1: {  	[sflag:s15] =	ssyncadd.s32 $0xFFFFC000  }
0x1b2: {  	_ =	swait.ge [sflag:s15], $0x4000  }
0x1b3: {  	[sflag:s15] =	ssyncset.done $0x0  }
0x1b4: {  	[sflag:s15] =	ssyncadd.s32 $0xFFFFC000  }
0x1b5: {  	[tilespmem:s11], [sflag:$0x1] =	stream.indirect.gather [hbm4b:s3+s10], $0x80, s24, s10, $0xb8;
	[tilespmem:$0x1D000] =	vst v63  }
0x1b6: {  	_ = 	snop  }
0x1b7: {  	[tilespmem:s12], [sflag:$0x2] =	stream.indirect.gather [hbm4b:s3+s10], $0x80, s25, s10, $0xb8;
	[tilespmem:$0x1D000] =	vst v63  }
0x1b8: {  	_ =	swait.ge [sflag:s13], $0x4000  }
0x1b9: {  	[sflag:s13] =	ssyncset.done $0x0  }
0x1ba: {  	[sflag:s13] =	ssyncadd.s32 $0xFFFFC000  }
0x1bb: {  	[spmem:s1] =	stream.indirect.scatter.add.f32 [tilespmem:s11], [sflag:$0x3], $0x80, s26, s10, $0xb8;
	[tilespmem:$0x1D000] =	vst v63  }
0x1bc: {  	_ =	swait.ge [sflag:s14], $0x4000  }
0x1bd: {  	[sflag:s14] =	ssyncset.done $0x0  }
0x1be: {  	[sflag:s14] =	ssyncadd.s32 $0xFFFFC000  }
0x1bf: {  	[spmem:s1] =	stream.indirect.scatter.add.f32 [tilespmem:s12], [sflag:$0x3], $0x80, s28, s10, $0xb8;
	[tilespmem:$0x1D000] =	vst v63  }
0x1c0: {  	_ =	swait.ge [sflag:s15], $0x4000  }
0x1c1: {  	[sflag:s15] =	ssyncset.done $0x0  }
0x1c2: {  	[sflag:s15] =	ssyncadd.s32 $0xFFFFC000  }
0x1c3: {  	_ =	swait.ge [sflag:s15], $0x4000  }
0x1c4: {  	[sflag:s15] =	ssyncset.done $0x0  }
0x1c5: {  	[sflag:s15] =	ssyncadd.s32 $0xFFFFC000  }
0x1c6: {  	[tilespmem:s11], [sflag:$0x1] =	stream.indirect.gather [hbm4b:s3+s10], $0x80, s29, s10, $0xb8;
	[tilespmem:$0x1D000] =	vst v63  }
0x1c7: {  	_ = 	snop  }
0x1c8: {  	[tilespmem:s12], [sflag:$0x2] =	stream.indirect.gather [hbm4b:s3+s10], $0x80, s30, s10, $0xb8;
	[tilespmem:$0x1D000] =	vst v63  }
0x1c9: {  	_ =	swait.ge [sflag:s13], $0x4000  }
0x1ca: {  	[sflag:s13] =	ssyncset.done $0x0  }
0x1cb: {  	[sflag:s13] =	ssyncadd.s32 $0xFFFFC000  }
0x1cc: {  	[spmem:s1] =	stream.indirect.scatter.add.f32 [tilespmem:s11], [sflag:$0x3], $0x80, s31, s10, $0xb8;
	[tilespmem:$0x1D000] =	vst v63  }
0x1cd: {  	_ =	swait.ge [sflag:s14], $0x4000  }
0x1ce: {  	[sflag:s14] =	ssyncset.done $0x0  }
0x1cf: {  	[sflag:s14] =	ssyncadd.s32 $0xFFFFC000  }
0x1d0: {  	[spmem:s1] =	stream.indirect.scatter.add.f32 [tilespmem:s12], [sflag:$0x3], $0x80, s0, s10, $0xb8;
	[tilespmem:$0x1D000] =	vst v63  }
0x1d1: {  	_ =	swait.ge [sflag:s15], $0x4000  }
0x1d2: {  	[sflag:s15] =	ssyncset.done $0x0  }
0x1d3: {  	[sflag:s15] =	ssyncadd.s32 $0xFFFFC000  }
0x1d4: {  	_ =	swait.ge [sflag:s15], $0x4000  }
0x1d5: {  	[sflag:s15] =	ssyncset.done $0x0  }
0x1d6: {  	[sflag:s15] =	ssyncadd.s32 $0xFFFFC000  }
0x1d7: {  	[bflag:$0x0] =	sbarrier.arrive $0xFFFF  }
0x1d8: {  	s5 =	rddreg [dreg:$0x13]  }
0x1d9: {  	s4 =	simm.s32 @!p0 $0x1C04;
	s6 =	rddreg [dreg:$0x15]  }
0x1da: {  	[hbm:s5], [sflag:s4] =	dma.local @!p0 [spmem:s6], $0x28000  }
0x1db: {  	s4 =	simm.s32 @!p0 $0x4  }
0x1dc: {  	_ =	swait.ge @!p0 [sflag:s4], $0x28000  }
0x1dd: {  	s5 =	rddreg [dreg:$0x16]  }
0x1de: {  	s7 =	sadd.s32 $0x1, s5;
	s5 =	rddreg [dreg:$0x14]  }
0x1df: {  	p1 =	sne.s32 s7, s5  }
.Ltmp1:
0x1e0: {  	_ = 	snop;
	(pc) =	sbr.rel @p1 .LBB2_1-.Ltmp1, $3  }
0x1e1: {  	_ =	sdelay $0x1  }
0x1e2: {  	[sflag:s4] =	ssyncset.done @!p0 $0x0  }
0x1e3: {  	[sflag:s4] =	ssyncadd.s32 @!p0 $0xFFFD8000  }
0x1e4: {  	_ =	sfence.sel $0x180000  }
0x1e5: {  	[bflag:$0x0] =	sbarrier.arrive $0xFFFF  }
0x1e6: {  	_ =	strace $0x9000004A  }
0x1e7: {  	[bflag:$0x2] =	sbarrier.arrive $0xFFFF  }
0x1e8: {  	s0 =	rddreg [dreg:$0x2]  }
0x1e9: {  	s0 =	sadd.s32 @!p0 $0x100000, s0  }
0x1ea: {  	[sflag:s0] =	ssyncadd.tile.s32 @!p0 $0x1;
	_ =	shalt  }
.Lfunc_end2:
_tile_overlayer_lowered:
.L_overlay_start_2:
0x1eb: {  	(tag) =	ssettag $0x2  }
0x1ec: {  	s0 =	rddreg [dreg:$0x0];
	s2 =	stileid.u32  }
0x1ed: {  	s1 =	rddreg [dreg:$0x1];
	p0 =	sne.s32 s2, $0x0  }
0x1ee: {  	s3 =	rddreg [dreg:$0x2];
	[bflag:$0x3] =	sbarrier.arrive $0xFFFF;
	s2 =	simm.s32 @!p0 $0x1C04  }
0x1ef: {  	[timem:s3], [sflag:s2] =	dma.local @!p0 [hbm:s0], s1  }
0x1f0: {  	s0 =	simm.s32 @!p0 $0x4  }
0x1f1: {  	_ =	swait.ge @!p0 [sflag:s0], s1  }
0x1f2: {  	s1 =	ssub.s32 @!p0 $0x0, s1;
	[sflag:s0] =	ssyncset.done @!p0 $0x0  }
0x1f3: {  	[sflag:s0] =	ssyncadd.s32 @!p0 s1  }
0x1f4: {  	[bflag:$0x3] =	sbarrier.arrive $0xFFFF  }
0x1f5: {  	_ =	shalt  }

// kernel: kernel.15.cloned.1.call-start
scs
__scs_entry_jumppad:
0x0: {  	(pc) =	sbr.rel $0x88, $3  }
0x1: {  	(tag) =	ssettag $0x0;
	lr =	simm.s32 $0x1  }
0x2: {  	[smem:$0x3F93] =	sst lr;
	_ =	strace $0xD0000000  }
0x3: {  	_ = 	snop  }
0x4: {  	_ = 	snop  }
0x5: {  	_ = 	snop  }
0x6: {  	_ = 	snop  }
0x7: {  	_ = 	snop  }
__scs_overlays_trampoline_lowered:
0x8: {  	[smem:$0x3FA2] =	sst s0  }
0x9: {  	[smem:$0x3FA3] =	sst s1  }
0xa: {  	[smem:$0x3FA4] =	sst s2  }
0xb: {  	[smem:$0x3FA5] =	sst s3  }
0xc: {  	[smem:$0x3FA6] =	sst s4  }
0xd: {  	[smem:$0x3FA7] =	sst s5  }
0xe: {  	[smem:$0x3FA8] =	sst s6  }
0xf: {  	[smem:$0x3FA9] =	sst s7  }
0x10: {  	[smem:$0x3FAA] =	sst s8  }
0x11: {  	[smem:$0x3FAB] =	sst s9;
	s0 =	simm.s32 @!p0 $0x0  }
0x12: {  	s1 =	sld [smem:$0x3F91];
	s0 =	simm.s32 @p0 $0x1  }
0x13: {  	[smem:$0x3FAC] =	sst s0;
	s0 =	simm.s32 @!p1 $0x0  }
0x14: {  	s2 =	sld [smem:$0x3F90];
	s0 =	simm.s32 @p1 $0x1  }
0x15: {  	[smem:$0x3FAD] =	sst s0;
	s0 =	simm.s32 @!p2 $0x0  }
0x16: {  	s3 =	sld [smem:$0x3FDB];
	s0 =	simm.s32 @p2 $0x1  }
0x17: {  	s4 =	simm.s32 $0x1BF5;
	[smem:$0x3FAF] =	sst s0  }
0x18: {  	s0 =	sld [smem:$0x3F92];
	_ =	swait.ge [sflag:s4], $0x0  }
0x19: {  	s7 =	sld [smem:$0x3F93]  }
0x1a: {  	s8 =	sadd.s32 $0xFFFFE003, lr  }
0x1b: {  	s9 =	sadd.s32 $0xFFFFFEF7, lr;
	s5 =	simm.s32 $0xFFFFFFFF;
	p2 =	slt.u32 s8, $0xFFFFF086  }
0x1c: {  	p1 =	slt.u32 s9, $0xF7A;
	s5 =	simm.s32 @!p2 $0x0  }
0x1d: {  	s5 =	simm.s32 @p1 $0x1;
	p0 =	seq.s32 s7, s2  }
0x1e: {  	s7 =	smul.u32 @!p0 $0xF7A, s2;
	p2 =	seq.s32 @!p0 s5, $0x0  }
0x1f: {  	s9 =	smul.u32 $0xF7A, s1;
	s8 =	simm.s32 @!p0 $0x1BF5;
	p2 =	por !p2, p0  }
0x20: {  	[sflag:s8] =	ssyncset.s32 @!p0 $0xFFFFF086;
	s6 =	sadd.s32 @!p0 s3, s7;
	s7 =	simm.s32 @!p0 $0x108  }
0x21: {  	s3 =	sadd.s32 s3, s9;
	s6 =	sadd.s32 @!p0 $0x88, s6;
	s7 =	simm.s32 @p2 $0x1082  }
0x22: {  	[simem:s7], [sflag:s8] =	dma.local @!p0 [hbm:s6], $0xF7A  }
0x23: {  	s9 =	sor.u32 $0xD0000000, s2;
	s6 =	simm.s32 $0x108;
	_ =	swait.ge @!p0 [sflag:s8], $0x0  }
0x24: {  	s3 =	sadd.s32 $0x88, s3;
	s6 =	simm.s32 @!p1 $0x1082;
	[sflag:s4] =	ssyncset.s32 $0xFFFFF086  }
0x25: {  	[simem:s6], [sflag:s4] =	dma.local [hbm:s3], $0xF7A  }
0x26: {  	[smem:$0x3F93] =	sst s1;
	(tag) =	ssettag s2;
	_ =	strace s9  }
0x27: {  	s1 =	sld [smem:$0x3FA3]  }
0x28: {  	s2 =	sld [smem:$0x3FA4]  }
0x29: {  	s4 =	sld [smem:$0x3FA6]  }
0x2a: {  	p0 =	seq.s32 s5, $0x0;
	s5 =	sld [smem:$0x3FA7]  }
0x2b: {  	s6 =	sld [smem:$0x3FA8]  }
0x2c: {  	s7 =	sld [smem:$0x3FA9]  }
0x2d: {  	s3 =	simm.s32 $0x108;
	s8 =	sld [smem:$0x3FAA]  }
0x2e: {  	s3 =	simm.s32 @!p0 $0x1082;
	s9 =	sld [smem:$0x3FAB]  }
0x2f: {  	lr =	sadd.s32 s0, s3;
	s0 =	sld [smem:$0x3FA2]  }
0x30: {  	s3 =	sld [smem:$0x3FA5]  }
0x31: {  	[smem:$0x3FAE] =	sst s10  }
0x32: {  	s10 =	sld [smem:$0x3FAC];
	_ =	sdelay $0x3  }
0x33: {  	p0 =	seq.s32 s10, $0x1;
	s10 =	sld [smem:$0x3FAE];
	_ =	sdelay $0x3  }
0x34: {  	[smem:$0x3FAE] =	sst s10  }
0x35: {  	s10 =	sld [smem:$0x3FAD];
	_ =	sdelay $0x3  }
0x36: {  	p1 =	seq.s32 s10, $0x1;
	s10 =	sld [smem:$0x3FAE];
	_ =	sdelay $0x3  }
0x37: {  	[smem:$0x3FAE] =	sst s10  }
0x38: {  	s10 =	sld [smem:$0x3FAF]  }
0x39: {  	_ = 	snop;
	(pc) =	sbr.ind lr, $3  }
0x3a: {  	_ = 	snop  }
0x3b: {  	_ = 	snop  }
0x3c: {  	p2 =	seq.s32 s10, $0x1;
	s10 =	sld [smem:$0x3FAE]  }
0x3d: {  	_ =	shalt  }
0x3e: {  	_ =	shalt  }
0x3f: {  	_ =	shalt  }
0x40: {  	_ =	shalt  }
0x41: {  	_ =	shalt  }
0x42: {  	_ =	shalt  }
0x43: {  	_ =	shalt  }
0x44: {  	_ =	shalt  }
0x45: {  	_ =	shalt  }
0x46: {  	_ =	shalt  }
0x47: {  	_ =	shalt  }
0x48: {  	_ =	shalt  }
0x49: {  	_ =	shalt  }
0x4a: {  	_ =	shalt  }
0x4b: {  	_ =	shalt  }
0x4c: {  	_ =	shalt  }
0x4d: {  	_ =	shalt  }
0x4e: {  	_ =	shalt  }
0x4f: {  	_ =	shalt  }
0x50: {  	_ =	shalt  }
0x51: {  	_ =	shalt  }
0x52: {  	_ =	shalt  }
0x53: {  	_ =	shalt  }
0x54: {  	_ =	shalt  }
0x55: {  	_ =	shalt  }
0x56: {  	_ =	shalt  }
0x57: {  	_ =	shalt  }
0x58: {  	_ =	shalt  }
0x59: {  	_ =	shalt  }
0x5a: {  	_ =	shalt  }
0x5b: {  	_ =	shalt  }
0x5c: {  	_ =	shalt  }
0x5d: {  	_ =	shalt  }
0x5e: {  	_ =	shalt  }
0x5f: {  	_ =	shalt  }
0x60: {  	_ =	shalt  }
0x61: {  	_ =	shalt  }
0x62: {  	_ =	shalt  }
0x63: {  	_ =	shalt  }
0x64: {  	_ =	shalt  }
0x65: {  	_ =	shalt  }
0x66: {  	_ =	shalt  }
0x67: {  	_ =	shalt  }
0x68: {  	_ =	shalt  }
0x69: {  	_ =	shalt  }
0x6a: {  	_ =	shalt  }
0x6b: {  	_ =	shalt  }
0x6c: {  	_ =	shalt  }
0x6d: {  	_ =	shalt  }
0x6e: {  	_ =	shalt  }
0x6f: {  	_ =	shalt  }
0x70: {  	_ =	shalt  }
0x71: {  	_ =	shalt  }
0x72: {  	_ =	shalt  }
0x73: {  	_ =	shalt  }
0x74: {  	_ =	shalt  }
0x75: {  	_ =	shalt  }
0x76: {  	_ =	shalt  }
0x77: {  	_ =	shalt  }
0x78: {  	_ =	shalt  }
0x79: {  	_ =	shalt  }
0x7a: {  	_ =	shalt  }
0x7b: {  	_ =	shalt  }
0x7c: {  	_ =	shalt  }
0x7d: {  	_ =	shalt  }
0x7e: {  	_ =	shalt  }
0x7f: {  	_ =	shalt  }
0x80: {  	_ =	shalt  }
0x81: {  	_ =	shalt  }
0x82: {  	_ =	shalt  }
0x83: {  	_ =	shalt  }
0x84: {  	_ =	shalt  }
0x85: {  	_ =	shalt  }
0x86: {  	_ =	shalt  }
0x87: {  	_ =	shalt  }
.Lfunc_end0:
.L_simem_size_0:
called_computation.2_lowered:
.L_overlay_start_0:
0x88: {  	s2 =	sld [smem:$0x3FD9]  }
0x89: {  	s3 =	sld [smem:$0x3FFE];
	_ =	sdelay $0x1  }
0x8a: {  	s1 =	srdreg.scid  }
0x8b: {  	s0 =	sand.u32 $0x1, s1  }
0x8c: {  	s17 =	sshll.u32 s0, $0xA;
	s2 =	sadd.s32 s3, s2  }
0x8d: {  	s2 =	sadd.s32 s2, s17  }
0x8e: {  	[smem:$0x3FBA] =	sst s2  }
0x8f: {  	_ = 	snop  }
0x90: {  	s2 =	sld [smem:$0x3FD0];
	(tm) =	ssettm $0x1  }
0x91: {  	s18 =	sld [smem:$0x3FFB];
	_ =	sdelay $0x3  }
0x92: {  	_ =	strace s18  }
0x93: {  	s3 =	sld [smem:$0x3FFC];
	_ =	sdelay $0x3  }
0x94: {  	_ =	strace s3  }
0x95: {  	s3 =	sld [smem:$0x3FFD];
	_ =	sdelay $0x3  }
0x96: {  	_ =	strace s3  }
0x97: {  	_ =	strace $0x8FFFFFFF  }
0x98: {  	s19 =	sld [smem:$0x3FDB];
	_ =	sdelay $0x1  }
0x99: {  	s4 =	simm.s32 $_scs_section_size  }
0x9a: {  	s5 =	simm.s32 $_size__tile_overlayer_lowered;
	s6 =	simm.s32 $_tile_overlayer_lowered  }
0x9b: {  	s22 =	simm.s32 $0x1BFF;
	s21 =	sshll.u32 s6, $0x1;
	s3 =	sadd.s32 s4, s19  }
0x9c: {  	s7 =	simm.s32 $0x0;
	s20 =	sshll.u32 s5, $0x1;
	s5 =	sadd.s32 s21, s3  }
0x9d: {  	[timem:s7], [sflag:s22] =	dma.local [hbm:s5], s20  }
0x9e: {  	_ =	swait.ge [sflag:s22], s20  }
0x9f: {  	s4 =	ssub.s32 $0x0, s20;
	[sflag:s22] =	ssyncset.done $0x0  }
0xa0: {  	[sflag:s22] =	ssyncadd.s32 s4;
	_ =	sdelay $0x1  }
0xa1: {  	s23 =	simm.s32 $0x1B8B  }
0xa2: {  	_ =	swait.ge [sflag:s23], $0x1  }
0xa3: {  	[sflag:s23] =	ssyncset.done $0x0  }
0xa4: {  	s25 =	simm.s32 $0x1B8E;
	s24 =	sld [smem:$0x3FFE];
	[sflag:s23] =	ssyncadd.s32 $0xFFFFFFFF  }
0xa5: {  	s26 =	simm.s32 $execute0_lowered;
	[smem:$0x3FD2] =	sst s25  }
0xa6: {  	s5 =	sshll.u32 s26, $0x1;
	_ =	strace $0x8000004C;
	[dreg:$0x1] =	wrdreg $0xFFFFFFFF  }
0xa7: {  	s28 =	simm.s32 $_size_execute0_lowered;
	s3 =	sadd.s32 s3, s5;
	[dreg:$0x0] =	wrdreg $0x0  }
0xa8: {  	s5 =	sshll.u32 s28, $0x1;
	[dreg:$0x2] =	wrdreg s3  }
0xa9: {  	[dreg:$0x3] =	wrdreg s5  }
0xaa: {  	[dreg:$0x4] =	wrdreg $0xC0  }
0xab: {  	_ =	task [dreg:s7], $0x5FFFF  }
0xac: {  	[dreg:$0x1] =	wrdreg $0xFFFFFFFF  }
0xad: {  	[dreg:$0x0] =	wrdreg $0x60  }
0xae: {  	[dreg:$0x2] =	wrdreg s24  }
0xaf: {  	[dreg:$0x3] =	wrdreg s2  }
0xb0: {  	[dreg:$0x4] =	wrdreg $0x9  }
0xb1: {  	_ =	task.clear_ibuf [dreg:s7], $0x5FFFF;
	_ =	strace $0x9000004C  }
0xb2: {  	s29 =	simm.s32 $0x9;
	_ =	strace $0x8000004E  }
0xb3: {  	_ =	swait.ge [sflag:s29], $0x1  }
0xb4: {  	[sflag:s29] =	ssyncadd.s32 $0xFFFFFFFF  }
0xb5: {  	_ =	strace $0x9000004E  }
0xb6: {  	_ =	sfence  }
0xb7: {  	s30 =	sld [smem:$0x0];
	_ =	sdelay $0x2  }
0xb8: {  	s31 =	sshll.u32 s1, $0xD;
	s1 =	sshrl.u32 s1, $0x2  }
0xb9: {  	s3 =	sand.u32 $0x4000, s31;
	s1 =	sadd.s32 s1, s30  }
0xba: {  	s0 =	sor.u32 s3, s0;
	s1 =	sshll.u32 s1, $0x11  }
0xbb: {  	s0 =	sor.u32 s1, s0  }
0xbc: {  	s0 =	sadd.s32 $0x8F2B, s0  }
0xbd: {  	[sflag:s0] =	ssyncadd.remote.s32 $0x1  }
0xbe: {  	_ =	sfence.sel $0xFFFF  }
0xbf: {  	[dreg:$0x0] =	wrdreg $0xFFFFFFFF;
	(pc) =	sbr.abs _section_cstart, $3  }
0xc0: {  	[dreg:$0x1] =	wrdreg $0xFFFFFFFF  }
0xc1: {  	_ =	task.clear_ibuf [dreg:s7], $0x2FFFF;
	_ =	strace $0x9FFFFFFF  }
0xc2: {  	(tm) =	ssettm $0x7FFFFFFF  }
0xc3: {  	_ =	shalt  }
tec
execute0_lowered:
.L_overlay_start_1:
0x0: {  	(tag) =	ssettag $0x1  }
0x1: {  	s1 =	srdreg.scid  }
0x2: {  	s8 =	rddreg [dreg:$0x0];
	s0 =	stileid.u32  }
0x3: {  	s6 =	rddreg [dreg:$0x1];
	s2 =	simm.s32 $0x0;
	s12 =	simm.s32 $0x80  }
0x4: {  	s13 =	simm.s32 $0x1000;
	s14 =	simm.s32 $0x9000;
	s15 =	simm.s32 $0x5000  }
0x5: {  	s16 =	simm.s32 $0xD000;
	s17 =	simm.s32 $0x1;
	s18 =	simm.s32 $0x3  }
0x6: {  	s19 =	simm.s32 $0x11000;
	s20 =	simm.s32 $0x2;
	s21 =	simm.s32 $0x4  }
0x7: {  	s22 =	simm.s32 $0x15000;
	s23 =	simm.s32 $0x5;
	s24 =	simm.s32 $0x0  }
0x8: {  	s3 =	sand.u32 $0x1, s1;
	s4 =	sshll.u32 s0, $0x5;
	[smem:$0x7FF] =	sst s2  }
0x9: {  	s1 =	rddreg [dreg:$0x2];
	s5 =	sshll.u32 s3, $0x4;
	_ =	strace $0x8000004D  }
0xa: {  	s10 =	ssub.s32 $0x2, s3;
	s3 =	sadd.s32 $0x3E00, s8;
	s7 =	sor.u32 s5, s4  }
0xb: {  	s4 =	sadd.s32 $0xF6400, s8;
	s11 =	sshrl.u32 s10, $0x1;
	s9 =	sshll.u32 s7, $0x4  }
0xc: {  	s10 =	ssub.s32 s10, s11;
	s7 =	sshll.u32 s7, $0xB;
	s11 =	simm.s32 $0x800  }
0xd: {  	s31 =	sadd.s32 s9, s8;
	s6 =	sadd.s32 s6, s9;
	s8 =	sadd.s32 $0xF6C00, s8  }
0xe: {  	s9 =	smax.u32 s10, $0x1;
	s10 =	simm.s32 $0x6;
	s5 =	sadd.s32 $0xF4400, s31  }
.LBB2_1:
0xf: {  	[tilespmem:s2], [sflag:$0x6] =	stream.linear.gather [hbm4b:s5+s2], $0x800, $0x38;
	[tilespmem:$0x19000] =	vst v63  }
0x10: {  	_ =	swait.ge [sflag:s10], $0x800  }
0x11: {  	[sflag:s10] =	ssyncset.done $0x0  }
0x12: {  	[sflag:s10] =	ssyncadd.s32 $0xFFFFF800  }
0x13: {  	[tilespmem:s11], [sflag:$0x6] =	stream.linear.gather [hbm4b:s6+s2], $0x800, $0x38;
	[tilespmem:$0x19000] =	vst v63  }
0x14: {  	_ =	swait.ge [sflag:s10], $0x800  }
0x15: {  	[sflag:s10] =	ssyncset.done $0x0  }
0x16: {  	s25 =	simm.s32 $0x0;
	[sflag:s10] =	ssyncadd.s32 $0xFFFFF800  }
.LBB2_2:
0x17: {  	s26 =	sshll.u32 s25, $0x8  }
0x18: {  	[tilespmem:s13], [sflag:$0x1] =	stream.indirect.gather [hbm4b:s3+s12], $0x80, s26, s12, $0xb8;
	[tilespmem:$0x19000] =	vst v63  }
0x19: {  	s28 =	sadd.s32 $0x800, s26  }
0x1a: {  	[tilespmem:s14], [sflag:$0x3] =	stream.indirect.gather [hbm4b:s3+s12], $0x80, s28, s12, $0xb8;
	[tilespmem:$0x19000] =	vst v63  }
0x1b: {  	s28 =	sor.u32 $0x80, s26  }
0x1c: {  	[tilespmem:s15], [sflag:$0x2] =	stream.indirect.gather [hbm4b:s3+s12], $0x80, s28, s12, $0xb8;
	[tilespmem:$0x19000] =	vst v63  }
0x1d: {  	s26 =	sadd.s32 $0x880, s26  }
0x1e: {  	[tilespmem:s16], [sflag:$0x4] =	stream.indirect.gather [hbm4b:s3+s12], $0x80, s26, s12, $0xb8;
	[tilespmem:$0x19000] =	vst v63  }
0x1f: {  	_ =	swait.ge [sflag:s17], $0x4000  }
0x20: {  	[sflag:s17] =	ssyncset.done $0x0  }
0x21: {  	[sflag:s17] =	ssyncadd.s32 $0xFFFFC000  }
0x22: {  	_ =	swait.ge [sflag:s18], $0x4000  }
0x23: {  	[sflag:s18] =	ssyncset.done $0x0  }
0x24: {  	s26 =	simm.s32 $0x0;
	[sflag:s18] =	ssyncadd.s32 $0xFFFFC000  }
0x25: {  	v0 =	vld [tilespmem:s26+$0x1070]  }
0x26: {  	v1 =	vld [tilespmem:s26+$0x9070]  }
0x27: {  	v2 =	vld [tilespmem:s26+$0x1000]  }
0x28: {  	v3 =	vld [tilespmem:s26+$0x9000]  }
0x29: {  	v4 =	vld [tilespmem:s26+$0x1010]  }
0x2a: {  	v5 =	vld [tilespmem:s26+$0x9010]  }
0x2b: {  	v6 =	vld [tilespmem:s26+$0x1020]  }
0x2c: {  	v7 =	vld [tilespmem:s26+$0x1030]  }
0x2d: {  	v0 =	vmul.f32 v1, v0;
	v1 =	vld [tilespmem:s26+$0x9020]  }
0x2e: {  	v8 =	vld [tilespmem:s26+$0x9030]  }
0x2f: {  	v9 =	vld [tilespmem:s26+$0x9040];
	v2 =	vmul.f32 v3, v2  }
0x30: {  	[tilespmem:s26+$0x11070] =	vst v0;
	v0 =	vmul.f32 v5, v4;
	v5 =	vld [tilespmem:s26+$0x1040]  }
0x31: {  	v3 =	vld [tilespmem:s26+$0x9050];
	[tilespmem:s26+$0x11000] =	vst v2  }
0x32: {  	v2 =	vld [tilespmem:s26+$0x1050];
	[tilespmem:s26+$0x11010] =	vst v0;
	v0 =	vmul.f32 v1, v6  }
0x33: {  	v4 =	vld [tilespmem:s26+$0x9060];
	v6 =	vmul.f32 v8, v7  }
0x34: {  	s28 =	simm.s32 $0x80;
	[tilespmem:s26+$0x11020] =	vst v0;
	v0 =	vld [tilespmem:s26+$0x1060]  }
0x35: {  	s29 =	simm.s32 $0x400;
	v5 =	vmul.f32 v9, v5;
	v1 =	vld [tilespmem:s28+$0x1070];
	[tilespmem:s26+$0x11030] =	vst v6  }
.LBB2_3:
0x36: {  	p0 =	sne.s32 s29, $0xFE00;
	v6 =	vld [tilespmem:s28+$0x9070]  }
0x37: {  	v7 =	vld [tilespmem:s28+$0x1000];
	[tilespmem:s26+$0x11040] =	vst v5;
	v2 =	vmul.f32 v3, v2  }
0x38: {  	v3 =	vld [tilespmem:s28+$0x9000]  }
0x39: {  	v5 =	vld [tilespmem:s28+$0x1010];
	[tilespmem:s26+$0x11050] =	vst v2;
	v0 =	vmul.f32 v4, v0  }
0x3a: {  	v2 =	vld [tilespmem:s28+$0x9010]  }
0x3b: {  	v4 =	vld [tilespmem:s28+$0x1020];
	v1 =	vmul.f32 v6, v1;
	[tilespmem:s26+$0x11060] =	vst v0;
	s26 =	smov.u32 s28  }
0x3c: {  	v0 =	vld [tilespmem:s26+$0x9020]  }
0x3d: {  	v3 =	vmul.f32 v3, v7;
	v6 =	vld [tilespmem:s26+$0x1030];
	[tilespmem:s26+$0x11070] =	vst v1  }
0x3e: {  	v1 =	vld [tilespmem:s26+$0x9030]  }
0x3f: {  	[tilespmem:s26+$0x11000] =	vst v3;
	v2 =	vmul.f32 v2, v5;
	v5 =	vld [tilespmem:s26+$0x1040]  }
0x40: {  	v7 =	vld [tilespmem:s26+$0x9040]  }
.Ltmp0:
0x41: {  	[tilespmem:s26+$0x11010] =	vst v2;
	v0 =	vmul.f32 v0, v4;
	v2 =	vld [tilespmem:s26+$0x1050];
	(pc) =	sbr.rel @p0 .LBB2_3-.Ltmp0, $4  }
0x42: {  	v3 =	vld [tilespmem:s26+$0x9050]  }
0x43: {  	[tilespmem:s26+$0x11020] =	vst v0;
	v6 =	vmul.f32 v1, v6;
	v0 =	vld [tilespmem:s26+$0x1060]  }
0x44: {  	s28 =	sshra.s32 s29, $0x2;
	v4 =	vld [tilespmem:s26+$0x9060]  }
0x45: {  	s29 =	sadd.s32 $0x200, s29;
	v1 =	vld [tilespmem:s28+$0x1070];
	[tilespmem:s26+$0x11030] =	vst v6;
	v5 =	vmul.f32 v7, v5  }
0x46: {  	v6 =	vld [tilespmem:s28+$0x9070]  }
0x47: {  	v7 =	vld [tilespmem:s28+$0x1000];
	[tilespmem:s26+$0x11040] =	vst v5;
	v2 =	vmul.f32 v3, v2  }
0x48: {  	v3 =	vld [tilespmem:s28+$0x9000]  }
0x49: {  	v5 =	vld [tilespmem:s28+$0x1010];
	[tilespmem:s26+$0x11050] =	vst v2;
	v0 =	vmul.f32 v4, v0  }
0x4a: {  	v2 =	vld [tilespmem:s28+$0x9010]  }
0x4b: {  	v4 =	vld [tilespmem:s28+$0x1020];
	[tilespmem:s26+$0x11060] =	vst v0  }
0x4c: {  	v0 =	vmul.f32 v6, v1;
	v1 =	vld [tilespmem:s28+$0x9020]  }
0x4d: {  	v6 =	vld [tilespmem:s28+$0x1030]  }
0x4e: {  	v3 =	vmul.f32 v3, v7;
	[tilespmem:s28+$0x11070] =	vst v0;
	v0 =	vld [tilespmem:s28+$0x9030]  }
0x4f: {  	v7 =	vld [tilespmem:s28+$0x9060]  }
0x50: {  	[tilespmem:s28+$0x11000] =	vst v3;
	v2 =	vmul.f32 v2, v5;
	v3 =	vld [tilespmem:s28+$0x1040]  }
0x51: {  	v5 =	vld [tilespmem:s28+$0x9040]  }
0x52: {  	[tilespmem:s28+$0x11010] =	vst v2;
	v1 =	vmul.f32 v1, v4;
	v2 =	vld [tilespmem:s28+$0x1050]  }
0x53: {  	v4 =	vld [tilespmem:s28+$0x9050]  }
0x54: {  	[tilespmem:s28+$0x11020] =	vst v1;
	v1 =	vld [tilespmem:s28+$0x1060];
	_ =	sdelay $0x1  }
0x55: {  	v0 =	vmul.f32 v0, v6  }
0x56: {  	v3 =	vmul.f32 v5, v3  }
0x57: {  	[tilespmem:s28+$0x11030] =	vst v0;
	v0 =	vmul.f32 v4, v2  }
0x58: {  	s31 =	sshll.u32 s25, $0xC;
	[tilespmem:s28+$0x11040] =	vst v3;
	v1 =	vmul.f32 v7, v1  }
0x59: {  	s26 =	sadd.s32 s7, s31;
	[tilespmem:s28+$0x11050] =	vst v0  }
0x5a: {  	s29 =	simm.s32 $0x0;
	[tilespmem:s28+$0x11060] =	vst v1;
	s28 =	sadd.s32 s4, s26  }
0x5b: {  	[hbm4b:s28+s29] =	stream.linear.scatter [tilespmem:s19], [sflag:$0x5], $0x4000, $0x38;
	[tilespmem:$0x19000] =	vst v63  }
0x5c: {  	_ =	swait.ge [sflag:s20], $0x4000  }
0x5d: {  	[sflag:s20] =	ssyncset.done $0x0  }
0x5e: {  	[sflag:s20] =	ssyncadd.s32 $0xFFFFC000  }
0x5f: {  	_ =	swait.ge [sflag:s21], $0x4000  }
0x60: {  	[sflag:s21] =	ssyncset.done $0x0  }
0x61: {  	s28 =	simm.s32 $0x0;
	[sflag:s21] =	ssyncadd.s32 $0xFFFFC000  }
0x62: {  	v0 =	vld [tilespmem:s28+$0x5070]  }
0x63: {  	v1 =	vld [tilespmem:s28+$0xD070]  }
0x64: {  	v2 =	vld [tilespmem:s28+$0x5000]  }
0x65: {  	v3 =	vld [tilespmem:s28+$0xD000]  }
0x66: {  	v4 =	vld [tilespmem:s28+$0x5010]  }
0x67: {  	v5 =	vld [tilespmem:s28+$0xD010]  }
0x68: {  	v6 =	vld [tilespmem:s28+$0x5020]  }
0x69: {  	v7 =	vld [tilespmem:s28+$0x5030]  }
0x6a: {  	v0 =	vmul.f32 v1, v0;
	v1 =	vld [tilespmem:s28+$0xD020]  }
0x6b: {  	v8 =	vld [tilespmem:s28+$0xD030]  }
0x6c: {  	v9 =	vld [tilespmem:s28+$0xD040];
	v2 =	vmul.f32 v3, v2  }
0x6d: {  	[tilespmem:s28+$0x15070] =	vst v0;
	v0 =	vmul.f32 v5, v4;
	v5 =	vld [tilespmem:s28+$0x5040]  }
0x6e: {  	v3 =	vld [tilespmem:s28+$0xD050];
	[tilespmem:s28+$0x15000] =	vst v2  }
0x6f: {  	v2 =	vld [tilespmem:s28+$0x5050];
	[tilespmem:s28+$0x15010] =	vst v0;
	v0 =	vmul.f32 v1, v6  }
0x70: {  	v4 =	vld [tilespmem:s28+$0xD060];
	v6 =	vmul.f32 v8, v7  }
0x71: {  	s29 =	simm.s32 $0x80;
	[tilespmem:s28+$0x15020] =	vst v0;
	v0 =	vld [tilespmem:s28+$0x5060]  }
0x72: {  	s30 =	simm.s32 $0x400;
	v5 =	vmul.f32 v9, v5;
	v1 =	vld [tilespmem:s29+$0x5070];
	[tilespmem:s28+$0x15030] =	vst v6  }
.LBB2_5:
0x73: {  	p0 =	sne.s32 s30, $0xFE00;
	v6 =	vld [tilespmem:s29+$0xD070]  }
0x74: {  	v7 =	vld [tilespmem:s29+$0x5000];
	[tilespmem:s28+$0x15040] =	vst v5;
	v2 =	vmul.f32 v3, v2  }
0x75: {  	v3 =	vld [tilespmem:s29+$0xD000]  }
0x76: {  	v5 =	vld [tilespmem:s29+$0x5010];
	[tilespmem:s28+$0x15050] =	vst v2;
	v0 =	vmul.f32 v4, v0  }
0x77: {  	v2 =	vld [tilespmem:s29+$0xD010]  }
0x78: {  	v4 =	vld [tilespmem:s29+$0x5020];
	v1 =	vmul.f32 v6, v1;
	[tilespmem:s28+$0x15060] =	vst v0;
	s28 =	smov.u32 s29  }
0x79: {  	v0 =	vld [tilespmem:s28+$0xD020]  }
0x7a: {  	v3 =	vmul.f32 v3, v7;
	v6 =	vld [tilespmem:s28+$0x5030];
	[tilespmem:s28+$0x15070] =	vst v1  }
0x7b: {  	v1 =	vld [tilespmem:s28+$0xD030]  }
0x7c: {  	[tilespmem:s28+$0x15000] =	vst v3;
	v2 =	vmul.f32 v2, v5;
	v5 =	vld [tilespmem:s28+$0x5040]  }
0x7d: {  	v7 =	vld [tilespmem:s28+$0xD040]  }
.Ltmp1:
0x7e: {  	[tilespmem:s28+$0x15010] =	vst v2;
	v0 =	vmul.f32 v0, v4;
	v2 =	vld [tilespmem:s28+$0x5050];
	(pc) =	sbr.rel @p0 .LBB2_5-.Ltmp1, $4  }
0x7f: {  	v3 =	vld [tilespmem:s28+$0xD050]  }
0x80: {  	[tilespmem:s28+$0x15020] =	vst v0;
	v6 =	vmul.f32 v1, v6;
	v0 =	vld [tilespmem:s28+$0x5060]  }
0x81: {  	s29 =	sshra.s32 s30, $0x2;
	v4 =	vld [tilespmem:s28+$0xD060]  }
0x82: {  	s30 =	sadd.s32 $0x200, s30;
	v1 =	vld [tilespmem:s29+$0x5070];
	[tilespmem:s28+$0x15030] =	vst v6;
	v5 =	vmul.f32 v7, v5  }
0x83: {  	v6 =	vld [tilespmem:s29+$0xD070]  }
0x84: {  	v7 =	vld [tilespmem:s29+$0x5000];
	[tilespmem:s28+$0x15040] =	vst v5;
	v2 =	vmul.f32 v3, v2  }
0x85: {  	v51 =	vld [tilespmem:s29+$0xD000]  }
0x86: {  	v5 =	vld [tilespmem:s29+$0x5010];
	[tilespmem:s28+$0x15050] =	vst v2;
	v0 =	vmul.f32 v4, v0  }
0x87: {  	v2 =	vld [tilespmem:s29+$0xD010]  }
0x88: {  	v52 =	vld [tilespmem:s29+$0x5020];
	[tilespmem:s28+$0x15060] =	vst v0  }
0x89: {  	v54 =	vld [tilespmem:s29+$0xD020]  }
0x8a: {  	v55 =	vld [tilespmem:s29+$0x5030]  }
0x8b: {  	v56 =	vld [tilespmem:s29+$0xD030]  }
0x8c: {  	v57 =	vld [tilespmem:s29+$0x5040]  }
0x8d: {  	v58 =	vld [tilespmem:s29+$0xD040]  }
0x8e: {  	v59 =	vld [tilespmem:s29+$0x5050]  }
0x8f: {  	v53 =	vmul.f32 v6, v1;
	v60 =	vld [tilespmem:s29+$0xD050]  }
0x90: {  	v61 =	vld [tilespmem:s29+$0x5060];
	v3 =	vmul.f32 v51, v7  }
0x91: {  	v62 =	vld [tilespmem:s29+$0xD060];
	[tilespmem:s29+$0x15070] =	vst v53;
	v2 =	vmul.f32 v2, v5  }
0x92: {  	[tilespmem:s29+$0x15000] =	vst v3;
	v1 =	vmul.f32 v54, v52  }
0x93: {  	[tilespmem:s29+$0x15010] =	vst v2;
	v0 =	vmul.f32 v56, v55  }
0x94: {  	v3 =	vmul.f32 v58, v57;
	[tilespmem:s29+$0x15020] =	vst v1  }
0x95: {  	v63 =	vmul.f32 v60, v59;
	[tilespmem:s29+$0x15030] =	vst v0  }
0x96: {  	[tilespmem:s29+$0x15040] =	vst v3;
	v1 =	vmul.f32 v62, v61  }
0x97: {  	[tilespmem:s29+$0x15050] =	vst v63  }
0x98: {  	s26 =	sadd.s32 s26, s8;
	s25 =	sadd.s32 $0x1, s25;
	[tilespmem:s29+$0x15060] =	vst v1  }
0x99: {  	[hbm4b:s26+s2] =	stream.linear.scatter [tilespmem:s22], [sflag:$0x5], $0x4000, $0x38;
	[tilespmem:$0x19000] =	vst v63  }
0x9a: {  	p0 =	sne.s32 s25, $0x8;
	_ =	swait.ge [sflag:s23], $0x4000  }
.Ltmp2:
0x9b: {  	[sflag:s23] =	ssyncset.done $0x0;
	(pc) =	sbr.rel @p0 .LBB2_2-.Ltmp2, $4  }
0x9c: {  	[sflag:s23] =	ssyncadd.s32 $0xFFFFC000  }
0x9d: {  	_ =	swait.ge [sflag:s23], $0x4000  }
0x9e: {  	[sflag:s23] =	ssyncset.done $0x0  }
0x9f: {  	[sflag:s23] =	ssyncadd.s32 $0xFFFFC000  }
0xa0: {  	s24 =	sadd.s32 $0x1, s24  }
0xa1: {  	p0 =	sne.s32 s24, s9  }
.Ltmp3:
0xa2: {  	_ = 	snop;
	(pc) =	sbr.rel @p0 .LBB2_1-.Ltmp3, $1  }
0xa3: {  	_ =	sdelay $0x3  }
0xa4: {  	_ =	sfence.sel $0x180000  }
0xa5: {  	[bflag:$0x0] =	sbarrier.arrive $0xFFFF  }
0xa6: {  	p0 =	sne.s32 s0, $0x0;
	_ =	strace $0x9000004D  }
0xa7: {  	s0 =	sadd.s32 @!p0 $0x100000, s1;
	[bflag:$0x2] =	sbarrier.arrive $0xFFFF  }
0xa8: {  	[sflag:s0] =	ssyncadd.tile.s32 @!p0 $0x1;
	_ =	shalt  }
.Lfunc_end2:
_tile_overlayer_lowered:
.L_overlay_start_2:
0xa9: {  	(tag) =	ssettag $0x2  }
0xaa: {  	s0 =	rddreg [dreg:$0x0];
	s2 =	stileid.u32  }
0xab: {  	s1 =	rddreg [dreg:$0x1];
	p0 =	sne.s32 s2, $0x0  }
0xac: {  	s3 =	rddreg [dreg:$0x2];
	[bflag:$0x3] =	sbarrier.arrive $0xFFFF;
	s2 =	simm.s32 @!p0 $0x1C06  }
0xad: {  	[timem:s3], [sflag:s2] =	dma.local @!p0 [hbm:s0], s1  }
0xae: {  	s0 =	simm.s32 @!p0 $0x6  }
0xaf: {  	_ =	swait.ge @!p0 [sflag:s0], s1  }
0xb0: {  	s1 =	ssub.s32 @!p0 $0x0, s1;
	[sflag:s0] =	ssyncset.done @!p0 $0x0  }
0xb1: {  	[sflag:s0] =	ssyncadd.s32 @!p0 s1  }
0xb2: {  	[bflag:$0x3] =	sbarrier.arrive $0xFFFF  }
0xb3: {  	_ =	shalt  }

// kernel: kernel.9.cloned.1.call-start
scs
__scs_entry_jumppad:
0x0: {  	(pc) =	sbr.rel $0x88, $3  }
0x1: {  	(tag) =	ssettag $0x0;
	lr =	simm.s32 $0x1  }
0x2: {  	[smem:$0x3F93] =	sst lr;
	_ =	strace $0xD0000000  }
0x3: {  	_ = 	snop  }
0x4: {  	_ = 	snop  }
0x5: {  	_ = 	snop  }
0x6: {  	_ = 	snop  }
0x7: {  	_ = 	snop  }
__scs_overlays_trampoline_lowered:
0x8: {  	[smem:$0x3FA2] =	sst s0  }
0x9: {  	[smem:$0x3FA3] =	sst s1  }
0xa: {  	[smem:$0x3FA4] =	sst s2  }
0xb: {  	[smem:$0x3FA5] =	sst s3  }
0xc: {  	[smem:$0x3FA6] =	sst s4  }
0xd: {  	[smem:$0x3FA7] =	sst s5  }
0xe: {  	[smem:$0x3FA8] =	sst s6  }
0xf: {  	[smem:$0x3FA9] =	sst s7  }
0x10: {  	[smem:$0x3FAA] =	sst s8  }
0x11: {  	[smem:$0x3FAB] =	sst s9;
	s0 =	simm.s32 @!p0 $0x0  }
0x12: {  	s1 =	sld [smem:$0x3F91];
	s0 =	simm.s32 @p0 $0x1  }
0x13: {  	[smem:$0x3FAC] =	sst s0;
	s0 =	simm.s32 @!p1 $0x0  }
0x14: {  	s2 =	sld [smem:$0x3F90];
	s0 =	simm.s32 @p1 $0x1  }
0x15: {  	[smem:$0x3FAD] =	sst s0;
	s0 =	simm.s32 @!p2 $0x0  }
0x16: {  	s3 =	sld [smem:$0x3FDB];
	s0 =	simm.s32 @p2 $0x1  }
0x17: {  	s4 =	simm.s32 $0x1BF5;
	[smem:$0x3FAF] =	sst s0  }
0x18: {  	s0 =	sld [smem:$0x3F92];
	_ =	swait.ge [sflag:s4], $0x0  }
0x19: {  	s7 =	sld [smem:$0x3F93]  }
0x1a: {  	s8 =	sadd.s32 $0xFFFFE003, lr  }
0x1b: {  	s9 =	sadd.s32 $0xFFFFFEF7, lr;
	s5 =	simm.s32 $0xFFFFFFFF;
	p2 =	slt.u32 s8, $0xFFFFF086  }
0x1c: {  	p1 =	slt.u32 s9, $0xF7A;
	s5 =	simm.s32 @!p2 $0x0  }
0x1d: {  	s5 =	simm.s32 @p1 $0x1;
	p0 =	seq.s32 s7, s2  }
0x1e: {  	s7 =	smul.u32 @!p0 $0xF7A, s2;
	p2 =	seq.s32 @!p0 s5, $0x0  }
0x1f: {  	s9 =	smul.u32 $0xF7A, s1;
	s8 =	simm.s32 @!p0 $0x1BF5;
	p2 =	por !p2, p0  }
0x20: {  	[sflag:s8] =	ssyncset.s32 @!p0 $0xFFFFF086;
	s6 =	sadd.s32 @!p0 s3, s7;
	s7 =	simm.s32 @!p0 $0x108  }
0x21: {  	s3 =	sadd.s32 s3, s9;
	s6 =	sadd.s32 @!p0 $0x88, s6;
	s7 =	simm.s32 @p2 $0x1082  }
0x22: {  	[simem:s7], [sflag:s8] =	dma.local @!p0 [hbm:s6], $0xF7A  }
0x23: {  	s9 =	sor.u32 $0xD0000000, s2;
	s6 =	simm.s32 $0x108;
	_ =	swait.ge @!p0 [sflag:s8], $0x0  }
0x24: {  	s3 =	sadd.s32 $0x88, s3;
	s6 =	simm.s32 @!p1 $0x1082;
	[sflag:s4] =	ssyncset.s32 $0xFFFFF086  }
0x25: {  	[simem:s6], [sflag:s4] =	dma.local [hbm:s3], $0xF7A  }
0x26: {  	[smem:$0x3F93] =	sst s1;
	(tag) =	ssettag s2;
	_ =	strace s9  }
0x27: {  	s1 =	sld [smem:$0x3FA3]  }
0x28: {  	s2 =	sld [smem:$0x3FA4]  }
0x29: {  	s4 =	sld [smem:$0x3FA6]  }
0x2a: {  	p0 =	seq.s32 s5, $0x0;
	s5 =	sld [smem:$0x3FA7]  }
0x2b: {  	s6 =	sld [smem:$0x3FA8]  }
0x2c: {  	s7 =	sld [smem:$0x3FA9]  }
0x2d: {  	s3 =	simm.s32 $0x108;
	s8 =	sld [smem:$0x3FAA]  }
0x2e: {  	s3 =	simm.s32 @!p0 $0x1082;
	s9 =	sld [smem:$0x3FAB]  }
0x2f: {  	lr =	sadd.s32 s0, s3;
	s0 =	sld [smem:$0x3FA2]  }
0x30: {  	s3 =	sld [smem:$0x3FA5]  }
0x31: {  	[smem:$0x3FAE] =	sst s10  }
0x32: {  	s10 =	sld [smem:$0x3FAC];
	_ =	sdelay $0x3  }
0x33: {  	p0 =	seq.s32 s10, $0x1;
	s10 =	sld [smem:$0x3FAE];
	_ =	sdelay $0x3  }
0x34: {  	[smem:$0x3FAE] =	sst s10  }
0x35: {  	s10 =	sld [smem:$0x3FAD];
	_ =	sdelay $0x3  }
0x36: {  	p1 =	seq.s32 s10, $0x1;
	s10 =	sld [smem:$0x3FAE];
	_ =	sdelay $0x3  }
0x37: {  	[smem:$0x3FAE] =	sst s10  }
0x38: {  	s10 =	sld [smem:$0x3FAF]  }
0x39: {  	_ = 	snop;
	(pc) =	sbr.ind lr, $3  }
0x3a: {  	_ = 	snop  }
0x3b: {  	_ = 	snop  }
0x3c: {  	p2 =	seq.s32 s10, $0x1;
	s10 =	sld [smem:$0x3FAE]  }
0x3d: {  	_ =	shalt  }
0x3e: {  	_ =	shalt  }
0x3f: {  	_ =	shalt  }
0x40: {  	_ =	shalt  }
0x41: {  	_ =	shalt  }
0x42: {  	_ =	shalt  }
0x43: {  	_ =	shalt  }
0x44: {  	_ =	shalt  }
0x45: {  	_ =	shalt  }
0x46: {  	_ =	shalt  }
0x47: {  	_ =	shalt  }
0x48: {  	_ =	shalt  }
0x49: {  	_ =	shalt  }
0x4a: {  	_ =	shalt  }
0x4b: {  	_ =	shalt  }
0x4c: {  	_ =	shalt  }
0x4d: {  	_ =	shalt  }
0x4e: {  	_ =	shalt  }
0x4f: {  	_ =	shalt  }
0x50: {  	_ =	shalt  }
0x51: {  	_ =	shalt  }
0x52: {  	_ =	shalt  }
0x53: {  	_ =	shalt  }
0x54: {  	_ =	shalt  }
0x55: {  	_ =	shalt  }
0x56: {  	_ =	shalt  }
0x57: {  	_ =	shalt  }
0x58: {  	_ =	shalt  }
0x59: {  	_ =	shalt  }
0x5a: {  	_ =	shalt  }
0x5b: {  	_ =	shalt  }
0x5c: {  	_ =	shalt  }
0x5d: {  	_ =	shalt  }
0x5e: {  	_ =	shalt  }
0x5f: {  	_ =	shalt  }
0x60: {  	_ =	shalt  }
0x61: {  	_ =	shalt  }
0x62: {  	_ =	shalt  }
0x63: {  	_ =	shalt  }
0x64: {  	_ =	shalt  }
0x65: {  	_ =	shalt  }
0x66: {  	_ =	shalt  }
0x67: {  	_ =	shalt  }
0x68: {  	_ =	shalt  }
0x69: {  	_ =	shalt  }
0x6a: {  	_ =	shalt  }
0x6b: {  	_ =	shalt  }
0x6c: {  	_ =	shalt  }
0x6d: {  	_ =	shalt  }
0x6e: {  	_ =	shalt  }
0x6f: {  	_ =	shalt  }
0x70: {  	_ =	shalt  }
0x71: {  	_ =	shalt  }
0x72: {  	_ =	shalt  }
0x73: {  	_ =	shalt  }
0x74: {  	_ =	shalt  }
0x75: {  	_ =	shalt  }
0x76: {  	_ =	shalt  }
0x77: {  	_ =	shalt  }
0x78: {  	_ =	shalt  }
0x79: {  	_ =	shalt  }
0x7a: {  	_ =	shalt  }
0x7b: {  	_ =	shalt  }
0x7c: {  	_ =	shalt  }
0x7d: {  	_ =	shalt  }
0x7e: {  	_ =	shalt  }
0x7f: {  	_ =	shalt  }
0x80: {  	_ =	shalt  }
0x81: {  	_ =	shalt  }
0x82: {  	_ =	shalt  }
0x83: {  	_ =	shalt  }
0x84: {  	_ =	shalt  }
0x85: {  	_ =	shalt  }
0x86: {  	_ =	shalt  }
0x87: {  	_ =	shalt  }
.Lfunc_end0:
.L_simem_size_0:
called_computation_lowered:
.L_overlay_start_0:
0x88: {  	s2 =	sld [smem:$0x3FD9]  }
0x89: {  	s3 =	sld [smem:$0x3FFE];
	_ =	sdelay $0x1  }
0x8a: {  	s1 =	srdreg.scid  }
0x8b: {  	s0 =	sand.u32 $0x1, s1  }
0x8c: {  	s17 =	sshll.u32 s0, $0xA;
	s2 =	sadd.s32 s3, s2  }
0x8d: {  	s2 =	sadd.s32 s2, s17  }
0x8e: {  	[smem:$0x3FBA] =	sst s2  }
0x8f: {  	_ = 	snop  }
0x90: {  	s2 =	sld [smem:$0x3FD0];
	(tm) =	ssettm $0x1  }
0x91: {  	s18 =	sld [smem:$0x3FFB];
	_ =	sdelay $0x3  }
0x92: {  	_ =	strace s18  }
0x93: {  	s3 =	sld [smem:$0x3FFC];
	_ =	sdelay $0x3  }
0x94: {  	_ =	strace s3  }
0x95: {  	s3 =	sld [smem:$0x3FFD];
	_ =	sdelay $0x3  }
0x96: {  	_ =	strace s3  }
0x97: {  	_ =	strace $0x8FFFFFFF  }
0x98: {  	s19 =	sld [smem:$0x3FDB];
	_ =	sdelay $0x1  }
0x99: {  	s4 =	simm.s32 $_scs_section_size  }
0x9a: {  	s5 =	simm.s32 $_size__tile_overlayer_lowered;
	s6 =	simm.s32 $_tile_overlayer_lowered  }
0x9b: {  	s22 =	simm.s32 $0x1BFF;
	s21 =	sshll.u32 s6, $0x1;
	s3 =	sadd.s32 s4, s19  }
0x9c: {  	s7 =	simm.s32 $0x0;
	s20 =	sshll.u32 s5, $0x1;
	s5 =	sadd.s32 s21, s3  }
0x9d: {  	[timem:s7], [sflag:s22] =	dma.local [hbm:s5], s20  }
0x9e: {  	_ =	swait.ge [sflag:s22], s20  }
0x9f: {  	s4 =	ssub.s32 $0x0, s20;
	[sflag:s22] =	ssyncset.done $0x0  }
0xa0: {  	[sflag:s22] =	ssyncadd.s32 s4;
	_ =	sdelay $0x1  }
0xa1: {  	s23 =	simm.s32 $0x1B8B  }
0xa2: {  	_ =	swait.ge [sflag:s23], $0x1  }
0xa3: {  	[sflag:s23] =	ssyncset.done $0x0  }
0xa4: {  	s25 =	simm.s32 $0x1B8E;
	s24 =	sld [smem:$0x3FFE];
	[sflag:s23] =	ssyncadd.s32 $0xFFFFFFFF  }
0xa5: {  	s26 =	simm.s32 $execute0_lowered;
	[smem:$0x3FD2] =	sst s25  }
0xa6: {  	s5 =	sshll.u32 s26, $0x1;
	_ =	strace $0x80000046;
	[dreg:$0x1] =	wrdreg $0xFFFFFFFF  }
0xa7: {  	s28 =	simm.s32 $_size_execute0_lowered;
	s3 =	sadd.s32 s3, s5;
	[dreg:$0x0] =	wrdreg $0x0  }
0xa8: {  	s5 =	sshll.u32 s28, $0x1;
	[dreg:$0x2] =	wrdreg s3  }
0xa9: {  	[dreg:$0x3] =	wrdreg s5  }
0xaa: {  	[dreg:$0x4] =	wrdreg $0xC0  }
0xab: {  	_ =	task [dreg:s7], $0x5FFFF  }
0xac: {  	[dreg:$0x1] =	wrdreg $0xFFFFFFFF  }
0xad: {  	[dreg:$0x0] =	wrdreg $0x60  }
0xae: {  	[dreg:$0x2] =	wrdreg s24  }
0xaf: {  	[dreg:$0x3] =	wrdreg s2  }
0xb0: {  	[dreg:$0x4] =	wrdreg $0xA5000  }
0xb1: {  	[dreg:$0x5] =	wrdreg $0xA7800  }
0xb2: {  	[dreg:$0x6] =	wrdreg $0xA2800  }
0xb3: {  	[dreg:$0x7] =	wrdreg $0x9  }
0xb4: {  	_ =	task.clear_ibuf [dreg:s7], $0x8FFFF;
	_ =	strace $0x90000046  }
0xb5: {  	s29 =	simm.s32 $0x9;
	_ =	strace $0x80000048  }
0xb6: {  	_ =	swait.ge [sflag:s29], $0x1  }
0xb7: {  	[sflag:s29] =	ssyncadd.s32 $0xFFFFFFFF  }
0xb8: {  	_ =	strace $0x90000048  }
0xb9: {  	_ =	sfence  }
0xba: {  	s30 =	sld [smem:$0x0];
	_ =	sdelay $0x2  }
0xbb: {  	s31 =	sshll.u32 s1, $0xD;
	s1 =	sshrl.u32 s1, $0x2  }
0xbc: {  	s3 =	sand.u32 $0x4000, s31;
	s1 =	sadd.s32 s1, s30  }
0xbd: {  	s0 =	sor.u32 s3, s0;
	s1 =	sshll.u32 s1, $0x11  }
0xbe: {  	s0 =	sor.u32 s1, s0  }
0xbf: {  	s0 =	sadd.s32 $0x8F2B, s0  }
0xc0: {  	[sflag:s0] =	ssyncadd.remote.s32 $0x1  }
0xc1: {  	_ =	sfence.sel $0xFFFF  }
0xc2: {  	[dreg:$0x0] =	wrdreg $0xFFFFFFFF;
	(pc) =	sbr.abs _section_cstart, $3  }
0xc3: {  	[dreg:$0x1] =	wrdreg $0xFFFFFFFF  }
0xc4: {  	_ =	task.clear_ibuf [dreg:s7], $0x2FFFF;
	_ =	strace $0x9FFFFFFF  }
0xc5: {  	(tm) =	ssettm $0x7FFFFFFF  }
tec
execute0_lowered:
.L_overlay_start_1:
0x0: {  	(tag) =	ssettag $0x1  }
0x1: {  	s1 =	rddreg [dreg:$0x0]  }
0x2: {  	s10 =	rddreg [dreg:$0x1]  }
0x3: {  	s0 =	rddreg [dreg:$0x2]  }
0x4: {  	s3 =	srdreg.scid;
	s12 =	stileid.u32  }
0x5: {  	s2 =	rddreg [dreg:$0x3];
	s16 =	simm.s32 $0xA200;
	s17 =	simm.s32 $0x6  }
0x6: {  	s19 =	simm.s32 $0x80;
	s20 =	simm.s32 $0xA000;
	s21 =	simm.s32 $0xA080  }
0x7: {  	s22 =	simm.s32 $0xA100;
	s23 =	simm.s32 $0xA180;
	s24 =	simm.s32 $0x1  }
0x8: {  	s25 =	simm.s32 $0x2;
	s28 =	simm.s32 $0x4;
	s29 =	simm.s32 $0x5  }
0x9: {  	s30 =	simm.s32 $0x0;
	s7 =	sand.u32 $0x1, s3;
	s4 =	sshll.u32 s12, $0x1  }
0xa: {  	s3 =	rddreg [dreg:$0x4];
	s26 =	sadd.s32 $0x3E00, s1;
	s31 =	sadd.s32 $0x2C400, s1  }
0xb: {  	p0 =	sne.s32 s12, $0x0;
	s5 =	sor.u32 s7, s4;
	s4 =	simm.s32 $0x0  }
0xc: {  	s11 =	sshll.u32 s7, $0x4;
	s8 =	ssub.s32 $0x2, s7;
	s7 =	sadd.s32 $0x2C600, s1  }
0xd: {  	s14 =	sshrl.u32 @!p0 s2, $0x3;
	s15 =	sshrl.u32 @!p0 s3, $0x3;
	[smem:$0x7FF] =	sst s4  }
0xe: {  	s5 =	smul.u32 $0xA00, s5;
	_ =	strace $0x80000047;
	[dreg:$0x6] =	wrdreg s26  }
0xf: {  	s13 =	sshrl.u32 s8, $0x1;
	s10 =	sadd.s32 s10, s11;
	[dreg:$0x7] =	wrdreg s31  }
0x10: {  	s13 =	ssub.s32 s8, s13;
	s26 =	simm.s32 $0x3;
	s9 =	sadd.s32 s5, s1  }
0x11: {  	s1 =	sadd.s32 s11, s1;
	s12 =	smax.u32 s13, $0x1;
	s13 =	sshrl.u32 @!p0 s0, $0x3  }
0x12: {  	s8 =	sadd.s32 $0x18400, s9;
	s9 =	sadd.s32 $0x4400, s9;
	s11 =	sadd.s32 $0x2CC00, s1  }
.LBB2_1:
0x13: {  	s1 =	simm.s32 @!p0 $0x1C06;
	s18 =	simm.s32 @!p0 $0x6  }
0x14: {  	[spmem:s13], [sflag:s1] =	dma.local @!p0 [hbm:s7], $0x500  }
0x15: {  	_ =	swait.ge @!p0 [sflag:s18], $0x500  }
0x16: {  	[sflag:s18] =	ssyncset.done @!p0 $0x0  }
0x17: {  	[sflag:s18] =	ssyncadd.s32 @!p0 $0xFFFFFB00  }
0x18: {  	[spmem:s14], [sflag:s1] =	dma.local @!p0 [hbm:s7], $0x500  }
0x19: {  	_ =	swait.ge @!p0 [sflag:s18], $0x500  }
0x1a: {  	[sflag:s18] =	ssyncset.done @!p0 $0x0  }
0x1b: {  	s5 =	rddreg [dreg:$0x6];
	[sflag:s18] =	ssyncadd.s32 @!p0 $0xFFFFFB00  }
0x1c: {  	[spmem:s15], [sflag:s1] =	dma.local @!p0 [hbm:s5], $0x500  }
0x1d: {  	_ =	swait.ge @!p0 [sflag:s18], $0x500  }
0x1e: {  	[sflag:s18] =	ssyncset.done @!p0 $0x0  }
0x1f: {  	[sflag:s18] =	ssyncadd.s32 @!p0 $0xFFFFFB00;
	s18 =	rddreg [dreg:$0x7]  }
0x20: {  	[tilespmem:s16], [sflag:$0x6] =	stream.linear.gather [hbm4b:s18+s4], $0x80, $0x38;
	[tilespmem:$0xAA00] =	vst v63  }
0x21: {  	_ =	swait.ge [sflag:s17], $0x80  }
0x22: {  	[sflag:s17] =	ssyncset.done $0x0  }
0x23: {  	[sflag:s17] =	ssyncadd.s32 $0xFFFFFF80  }
0x24: {  	[tilespmem:s4], [sflag:$0x6] =	stream.linear.gather [hbm4b:s8+s4], $0x5000, $0x38;
	[tilespmem:$0xAA00] =	vst v63  }
0x25: {  	_ =	swait.ge [sflag:s17], $0x5000  }
0x26: {  	[sflag:s17] =	ssyncset.done $0x0  }
0x27: {  	s5 =	simm.s32 $0x5000;
	[sflag:s17] =	ssyncadd.s32 $0xFFFFB000  }
0x28: {  	[tilespmem:s5], [sflag:$0x6] =	stream.linear.gather [hbm4b:s9+s4], $0x5000, $0x38;
	[tilespmem:$0xAA00] =	vst v63  }
0x29: {  	_ =	swait.ge [sflag:s17], $0x5000  }
0x2a: {  	[sflag:s17] =	ssyncset.done $0x0  }
0x2b: {  	[sflag:s17] =	ssyncadd.s32 $0xFFFFB000  }
0x2c: {  	s6 =	simm.s32 $0x0;
	[bflag:$0x0] =	sbarrier.arrive $0xFFFF  }
0x2d: {  	[tilespmem:s20], [sflag:$0x1] =	stream.indirect.gather [spmem:s3], $0x1, s6, s19, $0xb8;
	[tilespmem:$0xAA00] =	vst v63  }
0x2e: {  	s18 =	simm.s32 $0x80  }
0x2f: {  	[tilespmem:s21], [sflag:$0x2] =	stream.indirect.gather [spmem:s3], $0x1, s18, s19, $0xb8;
	[tilespmem:$0xAA00] =	vst v63  }
0x30: {  	s5 =	simm.s32 $0x100  }
0x31: {  	[tilespmem:s22], [sflag:$0x3] =	stream.indirect.gather [spmem:s3], $0x1, s5, s19, $0xb8;
	[tilespmem:$0xAA00] =	vst v63  }
0x32: {  	s6 =	simm.s32 $0x180  }
0x33: {  	[tilespmem:s23], [sflag:$0x4] =	stream.indirect.gather [spmem:s3], $0x1, s6, s19, $0xb8;
	[tilespmem:$0xAA00] =	vst v63  }
0x34: {  	_ =	swait.ge [sflag:s24], $0x80  }
0x35: {  	[sflag:s24] =	ssyncset.done $0x0  }
0x36: {  	s18 =	simm.s32 $0x5000;
	[sflag:s24] =	ssyncadd.s32 $0xFFFFFF80  }
0x37: {  	[spmem:s0] =	stream.indirect.scatter.add.f32 [tilespmem:s20], [sflag:$0x5], $0x1, s18, s19, $0xb8;
	[tilespmem:$0xAA00] =	vst v63  }
0x38: {  	_ = 	snop  }
0x39: {  	[spmem:s2] =	stream.indirect.scatter.add.f32 [tilespmem:s16], [sflag:$0x5], $0x1, s18, s19, $0xb8;
	[tilespmem:$0xAA00] =	vst v63  }
0x3a: {  	_ =	swait.ge [sflag:s25], $0x80  }
0x3b: {  	[sflag:s25] =	ssyncset.done $0x0  }
0x3c: {  	s5 =	simm.s32 $0x5080;
	[sflag:s25] =	ssyncadd.s32 $0xFFFFFF80  }
0x3d: {  	[spmem:s0] =	stream.indirect.scatter.add.f32 [tilespmem:s21], [sflag:$0x5], $0x1, s5, s19, $0xb8;
	[tilespmem:$0xAA00] =	vst v63  }
0x3e: {  	_ = 	snop  }
0x3f: {  	[spmem:s2] =	stream.indirect.scatter.add.f32 [tilespmem:s16], [sflag:$0x5], $0x1, s5, s19, $0xb8;
	[tilespmem:$0xAA00] =	vst v63  }
0x40: {  	_ =	swait.ge [sflag:s26], $0x80  }
0x41: {  	[sflag:s26] =	ssyncset.done $0x0  }
0x42: {  	s6 =	simm.s32 $0x5100;
	[sflag:s26] =	ssyncadd.s32 $0xFFFFFF80  }
0x43: {  	[spmem:s0] =	stream.indirect.scatter.add.f32 [tilespmem:s22], [sflag:$0x5], $0x1, s6, s19, $0xb8;
	[tilespmem:$0xAA00] =	vst v63  }
0x44: {  	_ = 	snop  }
0x45: {  	[spmem:s2] =	stream.indirect.scatter.add.f32 [tilespmem:s16], [sflag:$0x5], $0x1, s6, s19, $0xb8;
	[tilespmem:$0xAA00] =	vst v63  }
0x46: {  	_ =	swait.ge [sflag:s28], $0x80  }
0x47: {  	[sflag:s28] =	ssyncset.done $0x0  }
0x48: {  	s18 =	simm.s32 $0x5180;
	[sflag:s28] =	ssyncadd.s32 $0xFFFFFF80  }
0x49: {  	[spmem:s0] =	stream.indirect.scatter.add.f32 [tilespmem:s23], [sflag:$0x5], $0x1, s18, s19, $0xb8;
	[tilespmem:$0xAA00] =	vst v63  }
0x4a: {  	_ = 	snop  }
0x4b: {  	[spmem:s2] =	stream.indirect.scatter.add.f32 [tilespmem:s16], [sflag:$0x5], $0x1, s18, s19, $0xb8;
	[tilespmem:$0xAA00] =	vst v63  }
0x4c: {  	_ =	swait.ge [sflag:s29], $0x80  }
0x4d: {  	[sflag:s29] =	ssyncset.done $0x0  }
0x4e: {  	[sflag:s29] =	ssyncadd.s32 $0xFFFFFF80  }
0x4f: {  	_ =	swait.ge [sflag:s29], $0x80  }
0x50: {  	[sflag:s29] =	ssyncset.done $0x0  }
0x51: {  	[sflag:s29] =	ssyncadd.s32 $0xFFFFFF80  }
0x52: {  	_ =	swait.ge [sflag:s29], $0x80  }
0x53: {  	[sflag:s29] =	ssyncset.done $0x0  }
0x54: {  	[sflag:s29] =	ssyncadd.s32 $0xFFFFFF80  }
0x55: {  	_ =	swait.ge [sflag:s29], $0x80  }
0x56: {  	[sflag:s29] =	ssyncset.done $0x0  }
0x57: {  	[sflag:s29] =	ssyncadd.s32 $0xFFFFFF80  }
0x58: {  	_ =	swait.ge [sflag:s29], $0x80  }
0x59: {  	[sflag:s29] =	ssyncset.done $0x0  }
0x5a: {  	[sflag:s29] =	ssyncadd.s32 $0xFFFFFF80  }
0x5b: {  	_ =	swait.ge [sflag:s29], $0x80  }
0x5c: {  	[sflag:s29] =	ssyncset.done $0x0  }
0x5d: {  	[sflag:s29] =	ssyncadd.s32 $0xFFFFFF80  }
0x5e: {  	_ =	swait.ge [sflag:s29], $0x80  }
0x5f: {  	[sflag:s29] =	ssyncset.done $0x0  }
0x60: {  	[sflag:s29] =	ssyncadd.s32 $0xFFFFFF80  }
0x61: {  	_ =	swait.ge [sflag:s29], $0x80  }
0x62: {  	s31 =	simm.s32 $0x800;
	s1 =	simm.s32 $0x1000;
	[sflag:s29] =	ssyncset.done $0x0  }
.LBB2_2:
0x63: {  	s5 =	sshra.s32 s31, $0x2  }
0x64: {  	[sflag:s29] =	ssyncadd.s32 $0xFFFFFF80;
	s31 =	smov.u32 s1;
	s18 =	sadd.s32 $0x800, s1  }
0x65: {  	[tilespmem:s20], [sflag:$0x1] =	stream.indirect.gather [spmem:s3], $0x1, s5, s19, $0xb8;
	[tilespmem:$0xAA00] =	vst v63  }
0x66: {  	p1 =	sne.s32 s1, $0x13800;
	s1 =	sadd.s32 $0x80, s5  }
0x67: {  	[tilespmem:s21], [sflag:$0x2] =	stream.indirect.gather [spmem:s3], $0x1, s1, s19, $0xb8;
	[tilespmem:$0xAA00] =	vst v63  }
0x68: {  	s1 =	sadd.s32 $0x100, s5  }
0x69: {  	[tilespmem:s22], [sflag:$0x3] =	stream.indirect.gather [spmem:s3], $0x1, s1, s19, $0xb8;
	[tilespmem:$0xAA00] =	vst v63  }
0x6a: {  	s1 =	sadd.s32 $0x180, s5  }
0x6b: {  	[tilespmem:s23], [sflag:$0x4] =	stream.indirect.gather [spmem:s3], $0x1, s1, s19, $0xb8;
	[tilespmem:$0xAA00] =	vst v63  }
0x6c: {  	_ =	swait.ge [sflag:s24], $0x80  }
0x6d: {  	[sflag:s24] =	ssyncset.done $0x0  }
0x6e: {  	s1 =	sadd.s32 $0x5000, s5;
	[sflag:s24] =	ssyncadd.s32 $0xFFFFFF80  }
0x6f: {  	[spmem:s0] =	stream.indirect.scatter.add.f32 [tilespmem:s20], [sflag:$0x5], $0x1, s1, s19, $0xb8;
	[tilespmem:$0xAA00] =	vst v63  }
0x70: {  	_ = 	snop  }
0x71: {  	[spmem:s2] =	stream.indirect.scatter.add.f32 [tilespmem:s16], [sflag:$0x5], $0x1, s1, s19, $0xb8;
	[tilespmem:$0xAA00] =	vst v63  }
0x72: {  	_ =	swait.ge [sflag:s25], $0x80  }
0x73: {  	[sflag:s25] =	ssyncset.done $0x0  }
0x74: {  	s1 =	sadd.s32 $0x5080, s5;
	[sflag:s25] =	ssyncadd.s32 $0xFFFFFF80  }
0x75: {  	[spmem:s0] =	stream.indirect.scatter.add.f32 [tilespmem:s21], [sflag:$0x5], $0x1, s1, s19, $0xb8;
	[tilespmem:$0xAA00] =	vst v63  }
0x76: {  	_ = 	snop  }
0x77: {  	[spmem:s2] =	stream.indirect.scatter.add.f32 [tilespmem:s16], [sflag:$0x5], $0x1, s1, s19, $0xb8;
	[tilespmem:$0xAA00] =	vst v63  }
0x78: {  	_ =	swait.ge [sflag:s26], $0x80  }
0x79: {  	[sflag:s26] =	ssyncset.done $0x0  }
0x7a: {  	s1 =	sadd.s32 $0x5100, s5;
	[sflag:s26] =	ssyncadd.s32 $0xFFFFFF80  }
0x7b: {  	[spmem:s0] =	stream.indirect.scatter.add.f32 [tilespmem:s22], [sflag:$0x5], $0x1, s1, s19, $0xb8;
	[tilespmem:$0xAA00] =	vst v63  }
0x7c: {  	_ = 	snop  }
0x7d: {  	[spmem:s2] =	stream.indirect.scatter.add.f32 [tilespmem:s16], [sflag:$0x5], $0x1, s1, s19, $0xb8;
	[tilespmem:$0xAA00] =	vst v63  }
0x7e: {  	_ =	swait.ge [sflag:s28], $0x80  }
0x7f: {  	[sflag:s28] =	ssyncset.done $0x0  }
0x80: {  	s1 =	sadd.s32 $0x5180, s5;
	[sflag:s28] =	ssyncadd.s32 $0xFFFFFF80  }
0x81: {  	[spmem:s0] =	stream.indirect.scatter.add.f32 [tilespmem:s23], [sflag:$0x5], $0x1, s1, s19, $0xb8;
	[tilespmem:$0xAA00] =	vst v63  }
0x82: {  	_ = 	snop  }
0x83: {  	[spmem:s2] =	stream.indirect.scatter.add.f32 [tilespmem:s16], [sflag:$0x5], $0x1, s1, s19, $0xb8;
	[tilespmem:$0xAA00] =	vst v63  }
0x84: {  	_ =	swait.ge [sflag:s29], $0x80  }
0x85: {  	[sflag:s29] =	ssyncset.done $0x0  }
0x86: {  	[sflag:s29] =	ssyncadd.s32 $0xFFFFFF80  }
0x87: {  	_ =	swait.ge [sflag:s29], $0x80  }
0x88: {  	[sflag:s29] =	ssyncset.done $0x0  }
0x89: {  	[sflag:s29] =	ssyncadd.s32 $0xFFFFFF80  }
0x8a: {  	_ =	swait.ge [sflag:s29], $0x80  }
0x8b: {  	[sflag:s29] =	ssyncset.done $0x0  }
0x8c: {  	[sflag:s29] =	ssyncadd.s32 $0xFFFFFF80  }
0x8d: {  	_ =	swait.ge [sflag:s29], $0x80  }
0x8e: {  	[sflag:s29] =	ssyncset.done $0x0  }
0x8f: {  	[sflag:s29] =	ssyncadd.s32 $0xFFFFFF80  }
0x90: {  	_ =	swait.ge [sflag:s29], $0x80  }
0x91: {  	[sflag:s29] =	ssyncset.done $0x0  }
0x92: {  	[sflag:s29] =	ssyncadd.s32 $0xFFFFFF80  }
0x93: {  	_ =	swait.ge [sflag:s29], $0x80  }
0x94: {  	[sflag:s29] =	ssyncset.done $0x0  }
0x95: {  	[sflag:s29] =	ssyncadd.s32 $0xFFFFFF80  }
.Ltmp0:
0x96: {  	_ =	swait.ge [sflag:s29], $0x80;
	(pc) =	sbr.rel @p1 .LBB2_2-.Ltmp0, $4  }
0x97: {  	[sflag:s29] =	ssyncset.done $0x0  }
0x98: {  	[sflag:s29] =	ssyncadd.s32 $0xFFFFFF80  }
0x99: {  	_ =	swait.ge [sflag:s29], $0x80  }
0x9a: {  	s1 =	smov.u32 s18;
	[sflag:s29] =	ssyncset.done $0x0  }
0x9b: {  	s1 =	sshra.s32 s31, $0x2;
	[sflag:s29] =	ssyncadd.s32 $0xFFFFFF80  }
0x9c: {  	[tilespmem:s20], [sflag:$0x1] =	stream.indirect.gather [spmem:s3], $0x1, s1, s19, $0xb8;
	[tilespmem:$0xAA00] =	vst v63  }
0x9d: {  	s5 =	sadd.s32 $0x80, s1  }
0x9e: {  	[tilespmem:s21], [sflag:$0x2] =	stream.indirect.gather [spmem:s3], $0x1, s5, s19, $0xb8;
	[tilespmem:$0xAA00] =	vst v63  }
0x9f: {  	s18 =	sadd.s32 $0x100, s1  }
0xa0: {  	[tilespmem:s22], [sflag:$0x3] =	stream.indirect.gather [spmem:s3], $0x1, s18, s19, $0xb8;
	[tilespmem:$0xAA00] =	vst v63  }
0xa1: {  	s31 =	sadd.s32 $0x180, s1  }
0xa2: {  	[tilespmem:s23], [sflag:$0x4] =	stream.indirect.gather [spmem:s3], $0x1, s31, s19, $0xb8;
	[tilespmem:$0xAA00] =	vst v63  }
0xa3: {  	_ =	swait.ge [sflag:s24], $0x80  }
0xa4: {  	[sflag:s24] =	ssyncset.done $0x0  }
0xa5: {  	s6 =	sadd.s32 $0x5000, s1;
	[sflag:s24] =	ssyncadd.s32 $0xFFFFFF80  }
0xa6: {  	[spmem:s0] =	stream.indirect.scatter.add.f32 [tilespmem:s20], [sflag:$0x5], $0x1, s6, s19, $0xb8;
	[tilespmem:$0xAA00] =	vst v63  }
0xa7: {  	_ = 	snop  }
0xa8: {  	[spmem:s2] =	stream.indirect.scatter.add.f32 [tilespmem:s16], [sflag:$0x5], $0x1, s6, s19, $0xb8;
	[tilespmem:$0xAA00] =	vst v63  }
0xa9: {  	_ =	swait.ge [sflag:s25], $0x80  }
0xaa: {  	[sflag:s25] =	ssyncset.done $0x0  }
0xab: {  	s18 =	sadd.s32 $0x5080, s1;
	[sflag:s25] =	ssyncadd.s32 $0xFFFFFF80  }
0xac: {  	[spmem:s0] =	stream.indirect.scatter.add.f32 [tilespmem:s21], [sflag:$0x5], $0x1, s18, s19, $0xb8;
	[tilespmem:$0xAA00] =	vst v63  }
0xad: {  	_ = 	snop  }
0xae: {  	[spmem:s2] =	stream.indirect.scatter.add.f32 [tilespmem:s16], [sflag:$0x5], $0x1, s18, s19, $0xb8;
	[tilespmem:$0xAA00] =	vst v63  }
0xaf: {  	_ =	swait.ge [sflag:s26], $0x80  }
0xb0: {  	[sflag:s26] =	ssyncset.done $0x0  }
0xb1: {  	s31 =	sadd.s32 $0x5100, s1;
	[sflag:s26] =	ssyncadd.s32 $0xFFFFFF80  }
0xb2: {  	[spmem:s0] =	stream.indirect.scatter.add.f32 [tilespmem:s22], [sflag:$0x5], $0x1, s31, s19, $0xb8;
	[tilespmem:$0xAA00] =	vst v63  }
0xb3: {  	_ = 	snop  }
0xb4: {  	[spmem:s2] =	stream.indirect.scatter.add.f32 [tilespmem:s16], [sflag:$0x5], $0x1, s31, s19, $0xb8;
	[tilespmem:$0xAA00] =	vst v63  }
0xb5: {  	_ =	swait.ge [sflag:s28], $0x80  }
0xb6: {  	[sflag:s28] =	ssyncset.done $0x0  }
0xb7: {  	s1 =	sadd.s32 $0x5180, s1;
	[sflag:s28] =	ssyncadd.s32 $0xFFFFFF80  }
0xb8: {  	[spmem:s0] =	stream.indirect.scatter.add.f32 [tilespmem:s23], [sflag:$0x5], $0x1, s1, s19, $0xb8;
	[tilespmem:$0xAA00] =	vst v63  }
0xb9: {  	_ = 	snop  }
0xba: {  	[spmem:s2] =	stream.indirect.scatter.add.f32 [tilespmem:s16], [sflag:$0x5], $0x1, s1, s19, $0xb8;
	[tilespmem:$0xAA00] =	vst v63  }
0xbb: {  	_ =	swait.ge [sflag:s29], $0x80  }
0xbc: {  	[sflag:s29] =	ssyncset.done $0x0  }
0xbd: {  	[sflag:s29] =	ssyncadd.s32 $0xFFFFFF80  }
0xbe: {  	_ =	swait.ge [sflag:s29], $0x80  }
0xbf: {  	[sflag:s29] =	ssyncset.done $0x0  }
0xc0: {  	[sflag:s29] =	ssyncadd.s32 $0xFFFFFF80  }
0xc1: {  	_ =	swait.ge [sflag:s29], $0x80  }
0xc2: {  	[sflag:s29] =	ssyncset.done $0x0  }
0xc3: {  	[sflag:s29] =	ssyncadd.s32 $0xFFFFFF80  }
0xc4: {  	_ =	swait.ge [sflag:s29], $0x80  }
0xc5: {  	[sflag:s29] =	ssyncset.done $0x0  }
0xc6: {  	[sflag:s29] =	ssyncadd.s32 $0xFFFFFF80  }
0xc7: {  	_ =	swait.ge [sflag:s29], $0x80  }
0xc8: {  	[sflag:s29] =	ssyncset.done $0x0  }
0xc9: {  	[sflag:s29] =	ssyncadd.s32 $0xFFFFFF80  }
0xca: {  	_ =	swait.ge [sflag:s29], $0x80  }
0xcb: {  	[sflag:s29] =	ssyncset.done $0x0  }
0xcc: {  	[sflag:s29] =	ssyncadd.s32 $0xFFFFFF80  }
0xcd: {  	_ =	swait.ge [sflag:s29], $0x80  }
0xce: {  	[sflag:s29] =	ssyncset.done $0x0  }
0xcf: {  	[sflag:s29] =	ssyncadd.s32 $0xFFFFFF80  }
0xd0: {  	_ =	swait.ge [sflag:s29], $0x80  }
0xd1: {  	s5 =	simm.s32 @!p0 $0x20;
	[sflag:s29] =	ssyncset.done $0x0  }
0xd2: {  	s6 =	simm.s32 @!p0 $0x6;
	s18 =	simm.s32 @!p0 $0x10;
	[sflag:s29] =	ssyncadd.s32 $0xFFFFFF80  }
0xd3: {  	s31 =	simm.s32 @!p0 $0x1C06;
	s1 =	simm.s32 @!p0 $0x1;
	[bflag:$0x0] =	sbarrier.arrive $0xFFFF  }
0xd4: {  	[hbm:s10@s5], [sflag:s31] =	dma.strided @!p0 [spmem:s13@s18], $0x500, s1, $0x10   }
0xd5: {  	s30 =	sadd.s32 $0x1, s30;
	_ =	swait.ge @!p0 [sflag:s6], $0x500  }
0xd6: {  	p1 =	sne.s32 s30, s12;
	[sflag:s6] =	ssyncset.done @!p0 $0x0  }
.Ltmp1:
0xd7: {  	[sflag:s6] =	ssyncadd.s32 @!p0 $0xFFFFFB00;
	(pc) =	sbr.rel @p1 .LBB2_1-.Ltmp1, $4  }
0xd8: {  	[hbm:s11@s5], [sflag:s31] =	dma.strided @!p0 [spmem:s14@s18], $0x500, s1, $0x10   }
0xd9: {  	_ =	swait.ge @!p0 [sflag:s6], $0x500  }
0xda: {  	[sflag:s6] =	ssyncset.done @!p0 $0x0  }
0xdb: {  	[sflag:s6] =	ssyncadd.s32 @!p0 $0xFFFFFB00  }
0xdc: {  	_ =	sfence.sel $0x180000  }
0xdd: {  	[bflag:$0x0] =	sbarrier.arrive $0xFFFF  }
0xde: {  	_ =	strace $0x90000047  }
0xdf: {  	[bflag:$0x2] =	sbarrier.arrive $0xFFFF  }
0xe0: {  	s0 =	rddreg [dreg:$0x5]  }
0xe1: {  	s0 =	sadd.s32 @!p0 $0x100000, s0  }
0xe2: {  	[sflag:s0] =	ssyncadd.tile.s32 @!p0 $0x1;
	_ =	shalt  }
.Lfunc_end2:
_tile_overlayer_lowered:
.L_overlay_start_2:
0xe3: {  	(tag) =	ssettag $0x2  }
0xe4: {  	s0 =	rddreg [dreg:$0x0];
	s2 =	stileid.u32  }
0xe5: {  	s1 =	rddreg [dreg:$0x1];
	p0 =	sne.s32 s2, $0x0  }
0xe6: {  	s3 =	rddreg [dreg:$0x2];
	[bflag:$0x3] =	sbarrier.arrive $0xFFFF;
	s2 =	simm.s32 @!p0 $0x1C06  }
0xe7: {  	[timem:s3], [sflag:s2] =	dma.local @!p0 [hbm:s0], s1  }
0xe8: {  	s0 =	simm.s32 @!p0 $0x6  }
0xe9: {  	_ =	swait.ge @!p0 [sflag:s0], s1  }
0xea: {  	s1 =	ssub.s32 @!p0 $0x0, s1;
	[sflag:s0] =	ssyncset.done @!p0 $0x0  }
0xeb: {  	[sflag:s0] =	ssyncadd.s32 @!p0 s1  }
0xec: {  	[bflag:$0x3] =	sbarrier.arrive $0xFFFF  }
0xed: {  	_ =	shalt  }

</sc_bundles>
